<compile_context>
chip_gen: v7x
topology: tpu7x:2x2x1
jax: 0.10.2.dev20260603
libtpu: 0.0.44.dev20260713+nightly
codegen_flags: <defaults>
</compile_context>

<pallas_src>
import functools

import jax
import jax.numpy as jnp
from jax import lax
from jax.experimental import pallas as pl
from jax.experimental.pallas import tpu as pltpu
from jax.experimental.pallas import tpu_sc as plsc

N = 10000
E = 320000
D = 128

NC = 2
NS = 16
DH = D // NC
EPT = E // NS
CHUNK = 128
NBUF = 4
NCH = 160
EPT_P = NCH * CHUNK
ACC_ROWS = 10240
ZRON = ACC_ROWS // NS // CHUNK
OUT_PER_TILE = ACC_ROWS // NS


def _sc_body(with_deg, *refs):
    if with_deg:
        (xs_hbm, srcp_hbm, dstp_hbm, out_hbm, deg_hbm,
         sidx_v, didx_v, ones_v, zero16_v, acc_sh, deg_sh) = refs[:11]
        ring = refs[11:]
    else:
        (xs_hbm, srcp_hbm, dstp_hbm, out_hbm,
         sidx_v, didx_v, acc_sh) = refs[:7]
        ring = refs[7:]
    rows = ring[:NBUF]
    gs = ring[NBUF:2 * NBUF]
    ss = ring[2 * NBUF:3 * NBUF]

    c = lax.axis_index("c")
    s = lax.axis_index("s")

    def fill_row(i, _):
        def fill_col(j, _):
            rows[0][i, pl.ds(j * 16, 16)] = jnp.zeros((16,), jnp.float32)
            return 0
        lax.fori_loop(0, DH // 16, fill_col, 0)
        if with_deg:
            ones_v[i] = jnp.ones((16,), jnp.float32)
        return 0
    lax.fori_loop(0, CHUNK, fill_row, 0)

    if with_deg:
        def fill_z16(i, _):
            zero16_v[i] = jnp.zeros((16,), jnp.float32)
            return 0
        lax.fori_loop(0, CHUNK, fill_z16, 0)

    pltpu.sync_copy(srcp_hbm.at[s], sidx_v)
    pltpu.sync_copy(dstp_hbm.at[s], didx_v)

    def gather(j, b):
        return pltpu.async_copy(xs_hbm.at[c].at[sidx_v.at[j]], rows[b], gs[b])

    def gather_wait(j, b):
        pltpu.make_async_copy(xs_hbm.at[c].at[sidx_v.at[j]], rows[b],
                              gs[b]).wait()

    def scat_wait(j, b):
        pltpu.make_async_copy(rows[b], acc_sh.at[didx_v.at[j]], ss[b]).wait()

    for b in range(1, NBUF):
        gather(b, b)

    zbase = s * OUT_PER_TILE
    for b in range(ZRON):
        pltpu.sync_copy(rows[0], acc_sh.at[pl.ds(zbase + b * CHUNK, CHUNK)])
    if with_deg:
        for b in range(ZRON):
            pltpu.sync_copy(zero16_v,
                            deg_sh.at[pl.ds(zbase + b * CHUNK, CHUNK)])
    gather(0, 0)
    plsc.subcore_barrier()

    def group(g, _):
        for b in range(NBUF):
            j = NBUF * g + b
            gather_wait(j, b)
            pltpu.async_copy(rows[b], acc_sh.at[didx_v.at[j]], ss[b], add=True)
            if with_deg:
                @pl.when(c == b % 2)
                def _():
                    pltpu.sync_copy(ones_v, deg_sh.at[didx_v.at[j]], add=True)
            nb = (b + NBUF - 1) % NBUF

            @pl.when(j >= 1)
            def _():
                scat_wait(j - 1, nb)
                gather(j + NBUF - 1, nb)
        return 0
    lax.fori_loop(0, NCH // NBUF - 1, group, 0)

    scat_wait(NCH - NBUF - 1, NBUF - 1)
    gather(NCH - 1, NBUF - 1)
    for b in range(NBUF):
        j = NCH - NBUF + b
        gather_wait(j, b)
        pltpu.sync_copy(rows[b], acc_sh.at[didx_v.at[j]], add=True)
        if with_deg:
            @pl.when(c == b % 2)
            def _():
                pltpu.sync_copy(ones_v, deg_sh.at[didx_v.at[j]], add=True)
    plsc.subcore_barrier()

    obase = s * OUT_PER_TILE
    pltpu.sync_copy(acc_sh.at[pl.ds(obase, OUT_PER_TILE)],
                    out_hbm.at[c, pl.ds(obase, OUT_PER_TILE)])
    if with_deg:
        pltpu.sync_copy(deg_sh.at[pl.ds(obase, OUT_PER_TILE)],
                        deg_hbm.at[c, pl.ds(obase, OUT_PER_TILE)])


def _make_sc_pass(with_deg):
    mesh = plsc.VectorSubcoreMesh(core_axis_name="c", subcore_axis_name="s",
                                  num_cores=NC, num_subcores=NS)
    out_type = [jax.ShapeDtypeStruct((NC, ACC_ROWS, DH), jnp.float32)]
    scratch = [
        pltpu.VMEM((NCH, CHUNK), jnp.int32),
        pltpu.VMEM((NCH, CHUNK), jnp.int32),
    ]
    if with_deg:
        out_type.append(jax.ShapeDtypeStruct((NC, ACC_ROWS, 16), jnp.float32))
        scratch += [
            pltpu.VMEM((CHUNK, 16), jnp.float32),
            pltpu.VMEM((CHUNK, 16), jnp.float32),
        ]
    scratch.append(pltpu.VMEM_SHARED((ACC_ROWS, DH), jnp.float32))
    if with_deg:
        scratch.append(pltpu.VMEM_SHARED((ACC_ROWS, 16), jnp.float32))
    scratch += [pltpu.VMEM((CHUNK, DH), jnp.float32)] * NBUF \
        + [pltpu.SemaphoreType.DMA] * (2 * NBUF)
    return pl.kernel(
        functools.partial(_sc_body, with_deg),
        out_type=out_type,
        mesh=mesh,
        scratch_types=scratch,
        compiler_params=pltpu.CompilerParams(use_tc_tiling_on_sc=False, skip_device_barrier=True),
    )


def _tc_body(p_ref, dg_ref, x_ref, wl_ref, b_ref, wr_ref, o_ref):
    psum = jnp.concatenate([p_ref[0], p_ref[1]], axis=1)
    deg = dg_ref[0, :, 0:1] + dg_ref[1, :, 0:1]
    agg = psum / jnp.maximum(deg, 1.0)
    z = lax.dot_general(agg, wl_ref[...], (((1,), (1,)), ((), ())),
                        preferred_element_type=jnp.float32)
    z = z + b_ref[...]
    z = z + lax.dot_general(x_ref[...], wr_ref[...], (((1,), (1,)), ((), ())),
                            preferred_element_type=jnp.float32)
    o_ref[...] = jnp.maximum(z, 0.01 * z)


BM = 5000


def _tc_pass(p, dg, x, wl, b, wr):
    grid = (N // BM,)
    return pl.pallas_call(
        _tc_body,
        grid=grid,
        in_specs=[
            pl.BlockSpec((NC, BM, DH), lambda i: (0, i, 0)),
            pl.BlockSpec((NC, BM, 16), lambda i: (0, i, 0)),
            pl.BlockSpec((BM, D), lambda i: (i, 0)),
            pl.BlockSpec((D, D), lambda i: (0, 0)),
            pl.BlockSpec((1, D), lambda i: (0, 0)),
            pl.BlockSpec((D, D), lambda i: (0, 0)),
        ],
        out_specs=pl.BlockSpec((BM, D), lambda i: (i, 0)),
        out_shape=jax.ShapeDtypeStruct((N, D), jnp.float32),
    )(p, dg, x, wl, b.reshape(1, D), wr)


def kernel(x, edge_index, W1l, b1, W1r, W2l, b2, W2r):
    src = edge_index[0].reshape(NS, EPT)
    dst = edge_index[1].reshape(NS, EPT)
    pad = EPT_P - EPT
    srcp = jnp.pad(src, ((0, 0), (0, pad))).reshape(NS, NCH, CHUNK)
    dstp = jnp.pad(dst, ((0, 0), (0, pad)), constant_values=N).reshape(NS, NCH, CHUNK)

    sc_deg = _make_sc_pass(True)
    sc_plain = _make_sc_pass(False)

    xs = jnp.stack([x[:, :DH], x[:, DH:]])
    p1, dg = sc_deg(xs, srcp, dstp)
    h1 = _tc_pass(p1, dg, x, W1l, b1, W1r)
    hs = jnp.stack([h1[:, :DH], h1[:, DH:]])
    (p2,) = sc_plain(hs, srcp, dstp)
    h2 = _tc_pass(p2, dg, h1, W2l, b2, W2r)
    return h2

# --- scband reference (transcript-rebuilt; emitter-appended) ---
"""Pipeline reference for scband-stacked-sagelayers-28896539968208 (READ-ONLY COPY).

The authoritative reference and input builder live on the scoring server;
editing this copy changes nothing except your own understanding.
"""

import jax, jax.numpy as jnp
import numpy as np

N = 10000
E = 320000
D_IN = 128
D_H = 128


def _init_linear(key, fan_in, fan_out):
    bound = 1.0 / np.sqrt(fan_in)
    return jax.random.uniform(key, (fan_out, fan_in), minval=-bound, maxval=bound, dtype=jnp.float32)


def setup_inputs(seed: int = 0) -> dict:
    key = jax.random.key(seed)
    ks = jax.random.split(key, 10)
    x = jax.random.normal(ks[0], (N, D_IN), dtype=jnp.float32)
    edge_index = jax.random.randint(ks[1], (2, E), 0, N, dtype=jnp.int32)
    # SAGEConv 1: in_channels -> hidden_channels (lin_l with bias applied to aggregated msgs, lin_r no bias on root)
    W1l = _init_linear(ks[2], D_IN, D_H)
    b1 = jax.random.uniform(ks[3], (D_H,), minval=-1.0 / np.sqrt(D_IN), maxval=1.0 / np.sqrt(D_IN), dtype=jnp.float32)
    W1r = _init_linear(ks[4], D_IN, D_H)
    # SAGEConv 2: hidden -> hidden (num_layers=3 -> one extra conv in ModuleList)
    W2l = _init_linear(ks[5], D_H, D_H)
    b2 = jax.random.uniform(ks[6], (D_H,), minval=-1.0 / np.sqrt(D_H), maxval=1.0 / np.sqrt(D_H), dtype=jnp.float32)
    W2r = _init_linear(ks[7], D_H, D_H)
    return {"x": x, "edge_index": edge_index, "W1l": W1l, "b1": b1, "W1r": W1r, "W2l": W2l, "b2": b2, "W2r": W2r}


def _sage_conv(x, src, dst, Wl, bl, Wr):
    # message: gather features of source nodes
    msgs = jnp.take(x, src, axis=0)
    # mean aggregation at destination nodes
    agg = jax.ops.segment_sum(msgs, dst, num_segments=N)
    deg = jax.ops.segment_sum(jnp.ones((msgs.shape[0],), dtype=x.dtype), dst, num_segments=N)
    agg = agg / jnp.clip(deg, 1.0)[:, None]
    # out = lin_l(agg) + lin_r(x)
    return agg @ Wl.T + bl + x @ Wr.T


def reference(x, edge_index, W1l, b1, W1r, W2l, b2, W2r):
    src = edge_index[0]
    dst = edge_index[1]
    h = jax.nn.leaky_relu(_sage_conv(x, src, dst, W1l, b1, W1r), negative_slope=0.01)
    h = jax.nn.leaky_relu(_sage_conv(h, src, dst, W2l, b2, W2r), negative_slope=0.01)
    return h

if __name__ == "__main__":
    import jax
    _d = setup_inputs()
    print(jax.jit(kernel)(*tuple(_d.values())))

</pallas_src>

<mosaic_0001>
#map = affine_map<(d0, d1) -> (0, 0, 0)>
module attributes {stable_mosaic.version = 14 : i64} {
  func.func @_sc_body(%arg0: i32, %arg1: i32, %arg2: memref<2x10000x64xf32, #tpu.memory_space<hbm>>, %arg3: memref<16x160x128xi32, #tpu.memory_space<hbm>>, %arg4: memref<16x160x128xi32, #tpu.memory_space<hbm>>, %arg5: memref<2x10240x64xf32, #tpu.memory_space<hbm>>, %arg6: memref<2x10240x16xf32, #tpu.memory_space<hbm>>, %arg7: memref<160x128xi32, #tpu.memory_space<vmem>>, %arg8: memref<160x128xi32, #tpu.memory_space<vmem>>, %arg9: memref<128x16xf32, #tpu.memory_space<vmem>>, %arg10: memref<128x16xf32, #tpu.memory_space<vmem>>, %arg11: memref<10240x64xf32, #tpu.memory_space<vmem_shared>>, %arg12: memref<10240x16xf32, #tpu.memory_space<vmem_shared>>, %arg13: memref<128x64xf32, #tpu.memory_space<vmem>>, %arg14: memref<128x64xf32, #tpu.memory_space<vmem>>, %arg15: memref<128x64xf32, #tpu.memory_space<vmem>>, %arg16: memref<128x64xf32, #tpu.memory_space<vmem>>, %arg17: memref<!tpu.dma_semaphore, #tpu.memory_space<semaphore_mem>>, %arg18: memref<!tpu.dma_semaphore, #tpu.memory_space<semaphore_mem>>, %arg19: memref<!tpu.dma_semaphore, #tpu.memory_space<semaphore_mem>>, %arg20: memref<!tpu.dma_semaphore, #tpu.memory_space<semaphore_mem>>, %arg21: memref<!tpu.dma_semaphore, #tpu.memory_space<semaphore_mem>>, %arg22: memref<!tpu.dma_semaphore, #tpu.memory_space<semaphore_mem>>, %arg23: memref<!tpu.dma_semaphore, #tpu.memory_space<semaphore_mem>>, %arg24: memref<!tpu.dma_semaphore, #tpu.memory_space<semaphore_mem>>) attributes {dimension_semantics = [#tpu.dimension_semantics<core_parallel>, #tpu.dimension_semantics<subcore_parallel>], iteration_bounds = array<i64: 2, 16>, scalar_prefetch = 0 : i64, scratch_operands = 18 : i64, tpu.core_type = #tpu.core_type<sc_vector_subcore>, window_params = [{transform_indices = #map}, {transform_indices = #map}, {transform_indices = #map}, {transform_indices = #map}, {transform_indices = #map}]} {
    %scan3A = arith.constant 0 : i32
    %scan3A_0 = arith.constant 0 : i32
    %scan3A_1 = arith.constant 128 : i32
    %scan3A_2 = arith.addi %scan3A_0, %scan3A_1 : i32
    %scan3A_3 = arith.constant 1 : i32
    %scan3A_4 = scf.for %scan3A_167 = %scan3A_0 to %scan3A_2 step %scan3A_3 iter_args(%scan3A_168 = %scan3A) -> (i32)  : i32 {
      %scan3A_169 = arith.constant 0 : i32
      %scan3A_170 = arith.constant 0 : i32
      %scan3A_171 = arith.constant 4 : i32
      %scan3A_172 = arith.addi %scan3A_170, %scan3A_171 : i32
      %scan3A_173 = arith.constant 1 : i32
      %scan3A_174 = scf.for %scan3A_182 = %scan3A_170 to %scan3A_172 step %scan3A_173 iter_args(%scan3A_183 = %scan3A_169) -> (i32)  : i32 {
        %broadcast_in_dim3A_184 = arith.constant 0.000000e+00 : f32
        %broadcast_in_dim3A_185 = vector.broadcast %broadcast_in_dim3A_184 : f32 to vector<16xf32>
        %mul3A_186 = arith.constant 16 : i32
        %mul3A_187 = arith.muli %scan3A_182, %mul3A_186 : i32
        %swap3A_188 = arith.index_cast %scan3A_167 : i32 to index
        %swap3A_189 = arith.index_cast %mul3A_187 : i32 to index
        %swap3A_190 = tpu.vector_load %arg13[%swap3A_188, %swap3A_189] {strides = array<i32>} : memref<128x64xf32, #tpu.memory_space<vmem>>, vector<1x16xf32>,
        %swap3A_191 = vector.shape_cast %swap3A_190 : vector<1x16xf32> to vector<16xf32>
        %swap3A_192 = vector.shape_cast %broadcast_in_dim3A_185 : vector<16xf32> to vector<1x16xf32>
        tpu.vector_store %arg13[%swap3A_188, %swap3A_189], %swap3A_192 {strides = array<i32>} : memref<128x64xf32, #tpu.memory_space<vmem>>, vector<1x16xf32>,
        %scan3A_193 = arith.constant 0 : i32
        scf.yield %scan3A_193 : i32
      }
      %scan3A_175 = arith.constant 4 : i32
      %broadcast_in_dim3A = arith.constant 1.000000e+00 : f32
      %broadcast_in_dim3A_176 = vector.broadcast %broadcast_in_dim3A : f32 to vector<16xf32>
      %swap3A = arith.index_cast %scan3A_167 : i32 to index
      %swap3A_177 = arith.constant 0 : index
      %swap3A_178 = tpu.vector_load %arg9[%swap3A, %swap3A_177] {strides = array<i32>} : memref<128x16xf32, #tpu.memory_space<vmem>>, vector<1x16xf32>,
      %swap3A_179 = vector.shape_cast %swap3A_178 : vector<1x16xf32> to vector<16xf32>
      %swap3A_180 = vector.shape_cast %broadcast_in_dim3A_176 : vector<16xf32> to vector<1x16xf32>
      tpu.vector_store %arg9[%swap3A, %swap3A_177], %swap3A_180 {strides = array<i32>} : memref<128x16xf32, #tpu.memory_space<vmem>>, vector<1x16xf32>,
      %scan3A_181 = arith.constant 0 : i32
      scf.yield %scan3A_181 : i32
    }
    %scan3A_5 = arith.constant 128 : i32
    %scan3A_6 = arith.constant 0 : i32
    %scan3A_7 = arith.constant 0 : i32
    %scan3A_8 = arith.constant 128 : i32
    %scan3A_9 = arith.addi %scan3A_7, %scan3A_8 : i32
    %scan3A_10 = arith.constant 1 : i32
    %scan3A_11 = scf.for %scan3A_167 = %scan3A_7 to %scan3A_9 step %scan3A_10 iter_args(%scan3A_168 = %scan3A_6) -> (i32)  : i32 {
      %broadcast_in_dim3A = arith.constant 0.000000e+00 : f32
      %broadcast_in_dim3A_169 = vector.broadcast %broadcast_in_dim3A : f32 to vector<16xf32>
      %swap3A = arith.index_cast %scan3A_167 : i32 to index
      %swap3A_170 = arith.constant 0 : index
      %swap3A_171 = tpu.vector_load %arg10[%swap3A, %swap3A_170] {strides = array<i32>} : memref<128x16xf32, #tpu.memory_space<vmem>>, vector<1x16xf32>,
      %swap3A_172 = vector.shape_cast %swap3A_171 : vector<1x16xf32> to vector<16xf32>
      %swap3A_173 = vector.shape_cast %broadcast_in_dim3A_169 : vector<16xf32> to vector<1x16xf32>
      tpu.vector_store %arg10[%swap3A, %swap3A_170], %swap3A_173 {strides = array<i32>} : memref<128x16xf32, #tpu.memory_space<vmem>>, vector<1x16xf32>,
      %scan3A_174 = arith.constant 0 : i32
      scf.yield %scan3A_174 : i32
    }
    %scan3A_12 = arith.constant 128 : i32
    "tpu.region"() ({
      %run_scoped3A_167 = tpu.sem_alloc : memref<!tpu.dma_semaphore, #tpu.memory_space<semaphore_mem>>
      %dma_start3A_168 = arith.constant 0 : i32
      %dma_start3A_169 = arith.constant 0 : i32
      %dma_start3A_170 = tpu.memref_slice %arg3[%arg1, %dma_start3A_168, %dma_start3A_169] : memref<16x160x128xi32, #tpu.memory_space<hbm>> -> memref<1x160x128xi32, #tpu.memory_space<hbm>>
      %dma_start3A_171 = tpu.memref_squeeze %dma_start3A_170 : memref<1x160x128xi32, #tpu.memory_space<hbm>> -> memref<160x128xi32, #tpu.memory_space<hbm>>
      %dma_start3A_172 = arith.constant 0 : i32
      %dma_start3A_173 = arith.constant 0 : i32
      %dma_start3A_174 = tpu.memref_slice %arg3[%arg1, %dma_start3A_172, %dma_start3A_173] : memref<16x160x128xi32, #tpu.memory_space<hbm>> -> memref<1x160x128xi32, #tpu.memory_space<hbm>>
      %dma_start3A_175 = tpu.memref_squeeze %dma_start3A_174 : memref<1x160x128xi32, #tpu.memory_space<hbm>> -> memref<160x128xi32, #tpu.memory_space<hbm>>
      tpu.enqueue_dma source(%dma_start3A_175 : memref<160x128xi32, #tpu.memory_space<hbm>>) target(%arg7 : memref<160x128xi32, #tpu.memory_space<vmem>>) target_semaphore(%run_scoped3A_167 : memref<!tpu.dma_semaphore, #tpu.memory_space<semaphore_mem>>)
      %dma_wait3A_176 = arith.constant 0 : i32
      %dma_wait3A_177 = arith.constant 0 : i32
      %dma_wait3A_178 = tpu.memref_slice %arg3[%arg1, %dma_wait3A_176, %dma_wait3A_177] : memref<16x160x128xi32, #tpu.memory_space<hbm>> -> memref<1x160x128xi32, #tpu.memory_space<hbm>>
      %dma_wait3A_179 = tpu.memref_squeeze %dma_wait3A_178 : memref<1x160x128xi32, #tpu.memory_space<hbm>> -> memref<160x128xi32, #tpu.memory_space<hbm>>
      %dma_wait3A_180 = arith.constant 0 : i32
      %dma_wait3A_181 = arith.constant 0 : i32
      %dma_wait3A_182 = tpu.memref_slice %arg3[%arg1, %dma_wait3A_180, %dma_wait3A_181] : memref<16x160x128xi32, #tpu.memory_space<hbm>> -> memref<1x160x128xi32, #tpu.memory_space<hbm>>
      %dma_wait3A_183 = tpu.memref_squeeze %dma_wait3A_182 : memref<1x160x128xi32, #tpu.memory_space<hbm>> -> memref<160x128xi32, #tpu.memory_space<hbm>>
      tpu.wait_dma2 semaphore(%run_scoped3A_167 : memref<!tpu.dma_semaphore, #tpu.memory_space<semaphore_mem>>) src(%dma_wait3A_183 : memref<160x128xi32, #tpu.memory_space<hbm>>) dst(%arg7 : memref<160x128xi32, #tpu.memory_space<vmem>>)
      tpu.yield
    }) : () -> ()
    "tpu.region"() ({
      %run_scoped3A_167 = tpu.sem_alloc : memref<!tpu.dma_semaphore, #tpu.memory_space<semaphore_mem>>
      %dma_start3A_168 = arith.constant 0 : i32
      %dma_start3A_169 = arith.constant 0 : i32
      %dma_start3A_170 = tpu.memref_slice %arg4[%arg1, %dma_start3A_168, %dma_start3A_169] : memref<16x160x128xi32, #tpu.memory_space<hbm>> -> memref<1x160x128xi32, #tpu.memory_space<hbm>>
      %dma_start3A_171 = tpu.memref_squeeze %dma_start3A_170 : memref<1x160x128xi32, #tpu.memory_space<hbm>> -> memref<160x128xi32, #tpu.memory_space<hbm>>
      %dma_start3A_172 = arith.constant 0 : i32
      %dma_start3A_173 = arith.constant 0 : i32
      %dma_start3A_174 = tpu.memref_slice %arg4[%arg1, %dma_start3A_172, %dma_start3A_173] : memref<16x160x128xi32, #tpu.memory_space<hbm>> -> memref<1x160x128xi32, #tpu.memory_space<hbm>>
      %dma_start3A_175 = tpu.memref_squeeze %dma_start3A_174 : memref<1x160x128xi32, #tpu.memory_space<hbm>> -> memref<160x128xi32, #tpu.memory_space<hbm>>
      tpu.enqueue_dma source(%dma_start3A_175 : memref<160x128xi32, #tpu.memory_space<hbm>>) target(%arg8 : memref<160x128xi32, #tpu.memory_space<vmem>>) target_semaphore(%run_scoped3A_167 : memref<!tpu.dma_semaphore, #tpu.memory_space<semaphore_mem>>)
      %dma_wait3A_176 = arith.constant 0 : i32
      %dma_wait3A_177 = arith.constant 0 : i32
      %dma_wait3A_178 = tpu.memref_slice %arg4[%arg1, %dma_wait3A_176, %dma_wait3A_177] : memref<16x160x128xi32, #tpu.memory_space<hbm>> -> memref<1x160x128xi32, #tpu.memory_space<hbm>>
      %dma_wait3A_179 = tpu.memref_squeeze %dma_wait3A_178 : memref<1x160x128xi32, #tpu.memory_space<hbm>> -> memref<160x128xi32, #tpu.memory_space<hbm>>
      %dma_wait3A_180 = arith.constant 0 : i32
      %dma_wait3A_181 = arith.constant 0 : i32
      %dma_wait3A_182 = tpu.memref_slice %arg4[%arg1, %dma_wait3A_180, %dma_wait3A_181] : memref<16x160x128xi32, #tpu.memory_space<hbm>> -> memref<1x160x128xi32, #tpu.memory_space<hbm>>
      %dma_wait3A_183 = tpu.memref_squeeze %dma_wait3A_182 : memref<1x160x128xi32, #tpu.memory_space<hbm>> -> memref<160x128xi32, #tpu.memory_space<hbm>>
      tpu.wait_dma2 semaphore(%run_scoped3A_167 : memref<!tpu.dma_semaphore, #tpu.memory_space<semaphore_mem>>) src(%dma_wait3A_183 : memref<160x128xi32, #tpu.memory_space<hbm>>) dst(%arg8 : memref<160x128xi32, #tpu.memory_space<vmem>>)
      tpu.yield
    }) : () -> ()
    %dma_start3A = arith.constant 1 : i32
    %dma_start3A_13 = arith.constant 0 : i32
    %dma_start3A_14 = tpu.memref_slice %arg7[%dma_start3A, %dma_start3A_13] : memref<160x128xi32, #tpu.memory_space<vmem>> -> memref<1x128xi32, #tpu.memory_space<vmem>>
    %dma_start3A_15 = tpu.memref_squeeze %dma_start3A_14 : memref<1x128xi32, #tpu.memory_space<vmem>> -> memref<128xi32, #tpu.memory_space<vmem>>
    %dma_start3A_16 = arith.constant 0 : i32
    %dma_start3A_17 = arith.constant 0 : i32
    %dma_start3A_18 = tpu.memref_slice %arg2[%arg0, %dma_start3A_16, %dma_start3A_17] : memref<2x10000x64xf32, #tpu.memory_space<hbm>> -> memref<1x10000x64xf32, #tpu.memory_space<hbm>>
    %dma_start3A_19 = tpu.memref_squeeze %dma_start3A_18 : memref<1x10000x64xf32, #tpu.memory_space<hbm>> -> memref<10000x64xf32, #tpu.memory_space<hbm>>
    %dma_start3A_20 = arith.constant 0 : i32
    %dma_start3A_21 = arith.constant 0 : i32
    %dma_start3A_22 = tpu.memref_slice %dma_start3A_19[%dma_start3A_20, %dma_start3A_21] : memref<10000x64xf32, #tpu.memory_space<hbm>> -> memref<10000x64xf32, #tpu.memory_space<hbm>>
    tpu.enqueue_indirect_dma source(%dma_start3A_22 : memref<10000x64xf32, #tpu.memory_space<hbm>>) target(%arg14 : memref<128x64xf32, #tpu.memory_space<vmem>>) offsets(%dma_start3A_15 : memref<128xi32, #tpu.memory_space<vmem>>) semaphore(%arg18 : memref<!tpu.dma_semaphore, #tpu.memory_space<semaphore_mem>>)
    %dma_start3A_23 = arith.constant 2 : i32
    %dma_start3A_24 = arith.constant 0 : i32
    %dma_start3A_25 = tpu.memref_slice %arg7[%dma_start3A_23, %dma_start3A_24] : memref<160x128xi32, #tpu.memory_space<vmem>> -> memref<1x128xi32, #tpu.memory_space<vmem>>
    %dma_start3A_26 = tpu.memref_squeeze %dma_start3A_25 : memref<1x128xi32, #tpu.memory_space<vmem>> -> memref<128xi32, #tpu.memory_space<vmem>>
    %dma_start3A_27 = arith.constant 0 : i32
    %dma_start3A_28 = arith.constant 0 : i32
    %dma_start3A_29 = tpu.memref_slice %arg2[%arg0, %dma_start3A_27, %dma_start3A_28] : memref<2x10000x64xf32, #tpu.memory_space<hbm>> -> memref<1x10000x64xf32, #tpu.memory_space<hbm>>
    %dma_start3A_30 = tpu.memref_squeeze %dma_start3A_29 : memref<1x10000x64xf32, #tpu.memory_space<hbm>> -> memref<10000x64xf32, #tpu.memory_space<hbm>>
    %dma_start3A_31 = arith.constant 0 : i32
    %dma_start3A_32 = arith.constant 0 : i32
    %dma_start3A_33 = tpu.memref_slice %dma_start3A_30[%dma_start3A_31, %dma_start3A_32] : memref<10000x64xf32, #tpu.memory_space<hbm>> -> memref<10000x64xf32, #tpu.memory_space<hbm>>
    tpu.enqueue_indirect_dma source(%dma_start3A_33 : memref<10000x64xf32, #tpu.memory_space<hbm>>) target(%arg15 : memref<128x64xf32, #tpu.memory_space<vmem>>) offsets(%dma_start3A_26 : memref<128xi32, #tpu.memory_space<vmem>>) semaphore(%arg19 : memref<!tpu.dma_semaphore, #tpu.memory_space<semaphore_mem>>)
    %dma_start3A_34 = arith.constant 3 : i32
    %dma_start3A_35 = arith.constant 0 : i32
    %dma_start3A_36 = tpu.memref_slice %arg7[%dma_start3A_34, %dma_start3A_35] : memref<160x128xi32, #tpu.memory_space<vmem>> -> memref<1x128xi32, #tpu.memory_space<vmem>>
    %dma_start3A_37 = tpu.memref_squeeze %dma_start3A_36 : memref<1x128xi32, #tpu.memory_space<vmem>> -> memref<128xi32, #tpu.memory_space<vmem>>
    %dma_start3A_38 = arith.constant 0 : i32
    %dma_start3A_39 = arith.constant 0 : i32
    %dma_start3A_40 = tpu.memref_slice %arg2[%arg0, %dma_start3A_38, %dma_start3A_39] : memref<2x10000x64xf32, #tpu.memory_space<hbm>> -> memref<1x10000x64xf32, #tpu.memory_space<hbm>>
    %dma_start3A_41 = tpu.memref_squeeze %dma_start3A_40 : memref<1x10000x64xf32, #tpu.memory_space<hbm>> -> memref<10000x64xf32, #tpu.memory_space<hbm>>
    %dma_start3A_42 = arith.constant 0 : i32
    %dma_start3A_43 = arith.constant 0 : i32
    %dma_start3A_44 = tpu.memref_slice %dma_start3A_41[%dma_start3A_42, %dma_start3A_43] : memref<10000x64xf32, #tpu.memory_space<hbm>> -> memref<10000x64xf32, #tpu.memory_space<hbm>>
    tpu.enqueue_indirect_dma source(%dma_start3A_44 : memref<10000x64xf32, #tpu.memory_space<hbm>>) target(%arg16 : memref<128x64xf32, #tpu.memory_space<vmem>>) offsets(%dma_start3A_37 : memref<128xi32, #tpu.memory_space<vmem>>) semaphore(%arg20 : memref<!tpu.dma_semaphore, #tpu.memory_space<semaphore_mem>>)
    %mul3A = arith.constant 640 : i32
    %mul3A_45 = arith.muli %arg1, %mul3A : i32
    %add3A = arith.constant 0 : i32
    %add3A_46 = arith.addi %mul3A_45, %add3A : i32
    "tpu.region"() ({
      %run_scoped3A_167 = tpu.sem_alloc : memref<!tpu.dma_semaphore, #tpu.memory_space<semaphore_mem>>
      %dma_start3A_168 = arith.constant 0 : i32
      %dma_start3A_169 = tpu.memref_slice %arg11[%add3A_46, %dma_start3A_168] : memref<10240x64xf32, #tpu.memory_space<vmem_shared>> -> memref<128x64xf32, #tpu.memory_space<vmem_shared>>
      %dma_start3A_170 = arith.constant 0 : i32
      %dma_start3A_171 = tpu.memref_slice %arg11[%add3A_46, %dma_start3A_170] : memref<10240x64xf32, #tpu.memory_space<vmem_shared>> -> memref<128x64xf32, #tpu.memory_space<vmem_shared>>
      tpu.enqueue_dma source(%arg13 : memref<128x64xf32, #tpu.memory_space<vmem>>) target(%dma_start3A_171 : memref<128x64xf32, #tpu.memory_space<vmem_shared>>) target_semaphore(%run_scoped3A_167 : memref<!tpu.dma_semaphore, #tpu.memory_space<semaphore_mem>>)
      %dma_wait3A_172 = arith.constant 0 : i32
      %dma_wait3A_173 = tpu.memref_slice %arg11[%add3A_46, %dma_wait3A_172] : memref<10240x64xf32, #tpu.memory_space<vmem_shared>> -> memref<128x64xf32, #tpu.memory_space<vmem_shared>>
      %dma_wait3A_174 = arith.constant 0 : i32
      %dma_wait3A_175 = tpu.memref_slice %arg11[%add3A_46, %dma_wait3A_174] : memref<10240x64xf32, #tpu.memory_space<vmem_shared>> -> memref<128x64xf32, #tpu.memory_space<vmem_shared>>
      tpu.wait_dma2 semaphore(%run_scoped3A_167 : memref<!tpu.dma_semaphore, #tpu.memory_space<semaphore_mem>>) src(%arg13 : memref<128x64xf32, #tpu.memory_space<vmem>>) dst(%dma_wait3A_175 : memref<128x64xf32, #tpu.memory_space<vmem_shared>>)
      tpu.yield
    }) : () -> ()
    %add3A_47 = arith.constant 128 : i32
    %add3A_48 = arith.addi %mul3A_45, %add3A_47 : i32
    "tpu.region"() ({
      %run_scoped3A_167 = tpu.sem_alloc : memref<!tpu.dma_semaphore, #tpu.memory_space<semaphore_mem>>
      %dma_start3A_168 = arith.constant 0 : i32
      %dma_start3A_169 = tpu.memref_slice %arg11[%add3A_48, %dma_start3A_168] : memref<10240x64xf32, #tpu.memory_space<vmem_shared>> -> memref<128x64xf32, #tpu.memory_space<vmem_shared>>
      %dma_start3A_170 = arith.constant 0 : i32
      %dma_start3A_171 = tpu.memref_slice %arg11[%add3A_48, %dma_start3A_170] : memref<10240x64xf32, #tpu.memory_space<vmem_shared>> -> memref<128x64xf32, #tpu.memory_space<vmem_shared>>
      tpu.enqueue_dma source(%arg13 : memref<128x64xf32, #tpu.memory_space<vmem>>) target(%dma_start3A_171 : memref<128x64xf32, #tpu.memory_space<vmem_shared>>) target_semaphore(%run_scoped3A_167 : memref<!tpu.dma_semaphore, #tpu.memory_space<semaphore_mem>>)
      %dma_wait3A_172 = arith.constant 0 : i32
      %dma_wait3A_173 = tpu.memref_slice %arg11[%add3A_48, %dma_wait3A_172] : memref<10240x64xf32, #tpu.memory_space<vmem_shared>> -> memref<128x64xf32, #tpu.memory_space<vmem_shared>>
      %dma_wait3A_174 = arith.constant 0 : i32
      %dma_wait3A_175 = tpu.memref_slice %arg11[%add3A_48, %dma_wait3A_174] : memref<10240x64xf32, #tpu.memory_space<vmem_shared>> -> memref<128x64xf32, #tpu.memory_space<vmem_shared>>
      tpu.wait_dma2 semaphore(%run_scoped3A_167 : memref<!tpu.dma_semaphore, #tpu.memory_space<semaphore_mem>>) src(%arg13 : memref<128x64xf32, #tpu.memory_space<vmem>>) dst(%dma_wait3A_175 : memref<128x64xf32, #tpu.memory_space<vmem_shared>>)
      tpu.yield
    }) : () -> ()
    %add3A_49 = arith.constant 256 : i32
    %add3A_50 = arith.addi %mul3A_45, %add3A_49 : i32
    "tpu.region"() ({
      %run_scoped3A_167 = tpu.sem_alloc : memref<!tpu.dma_semaphore, #tpu.memory_space<semaphore_mem>>
      %dma_start3A_168 = arith.constant 0 : i32
      %dma_start3A_169 = tpu.memref_slice %arg11[%add3A_50, %dma_start3A_168] : memref<10240x64xf32, #tpu.memory_space<vmem_shared>> -> memref<128x64xf32, #tpu.memory_space<vmem_shared>>
      %dma_start3A_170 = arith.constant 0 : i32
      %dma_start3A_171 = tpu.memref_slice %arg11[%add3A_50, %dma_start3A_170] : memref<10240x64xf32, #tpu.memory_space<vmem_shared>> -> memref<128x64xf32, #tpu.memory_space<vmem_shared>>
      tpu.enqueue_dma source(%arg13 : memref<128x64xf32, #tpu.memory_space<vmem>>) target(%dma_start3A_171 : memref<128x64xf32, #tpu.memory_space<vmem_shared>>) target_semaphore(%run_scoped3A_167 : memref<!tpu.dma_semaphore, #tpu.memory_space<semaphore_mem>>)
      %dma_wait3A_172 = arith.constant 0 : i32
      %dma_wait3A_173 = tpu.memref_slice %arg11[%add3A_50, %dma_wait3A_172] : memref<10240x64xf32, #tpu.memory_space<vmem_shared>> -> memref<128x64xf32, #tpu.memory_space<vmem_shared>>
      %dma_wait3A_174 = arith.constant 0 : i32
      %dma_wait3A_175 = tpu.memref_slice %arg11[%add3A_50, %dma_wait3A_174] : memref<10240x64xf32, #tpu.memory_space<vmem_shared>> -> memref<128x64xf32, #tpu.memory_space<vmem_shared>>
      tpu.wait_dma2 semaphore(%run_scoped3A_167 : memref<!tpu.dma_semaphore, #tpu.memory_space<semaphore_mem>>) src(%arg13 : memref<128x64xf32, #tpu.memory_space<vmem>>) dst(%dma_wait3A_175 : memref<128x64xf32, #tpu.memory_space<vmem_shared>>)
      tpu.yield
    }) : () -> ()
    %add3A_51 = arith.constant 384 : i32
    %add3A_52 = arith.addi %mul3A_45, %add3A_51 : i32
    "tpu.region"() ({
      %run_scoped3A_167 = tpu.sem_alloc : memref<!tpu.dma_semaphore, #tpu.memory_space<semaphore_mem>>
      %dma_start3A_168 = arith.constant 0 : i32
      %dma_start3A_169 = tpu.memref_slice %arg11[%add3A_52, %dma_start3A_168] : memref<10240x64xf32, #tpu.memory_space<vmem_shared>> -> memref<128x64xf32, #tpu.memory_space<vmem_shared>>
      %dma_start3A_170 = arith.constant 0 : i32
      %dma_start3A_171 = tpu.memref_slice %arg11[%add3A_52, %dma_start3A_170] : memref<10240x64xf32, #tpu.memory_space<vmem_shared>> -> memref<128x64xf32, #tpu.memory_space<vmem_shared>>
      tpu.enqueue_dma source(%arg13 : memref<128x64xf32, #tpu.memory_space<vmem>>) target(%dma_start3A_171 : memref<128x64xf32, #tpu.memory_space<vmem_shared>>) target_semaphore(%run_scoped3A_167 : memref<!tpu.dma_semaphore, #tpu.memory_space<semaphore_mem>>)
      %dma_wait3A_172 = arith.constant 0 : i32
      %dma_wait3A_173 = tpu.memref_slice %arg11[%add3A_52, %dma_wait3A_172] : memref<10240x64xf32, #tpu.memory_space<vmem_shared>> -> memref<128x64xf32, #tpu.memory_space<vmem_shared>>
      %dma_wait3A_174 = arith.constant 0 : i32
      %dma_wait3A_175 = tpu.memref_slice %arg11[%add3A_52, %dma_wait3A_174] : memref<10240x64xf32, #tpu.memory_space<vmem_shared>> -> memref<128x64xf32, #tpu.memory_space<vmem_shared>>
      tpu.wait_dma2 semaphore(%run_scoped3A_167 : memref<!tpu.dma_semaphore, #tpu.memory_space<semaphore_mem>>) src(%arg13 : memref<128x64xf32, #tpu.memory_space<vmem>>) dst(%dma_wait3A_175 : memref<128x64xf32, #tpu.memory_space<vmem_shared>>)
      tpu.yield
    }) : () -> ()
    %add3A_53 = arith.constant 512 : i32
    %add3A_54 = arith.addi %mul3A_45, %add3A_53 : i32
    "tpu.region"() ({
      %run_scoped3A_167 = tpu.sem_alloc : memref<!tpu.dma_semaphore, #tpu.memory_space<semaphore_mem>>
      %dma_start3A_168 = arith.constant 0 : i32
      %dma_start3A_169 = tpu.memref_slice %arg11[%add3A_54, %dma_start3A_168] : memref<10240x64xf32, #tpu.memory_space<vmem_shared>> -> memref<128x64xf32, #tpu.memory_space<vmem_shared>>
      %dma_start3A_170 = arith.constant 0 : i32
      %dma_start3A_171 = tpu.memref_slice %arg11[%add3A_54, %dma_start3A_170] : memref<10240x64xf32, #tpu.memory_space<vmem_shared>> -> memref<128x64xf32, #tpu.memory_space<vmem_shared>>
      tpu.enqueue_dma source(%arg13 : memref<128x64xf32, #tpu.memory_space<vmem>>) target(%dma_start3A_171 : memref<128x64xf32, #tpu.memory_space<vmem_shared>>) target_semaphore(%run_scoped3A_167 : memref<!tpu.dma_semaphore, #tpu.memory_space<semaphore_mem>>)
      %dma_wait3A_172 = arith.constant 0 : i32
      %dma_wait3A_173 = tpu.memref_slice %arg11[%add3A_54, %dma_wait3A_172] : memref<10240x64xf32, #tpu.memory_space<vmem_shared>> -> memref<128x64xf32, #tpu.memory_space<vmem_shared>>
      %dma_wait3A_174 = arith.constant 0 : i32
      %dma_wait3A_175 = tpu.memref_slice %arg11[%add3A_54, %dma_wait3A_174] : memref<10240x64xf32, #tpu.memory_space<vmem_shared>> -> memref<128x64xf32, #tpu.memory_space<vmem_shared>>
      tpu.wait_dma2 semaphore(%run_scoped3A_167 : memref<!tpu.dma_semaphore, #tpu.memory_space<semaphore_mem>>) src(%arg13 : memref<128x64xf32, #tpu.memory_space<vmem>>) dst(%dma_wait3A_175 : memref<128x64xf32, #tpu.memory_space<vmem_shared>>)
      tpu.yield
    }) : () -> ()
    %add3A_55 = arith.constant 0 : i32
    %add3A_56 = arith.addi %mul3A_45, %add3A_55 : i32
    "tpu.region"() ({
      %run_scoped3A_167 = tpu.sem_alloc : memref<!tpu.dma_semaphore, #tpu.memory_space<semaphore_mem>>
      %dma_start3A_168 = arith.constant 0 : i32
      %dma_start3A_169 = tpu.memref_slice %arg12[%add3A_56, %dma_start3A_168] : memref<10240x16xf32, #tpu.memory_space<vmem_shared>> -> memref<128x16xf32, #tpu.memory_space<vmem_shared>>
      %dma_start3A_170 = arith.constant 0 : i32
      %dma_start3A_171 = tpu.memref_slice %arg12[%add3A_56, %dma_start3A_170] : memref<10240x16xf32, #tpu.memory_space<vmem_shared>> -> memref<128x16xf32, #tpu.memory_space<vmem_shared>>
      tpu.enqueue_dma source(%arg10 : memref<128x16xf32, #tpu.memory_space<vmem>>) target(%dma_start3A_171 : memref<128x16xf32, #tpu.memory_space<vmem_shared>>) target_semaphore(%run_scoped3A_167 : memref<!tpu.dma_semaphore, #tpu.memory_space<semaphore_mem>>)
      %dma_wait3A_172 = arith.constant 0 : i32
      %dma_wait3A_173 = tpu.memref_slice %arg12[%add3A_56, %dma_wait3A_172] : memref<10240x16xf32, #tpu.memory_space<vmem_shared>> -> memref<128x16xf32, #tpu.memory_space<vmem_shared>>
      %dma_wait3A_174 = arith.constant 0 : i32
      %dma_wait3A_175 = tpu.memref_slice %arg12[%add3A_56, %dma_wait3A_174] : memref<10240x16xf32, #tpu.memory_space<vmem_shared>> -> memref<128x16xf32, #tpu.memory_space<vmem_shared>>
      tpu.wait_dma2 semaphore(%run_scoped3A_167 : memref<!tpu.dma_semaphore, #tpu.memory_space<semaphore_mem>>) src(%arg10 : memref<128x16xf32, #tpu.memory_space<vmem>>) dst(%dma_wait3A_175 : memref<128x16xf32, #tpu.memory_space<vmem_shared>>)
      tpu.yield
    }) : () -> ()
    %add3A_57 = arith.constant 128 : i32
    %add3A_58 = arith.addi %mul3A_45, %add3A_57 : i32
    "tpu.region"() ({
      %run_scoped3A_167 = tpu.sem_alloc : memref<!tpu.dma_semaphore, #tpu.memory_space<semaphore_mem>>
      %dma_start3A_168 = arith.constant 0 : i32
      %dma_start3A_169 = tpu.memref_slice %arg12[%add3A_58, %dma_start3A_168] : memref<10240x16xf32, #tpu.memory_space<vmem_shared>> -> memref<128x16xf32, #tpu.memory_space<vmem_shared>>
      %dma_start3A_170 = arith.constant 0 : i32
      %dma_start3A_171 = tpu.memref_slice %arg12[%add3A_58, %dma_start3A_170] : memref<10240x16xf32, #tpu.memory_space<vmem_shared>> -> memref<128x16xf32, #tpu.memory_space<vmem_shared>>
      tpu.enqueue_dma source(%arg10 : memref<128x16xf32, #tpu.memory_space<vmem>>) target(%dma_start3A_171 : memref<128x16xf32, #tpu.memory_space<vmem_shared>>) target_semaphore(%run_scoped3A_167 : memref<!tpu.dma_semaphore, #tpu.memory_space<semaphore_mem>>)
      %dma_wait3A_172 = arith.constant 0 : i32
      %dma_wait3A_173 = tpu.memref_slice %arg12[%add3A_58, %dma_wait3A_172] : memref<10240x16xf32, #tpu.memory_space<vmem_shared>> -> memref<128x16xf32, #tpu.memory_space<vmem_shared>>
      %dma_wait3A_174 = arith.constant 0 : i32
      %dma_wait3A_175 = tpu.memref_slice %arg12[%add3A_58, %dma_wait3A_174] : memref<10240x16xf32, #tpu.memory_space<vmem_shared>> -> memref<128x16xf32, #tpu.memory_space<vmem_shared>>
      tpu.wait_dma2 semaphore(%run_scoped3A_167 : memref<!tpu.dma_semaphore, #tpu.memory_space<semaphore_mem>>) src(%arg10 : memref<128x16xf32, #tpu.memory_space<vmem>>) dst(%dma_wait3A_175 : memref<128x16xf32, #tpu.memory_space<vmem_shared>>)
      tpu.yield
    }) : () -> ()
    %add3A_59 = arith.constant 256 : i32
    %add3A_60 = arith.addi %mul3A_45, %add3A_59 : i32
    "tpu.region"() ({
      %run_scoped3A_167 = tpu.sem_alloc : memref<!tpu.dma_semaphore, #tpu.memory_space<semaphore_mem>>
      %dma_start3A_168 = arith.constant 0 : i32
      %dma_start3A_169 = tpu.memref_slice %arg12[%add3A_60, %dma_start3A_168] : memref<10240x16xf32, #tpu.memory_space<vmem_shared>> -> memref<128x16xf32, #tpu.memory_space<vmem_shared>>
      %dma_start3A_170 = arith.constant 0 : i32
      %dma_start3A_171 = tpu.memref_slice %arg12[%add3A_60, %dma_start3A_170] : memref<10240x16xf32, #tpu.memory_space<vmem_shared>> -> memref<128x16xf32, #tpu.memory_space<vmem_shared>>
      tpu.enqueue_dma source(%arg10 : memref<128x16xf32, #tpu.memory_space<vmem>>) target(%dma_start3A_171 : memref<128x16xf32, #tpu.memory_space<vmem_shared>>) target_semaphore(%run_scoped3A_167 : memref<!tpu.dma_semaphore, #tpu.memory_space<semaphore_mem>>)
      %dma_wait3A_172 = arith.constant 0 : i32
      %dma_wait3A_173 = tpu.memref_slice %arg12[%add3A_60, %dma_wait3A_172] : memref<10240x16xf32, #tpu.memory_space<vmem_shared>> -> memref<128x16xf32, #tpu.memory_space<vmem_shared>>
      %dma_wait3A_174 = arith.constant 0 : i32
      %dma_wait3A_175 = tpu.memref_slice %arg12[%add3A_60, %dma_wait3A_174] : memref<10240x16xf32, #tpu.memory_space<vmem_shared>> -> memref<128x16xf32, #tpu.memory_space<vmem_shared>>
      tpu.wait_dma2 semaphore(%run_scoped3A_167 : memref<!tpu.dma_semaphore, #tpu.memory_space<semaphore_mem>>) src(%arg10 : memref<128x16xf32, #tpu.memory_space<vmem>>) dst(%dma_wait3A_175 : memref<128x16xf32, #tpu.memory_space<vmem_shared>>)
      tpu.yield
    }) : () -> ()
    %add3A_61 = arith.constant 384 : i32
    %add3A_62 = arith.addi %mul3A_45, %add3A_61 : i32
    "tpu.region"() ({
      %run_scoped3A_167 = tpu.sem_alloc : memref<!tpu.dma_semaphore, #tpu.memory_space<semaphore_mem>>
      %dma_start3A_168 = arith.constant 0 : i32
      %dma_start3A_169 = tpu.memref_slice %arg12[%add3A_62, %dma_start3A_168] : memref<10240x16xf32, #tpu.memory_space<vmem_shared>> -> memref<128x16xf32, #tpu.memory_space<vmem_shared>>
      %dma_start3A_170 = arith.constant 0 : i32
      %dma_start3A_171 = tpu.memref_slice %arg12[%add3A_62, %dma_start3A_170] : memref<10240x16xf32, #tpu.memory_space<vmem_shared>> -> memref<128x16xf32, #tpu.memory_space<vmem_shared>>
      tpu.enqueue_dma source(%arg10 : memref<128x16xf32, #tpu.memory_space<vmem>>) target(%dma_start3A_171 : memref<128x16xf32, #tpu.memory_space<vmem_shared>>) target_semaphore(%run_scoped3A_167 : memref<!tpu.dma_semaphore, #tpu.memory_space<semaphore_mem>>)
      %dma_wait3A_172 = arith.constant 0 : i32
      %dma_wait3A_173 = tpu.memref_slice %arg12[%add3A_62, %dma_wait3A_172] : memref<10240x16xf32, #tpu.memory_space<vmem_shared>> -> memref<128x16xf32, #tpu.memory_space<vmem_shared>>
      %dma_wait3A_174 = arith.constant 0 : i32
      %dma_wait3A_175 = tpu.memref_slice %arg12[%add3A_62, %dma_wait3A_174] : memref<10240x16xf32, #tpu.memory_space<vmem_shared>> -> memref<128x16xf32, #tpu.memory_space<vmem_shared>>
      tpu.wait_dma2 semaphore(%run_scoped3A_167 : memref<!tpu.dma_semaphore, #tpu.memory_space<semaphore_mem>>) src(%arg10 : memref<128x16xf32, #tpu.memory_space<vmem>>) dst(%dma_wait3A_175 : memref<128x16xf32, #tpu.memory_space<vmem_shared>>)
      tpu.yield
    }) : () -> ()
    %add3A_63 = arith.constant 512 : i32
    %add3A_64 = arith.addi %mul3A_45, %add3A_63 : i32
    "tpu.region"() ({
      %run_scoped3A_167 = tpu.sem_alloc : memref<!tpu.dma_semaphore, #tpu.memory_space<semaphore_mem>>
      %dma_start3A_168 = arith.constant 0 : i32
      %dma_start3A_169 = tpu.memref_slice %arg12[%add3A_64, %dma_start3A_168] : memref<10240x16xf32, #tpu.memory_space<vmem_shared>> -> memref<128x16xf32, #tpu.memory_space<vmem_shared>>
      %dma_start3A_170 = arith.constant 0 : i32
      %dma_start3A_171 = tpu.memref_slice %arg12[%add3A_64, %dma_start3A_170] : memref<10240x16xf32, #tpu.memory_space<vmem_shared>> -> memref<128x16xf32, #tpu.memory_space<vmem_shared>>
      tpu.enqueue_dma source(%arg10 : memref<128x16xf32, #tpu.memory_space<vmem>>) target(%dma_start3A_171 : memref<128x16xf32, #tpu.memory_space<vmem_shared>>) target_semaphore(%run_scoped3A_167 : memref<!tpu.dma_semaphore, #tpu.memory_space<semaphore_mem>>)
      %dma_wait3A_172 = arith.constant 0 : i32
      %dma_wait3A_173 = tpu.memref_slice %arg12[%add3A_64, %dma_wait3A_172] : memref<10240x16xf32, #tpu.memory_space<vmem_shared>> -> memref<128x16xf32, #tpu.memory_space<vmem_shared>>
      %dma_wait3A_174 = arith.constant 0 : i32
      %dma_wait3A_175 = tpu.memref_slice %arg12[%add3A_64, %dma_wait3A_174] : memref<10240x16xf32, #tpu.memory_space<vmem_shared>> -> memref<128x16xf32, #tpu.memory_space<vmem_shared>>
      tpu.wait_dma2 semaphore(%run_scoped3A_167 : memref<!tpu.dma_semaphore, #tpu.memory_space<semaphore_mem>>) src(%arg10 : memref<128x16xf32, #tpu.memory_space<vmem>>) dst(%dma_wait3A_175 : memref<128x16xf32, #tpu.memory_space<vmem_shared>>)
      tpu.yield
    }) : () -> ()
    %dma_start3A_65 = arith.constant 0 : i32
    %dma_start3A_66 = arith.constant 0 : i32
    %dma_start3A_67 = tpu.memref_slice %arg7[%dma_start3A_65, %dma_start3A_66] : memref<160x128xi32, #tpu.memory_space<vmem>> -> memref<1x128xi32, #tpu.memory_space<vmem>>
    %dma_start3A_68 = tpu.memref_squeeze %dma_start3A_67 : memref<1x128xi32, #tpu.memory_space<vmem>> -> memref<128xi32, #tpu.memory_space<vmem>>
    %dma_start3A_69 = arith.constant 0 : i32
    %dma_start3A_70 = arith.constant 0 : i32
    %dma_start3A_71 = tpu.memref_slice %arg2[%arg0, %dma_start3A_69, %dma_start3A_70] : memref<2x10000x64xf32, #tpu.memory_space<hbm>> -> memref<1x10000x64xf32, #tpu.memory_space<hbm>>
    %dma_start3A_72 = tpu.memref_squeeze %dma_start3A_71 : memref<1x10000x64xf32, #tpu.memory_space<hbm>> -> memref<10000x64xf32, #tpu.memory_space<hbm>>
    %dma_start3A_73 = arith.constant 0 : i32
    %dma_start3A_74 = arith.constant 0 : i32
    %dma_start3A_75 = tpu.memref_slice %dma_start3A_72[%dma_start3A_73, %dma_start3A_74] : memref<10000x64xf32, #tpu.memory_space<hbm>> -> memref<10000x64xf32, #tpu.memory_space<hbm>>
    tpu.enqueue_indirect_dma source(%dma_start3A_75 : memref<10000x64xf32, #tpu.memory_space<hbm>>) target(%arg13 : memref<128x64xf32, #tpu.memory_space<vmem>>) offsets(%dma_start3A_68 : memref<128xi32, #tpu.memory_space<vmem>>) semaphore(%arg17 : memref<!tpu.dma_semaphore, #tpu.memory_space<semaphore_mem>>)
    %barrier3A = arith.constant 0 : index
    tpu.barrier barrier_id(%barrier3A)
    %scan3A_76 = arith.constant 0 : i32
    %scan3A_77 = arith.constant 0 : i32
    %scan3A_78 = arith.constant 39 : i32
    %scan3A_79 = arith.addi %scan3A_77, %scan3A_78 : i32
    %scan3A_80 = arith.constant 1 : i32
    %scan3A_81 = scf.for %scan3A_167 = %scan3A_77 to %scan3A_79 step %scan3A_80 iter_args(%scan3A_168 = %scan3A_76) -> (i32)  : i32 {
      %mul3A_169 = arith.constant 4 : i32
      %mul3A_170 = arith.muli %mul3A_169, %scan3A_167 : i32
      %add3A_171 = arith.constant 0 : i32
      %add3A_172 = arith.addi %mul3A_170, %add3A_171 : i32
      %dma_wait3A_173 = arith.constant 0 : i32
      %dma_wait3A_174 = tpu.memref_slice %arg7[%add3A_172, %dma_wait3A_173] : memref<160x128xi32, #tpu.memory_space<vmem>> -> memref<1x128xi32, #tpu.memory_space<vmem>>
      %dma_wait3A_175 = tpu.memref_squeeze %dma_wait3A_174 : memref<1x128xi32, #tpu.memory_space<vmem>> -> memref<128xi32, #tpu.memory_space<vmem>>
      %dma_wait3A_176 = arith.constant 0 : i32
      %dma_wait3A_177 = arith.constant 0 : i32
      %dma_wait3A_178 = tpu.memref_slice %arg2[%arg0, %dma_wait3A_176, %dma_wait3A_177] : memref<2x10000x64xf32, #tpu.memory_space<hbm>> -> memref<1x10000x64xf32, #tpu.memory_space<hbm>>
      %dma_wait3A_179 = tpu.memref_squeeze %dma_wait3A_178 : memref<1x10000x64xf32, #tpu.memory_space<hbm>> -> memref<10000x64xf32, #tpu.memory_space<hbm>>
      %dma_wait3A_180 = arith.constant 0 : i32
      %dma_wait3A_181 = arith.constant 0 : i32
      %dma_wait3A_182 = tpu.memref_slice %dma_wait3A_179[%dma_wait3A_180, %dma_wait3A_181] : memref<10000x64xf32, #tpu.memory_space<hbm>> -> memref<10000x64xf32, #tpu.memory_space<hbm>>
      tpu.wait_indirect_dma semaphore(%arg17 : memref<!tpu.dma_semaphore, #tpu.memory_space<semaphore_mem>>) src(%dma_wait3A_182 : memref<10000x64xf32, #tpu.memory_space<hbm>>) dst(%arg13 : memref<128x64xf32, #tpu.memory_space<vmem>>)
      %dma_start3A_183 = arith.constant 0 : i32
      %dma_start3A_184 = tpu.memref_slice %arg8[%add3A_172, %dma_start3A_183] : memref<160x128xi32, #tpu.memory_space<vmem>> -> memref<1x128xi32, #tpu.memory_space<vmem>>
      %dma_start3A_185 = tpu.memref_squeeze %dma_start3A_184 : memref<1x128xi32, #tpu.memory_space<vmem>> -> memref<128xi32, #tpu.memory_space<vmem>>
      %dma_start3A_186 = arith.constant 0 : i32
      %dma_start3A_187 = arith.constant 0 : i32
      %dma_start3A_188 = tpu.memref_slice %arg11[%dma_start3A_186, %dma_start3A_187] : memref<10240x64xf32, #tpu.memory_space<vmem_shared>> -> memref<10240x64xf32, #tpu.memory_space<vmem_shared>>
      tpu.enqueue_indirect_dma source(%arg13 : memref<128x64xf32, #tpu.memory_space<vmem>>) target(%dma_start3A_188 : memref<10240x64xf32, #tpu.memory_space<vmem_shared>>) offsets(%dma_start3A_185 : memref<128xi32, #tpu.memory_space<vmem>>) semaphore(%arg21 : memref<!tpu.dma_semaphore, #tpu.memory_space<semaphore_mem>>) {add = true}
      %eq3A_189 = arith.constant 0 : i32
      %eq3A_190 = arith.cmpi eq, %arg0, %eq3A_189 : i32
      %convert_element_type3A_191 = arith.extui %eq3A_190 : i1 to i32
      %cond3A_192 = arith.constant 0 : i32
      %cond3A_193 = arith.cmpi ne, %convert_element_type3A_191, %cond3A_192 : i32
      scf.if %cond3A_193 {
        "tpu.region"() ({
          %run_scoped3A_289 = tpu.sem_alloc : memref<!tpu.dma_semaphore, #tpu.memory_space<semaphore_mem>>
          %dma_start3A_290 = arith.constant 0 : i32
          %dma_start3A_291 = tpu.memref_slice %arg8[%add3A_172, %dma_start3A_290] : memref<160x128xi32, #tpu.memory_space<vmem>> -> memref<1x128xi32, #tpu.memory_space<vmem>>
          %dma_start3A_292 = tpu.memref_squeeze %dma_start3A_291 : memref<1x128xi32, #tpu.memory_space<vmem>> -> memref<128xi32, #tpu.memory_space<vmem>>
          %dma_start3A_293 = arith.constant 0 : i32
          %dma_start3A_294 = arith.constant 0 : i32
          %dma_start3A_295 = tpu.memref_slice %arg12[%dma_start3A_293, %dma_start3A_294] : memref<10240x16xf32, #tpu.memory_space<vmem_shared>> -> memref<10240x16xf32, #tpu.memory_space<vmem_shared>>
          tpu.enqueue_indirect_dma source(%arg9 : memref<128x16xf32, #tpu.memory_space<vmem>>) target(%dma_start3A_295 : memref<10240x16xf32, #tpu.memory_space<vmem_shared>>) offsets(%dma_start3A_292 : memref<128xi32, #tpu.memory_space<vmem>>) semaphore(%run_scoped3A_289 : memref<!tpu.dma_semaphore, #tpu.memory_space<semaphore_mem>>) {add = true}
          %dma_wait3A_296 = arith.constant 0 : i32
          %dma_wait3A_297 = tpu.memref_slice %arg8[%add3A_172, %dma_wait3A_296] : memref<160x128xi32, #tpu.memory_space<vmem>> -> memref<1x128xi32, #tpu.memory_space<vmem>>
          %dma_wait3A_298 = tpu.memref_squeeze %dma_wait3A_297 : memref<1x128xi32, #tpu.memory_space<vmem>> -> memref<128xi32, #tpu.memory_space<vmem>>
          %dma_wait3A_299 = arith.constant 0 : i32
          %dma_wait3A_300 = arith.constant 0 : i32
          %dma_wait3A_301 = tpu.memref_slice %arg12[%dma_wait3A_299, %dma_wait3A_300] : memref<10240x16xf32, #tpu.memory_space<vmem_shared>> -> memref<10240x16xf32, #tpu.memory_space<vmem_shared>>
          tpu.wait_indirect_dma semaphore(%run_scoped3A_289 : memref<!tpu.dma_semaphore, #tpu.memory_space<semaphore_mem>>) src(%arg9 : memref<128x16xf32, #tpu.memory_space<vmem>>) dst(%dma_wait3A_301 : memref<10240x16xf32, #tpu.memory_space<vmem_shared>>)
          tpu.yield
        }) : () -> ()
      } else {
      }
      %ge3A = arith.constant 1 : i32
      %ge3A_194 = arith.cmpi sge, %add3A_172, %ge3A : i32
      %convert_element_type3A_195 = arith.extui %ge3A_194 : i1 to i32
      %cond3A_196 = arith.constant 0 : i32
      %cond3A_197 = arith.cmpi ne, %convert_element_type3A_195, %cond3A_196 : i32
      scf.if %cond3A_197 {
        %sub3A = arith.constant 1 : i32
        %sub3A_289 = arith.subi %add3A_172, %sub3A : i32
        %dma_wait3A_290 = arith.constant 0 : i32
        %dma_wait3A_291 = tpu.memref_slice %arg8[%sub3A_289, %dma_wait3A_290] : memref<160x128xi32, #tpu.memory_space<vmem>> -> memref<1x128xi32, #tpu.memory_space<vmem>>
        %dma_wait3A_292 = tpu.memref_squeeze %dma_wait3A_291 : memref<1x128xi32, #tpu.memory_space<vmem>> -> memref<128xi32, #tpu.memory_space<vmem>>
        %dma_wait3A_293 = arith.constant 0 : i32
        %dma_wait3A_294 = arith.constant 0 : i32
        %dma_wait3A_295 = tpu.memref_slice %arg11[%dma_wait3A_293, %dma_wait3A_294] : memref<10240x64xf32, #tpu.memory_space<vmem_shared>> -> memref<10240x64xf32, #tpu.memory_space<vmem_shared>>
        tpu.wait_indirect_dma semaphore(%arg24 : memref<!tpu.dma_semaphore, #tpu.memory_space<semaphore_mem>>) src(%arg16 : memref<128x64xf32, #tpu.memory_space<vmem>>) dst(%dma_wait3A_295 : memref<10240x64xf32, #tpu.memory_space<vmem_shared>>)
        %add3A_296 = arith.constant 4 : i32
        %add3A_297 = arith.addi %add3A_172, %add3A_296 : i32
        %sub3A_298 = arith.constant 1 : i32
        %sub3A_299 = arith.subi %add3A_297, %sub3A_298 : i32
        %dma_start3A_300 = arith.constant 0 : i32
        %dma_start3A_301 = tpu.memref_slice %arg7[%sub3A_299, %dma_start3A_300] : memref<160x128xi32, #tpu.memory_space<vmem>> -> memref<1x128xi32, #tpu.memory_space<vmem>>
        %dma_start3A_302 = tpu.memref_squeeze %dma_start3A_301 : memref<1x128xi32, #tpu.memory_space<vmem>> -> memref<128xi32, #tpu.memory_space<vmem>>
        %dma_start3A_303 = arith.constant 0 : i32
        %dma_start3A_304 = arith.constant 0 : i32
        %dma_start3A_305 = tpu.memref_slice %arg2[%arg0, %dma_start3A_303, %dma_start3A_304] : memref<2x10000x64xf32, #tpu.memory_space<hbm>> -> memref<1x10000x64xf32, #tpu.memory_space<hbm>>
        %dma_start3A_306 = tpu.memref_squeeze %dma_start3A_305 : memref<1x10000x64xf32, #tpu.memory_space<hbm>> -> memref<10000x64xf32, #tpu.memory_space<hbm>>
        %dma_start3A_307 = arith.constant 0 : i32
        %dma_start3A_308 = arith.constant 0 : i32
        %dma_start3A_309 = tpu.memref_slice %dma_start3A_306[%dma_start3A_307, %dma_start3A_308] : memref<10000x64xf32, #tpu.memory_space<hbm>> -> memref<10000x64xf32, #tpu.memory_space<hbm>>
        tpu.enqueue_indirect_dma source(%dma_start3A_309 : memref<10000x64xf32, #tpu.memory_space<hbm>>) target(%arg16 : memref<128x64xf32, #tpu.memory_space<vmem>>) offsets(%dma_start3A_302 : memref<128xi32, #tpu.memory_space<vmem>>) semaphore(%arg20 : memref<!tpu.dma_semaphore, #tpu.memory_space<semaphore_mem>>)
      } else {
      }
      %mul3A_198 = arith.constant 4 : i32
      %mul3A_199 = arith.muli %mul3A_198, %scan3A_167 : i32
      %add3A_200 = arith.constant 1 : i32
      %add3A_201 = arith.addi %mul3A_199, %add3A_200 : i32
      %dma_wait3A_202 = arith.constant 0 : i32
      %dma_wait3A_203 = tpu.memref_slice %arg7[%add3A_201, %dma_wait3A_202] : memref<160x128xi32, #tpu.memory_space<vmem>> -> memref<1x128xi32, #tpu.memory_space<vmem>>
      %dma_wait3A_204 = tpu.memref_squeeze %dma_wait3A_203 : memref<1x128xi32, #tpu.memory_space<vmem>> -> memref<128xi32, #tpu.memory_space<vmem>>
      %dma_wait3A_205 = arith.constant 0 : i32
      %dma_wait3A_206 = arith.constant 0 : i32
      %dma_wait3A_207 = tpu.memref_slice %arg2[%arg0, %dma_wait3A_205, %dma_wait3A_206] : memref<2x10000x64xf32, #tpu.memory_space<hbm>> -> memref<1x10000x64xf32, #tpu.memory_space<hbm>>
      %dma_wait3A_208 = tpu.memref_squeeze %dma_wait3A_207 : memref<1x10000x64xf32, #tpu.memory_space<hbm>> -> memref<10000x64xf32, #tpu.memory_space<hbm>>
      %dma_wait3A_209 = arith.constant 0 : i32
      %dma_wait3A_210 = arith.constant 0 : i32
      %dma_wait3A_211 = tpu.memref_slice %dma_wait3A_208[%dma_wait3A_209, %dma_wait3A_210] : memref<10000x64xf32, #tpu.memory_space<hbm>> -> memref<10000x64xf32, #tpu.memory_space<hbm>>
      tpu.wait_indirect_dma semaphore(%arg18 : memref<!tpu.dma_semaphore, #tpu.memory_space<semaphore_mem>>) src(%dma_wait3A_211 : memref<10000x64xf32, #tpu.memory_space<hbm>>) dst(%arg14 : memref<128x64xf32, #tpu.memory_space<vmem>>)
      %dma_start3A_212 = arith.constant 0 : i32
      %dma_start3A_213 = tpu.memref_slice %arg8[%add3A_201, %dma_start3A_212] : memref<160x128xi32, #tpu.memory_space<vmem>> -> memref<1x128xi32, #tpu.memory_space<vmem>>
      %dma_start3A_214 = tpu.memref_squeeze %dma_start3A_213 : memref<1x128xi32, #tpu.memory_space<vmem>> -> memref<128xi32, #tpu.memory_space<vmem>>
      %dma_start3A_215 = arith.constant 0 : i32
      %dma_start3A_216 = arith.constant 0 : i32
      %dma_start3A_217 = tpu.memref_slice %arg11[%dma_start3A_215, %dma_start3A_216] : memref<10240x64xf32, #tpu.memory_space<vmem_shared>> -> memref<10240x64xf32, #tpu.memory_space<vmem_shared>>
      tpu.enqueue_indirect_dma source(%arg14 : memref<128x64xf32, #tpu.memory_space<vmem>>) target(%dma_start3A_217 : memref<10240x64xf32, #tpu.memory_space<vmem_shared>>) offsets(%dma_start3A_214 : memref<128xi32, #tpu.memory_space<vmem>>) semaphore(%arg22 : memref<!tpu.dma_semaphore, #tpu.memory_space<semaphore_mem>>) {add = true}
      %eq3A_218 = arith.constant 1 : i32
      %eq3A_219 = arith.cmpi eq, %arg0, %eq3A_218 : i32
      %convert_element_type3A_220 = arith.extui %eq3A_219 : i1 to i32
      %cond3A_221 = arith.constant 0 : i32
      %cond3A_222 = arith.cmpi ne, %convert_element_type3A_220, %cond3A_221 : i32
      scf.if %cond3A_222 {
        "tpu.region"() ({
          %run_scoped3A_289 = tpu.sem_alloc : memref<!tpu.dma_semaphore, #tpu.memory_space<semaphore_mem>>
          %dma_start3A_290 = arith.constant 0 : i32
          %dma_start3A_291 = tpu.memref_slice %arg8[%add3A_201, %dma_start3A_290] : memref<160x128xi32, #tpu.memory_space<vmem>> -> memref<1x128xi32, #tpu.memory_space<vmem>>
          %dma_start3A_292 = tpu.memref_squeeze %dma_start3A_291 : memref<1x128xi32, #tpu.memory_space<vmem>> -> memref<128xi32, #tpu.memory_space<vmem>>
          %dma_start3A_293 = arith.constant 0 : i32
          %dma_start3A_294 = arith.constant 0 : i32
          %dma_start3A_295 = tpu.memref_slice %arg12[%dma_start3A_293, %dma_start3A_294] : memref<10240x16xf32, #tpu.memory_space<vmem_shared>> -> memref<10240x16xf32, #tpu.memory_space<vmem_shared>>
          tpu.enqueue_indirect_dma source(%arg9 : memref<128x16xf32, #tpu.memory_space<vmem>>) target(%dma_start3A_295 : memref<10240x16xf32, #tpu.memory_space<vmem_shared>>) offsets(%dma_start3A_292 : memref<128xi32, #tpu.memory_space<vmem>>) semaphore(%run_scoped3A_289 : memref<!tpu.dma_semaphore, #tpu.memory_space<semaphore_mem>>) {add = true}
          %dma_wait3A_296 = arith.constant 0 : i32
          %dma_wait3A_297 = tpu.memref_slice %arg8[%add3A_201, %dma_wait3A_296] : memref<160x128xi32, #tpu.memory_space<vmem>> -> memref<1x128xi32, #tpu.memory_space<vmem>>
          %dma_wait3A_298 = tpu.memref_squeeze %dma_wait3A_297 : memref<1x128xi32, #tpu.memory_space<vmem>> -> memref<128xi32, #tpu.memory_space<vmem>>
          %dma_wait3A_299 = arith.constant 0 : i32
          %dma_wait3A_300 = arith.constant 0 : i32
          %dma_wait3A_301 = tpu.memref_slice %arg12[%dma_wait3A_299, %dma_wait3A_300] : memref<10240x16xf32, #tpu.memory_space<vmem_shared>> -> memref<10240x16xf32, #tpu.memory_space<vmem_shared>>
          tpu.wait_indirect_dma semaphore(%run_scoped3A_289 : memref<!tpu.dma_semaphore, #tpu.memory_space<semaphore_mem>>) src(%arg9 : memref<128x16xf32, #tpu.memory_space<vmem>>) dst(%dma_wait3A_301 : memref<10240x16xf32, #tpu.memory_space<vmem_shared>>)
          tpu.yield
        }) : () -> ()
      } else {
      }
      %ge3A_223 = arith.constant 1 : i32
      %ge3A_224 = arith.cmpi sge, %add3A_201, %ge3A_223 : i32
      %convert_element_type3A_225 = arith.extui %ge3A_224 : i1 to i32
      %cond3A_226 = arith.constant 0 : i32
      %cond3A_227 = arith.cmpi ne, %convert_element_type3A_225, %cond3A_226 : i32
      scf.if %cond3A_227 {
        %sub3A = arith.constant 1 : i32
        %sub3A_289 = arith.subi %add3A_201, %sub3A : i32
        %dma_wait3A_290 = arith.constant 0 : i32
        %dma_wait3A_291 = tpu.memref_slice %arg8[%sub3A_289, %dma_wait3A_290] : memref<160x128xi32, #tpu.memory_space<vmem>> -> memref<1x128xi32, #tpu.memory_space<vmem>>
        %dma_wait3A_292 = tpu.memref_squeeze %dma_wait3A_291 : memref<1x128xi32, #tpu.memory_space<vmem>> -> memref<128xi32, #tpu.memory_space<vmem>>
        %dma_wait3A_293 = arith.constant 0 : i32
        %dma_wait3A_294 = arith.constant 0 : i32
        %dma_wait3A_295 = tpu.memref_slice %arg11[%dma_wait3A_293, %dma_wait3A_294] : memref<10240x64xf32, #tpu.memory_space<vmem_shared>> -> memref<10240x64xf32, #tpu.memory_space<vmem_shared>>
        tpu.wait_indirect_dma semaphore(%arg21 : memref<!tpu.dma_semaphore, #tpu.memory_space<semaphore_mem>>) src(%arg13 : memref<128x64xf32, #tpu.memory_space<vmem>>) dst(%dma_wait3A_295 : memref<10240x64xf32, #tpu.memory_space<vmem_shared>>)
        %add3A_296 = arith.constant 4 : i32
        %add3A_297 = arith.addi %add3A_201, %add3A_296 : i32
        %sub3A_298 = arith.constant 1 : i32
        %sub3A_299 = arith.subi %add3A_297, %sub3A_298 : i32
        %dma_start3A_300 = arith.constant 0 : i32
        %dma_start3A_301 = tpu.memref_slice %arg7[%sub3A_299, %dma_start3A_300] : memref<160x128xi32, #tpu.memory_space<vmem>> -> memref<1x128xi32, #tpu.memory_space<vmem>>
        %dma_start3A_302 = tpu.memref_squeeze %dma_start3A_301 : memref<1x128xi32, #tpu.memory_space<vmem>> -> memref<128xi32, #tpu.memory_space<vmem>>
        %dma_start3A_303 = arith.constant 0 : i32
        %dma_start3A_304 = arith.constant 0 : i32
        %dma_start3A_305 = tpu.memref_slice %arg2[%arg0, %dma_start3A_303, %dma_start3A_304] : memref<2x10000x64xf32, #tpu.memory_space<hbm>> -> memref<1x10000x64xf32, #tpu.memory_space<hbm>>
        %dma_start3A_306 = tpu.memref_squeeze %dma_start3A_305 : memref<1x10000x64xf32, #tpu.memory_space<hbm>> -> memref<10000x64xf32, #tpu.memory_space<hbm>>
        %dma_start3A_307 = arith.constant 0 : i32
        %dma_start3A_308 = arith.constant 0 : i32
        %dma_start3A_309 = tpu.memref_slice %dma_start3A_306[%dma_start3A_307, %dma_start3A_308] : memref<10000x64xf32, #tpu.memory_space<hbm>> -> memref<10000x64xf32, #tpu.memory_space<hbm>>
        tpu.enqueue_indirect_dma source(%dma_start3A_309 : memref<10000x64xf32, #tpu.memory_space<hbm>>) target(%arg13 : memref<128x64xf32, #tpu.memory_space<vmem>>) offsets(%dma_start3A_302 : memref<128xi32, #tpu.memory_space<vmem>>) semaphore(%arg17 : memref<!tpu.dma_semaphore, #tpu.memory_space<semaphore_mem>>)
      } else {
      }
      %mul3A_228 = arith.constant 4 : i32
      %mul3A_229 = arith.muli %mul3A_228, %scan3A_167 : i32
      %add3A_230 = arith.constant 2 : i32
      %add3A_231 = arith.addi %mul3A_229, %add3A_230 : i32
      %dma_wait3A_232 = arith.constant 0 : i32
      %dma_wait3A_233 = tpu.memref_slice %arg7[%add3A_231, %dma_wait3A_232] : memref<160x128xi32, #tpu.memory_space<vmem>> -> memref<1x128xi32, #tpu.memory_space<vmem>>
      %dma_wait3A_234 = tpu.memref_squeeze %dma_wait3A_233 : memref<1x128xi32, #tpu.memory_space<vmem>> -> memref<128xi32, #tpu.memory_space<vmem>>
      %dma_wait3A_235 = arith.constant 0 : i32
      %dma_wait3A_236 = arith.constant 0 : i32
      %dma_wait3A_237 = tpu.memref_slice %arg2[%arg0, %dma_wait3A_235, %dma_wait3A_236] : memref<2x10000x64xf32, #tpu.memory_space<hbm>> -> memref<1x10000x64xf32, #tpu.memory_space<hbm>>
      %dma_wait3A_238 = tpu.memref_squeeze %dma_wait3A_237 : memref<1x10000x64xf32, #tpu.memory_space<hbm>> -> memref<10000x64xf32, #tpu.memory_space<hbm>>
      %dma_wait3A_239 = arith.constant 0 : i32
      %dma_wait3A_240 = arith.constant 0 : i32
      %dma_wait3A_241 = tpu.memref_slice %dma_wait3A_238[%dma_wait3A_239, %dma_wait3A_240] : memref<10000x64xf32, #tpu.memory_space<hbm>> -> memref<10000x64xf32, #tpu.memory_space<hbm>>
      tpu.wait_indirect_dma semaphore(%arg19 : memref<!tpu.dma_semaphore, #tpu.memory_space<semaphore_mem>>) src(%dma_wait3A_241 : memref<10000x64xf32, #tpu.memory_space<hbm>>) dst(%arg15 : memref<128x64xf32, #tpu.memory_space<vmem>>)
      %dma_start3A_242 = arith.constant 0 : i32
      %dma_start3A_243 = tpu.memref_slice %arg8[%add3A_231, %dma_start3A_242] : memref<160x128xi32, #tpu.memory_space<vmem>> -> memref<1x128xi32, #tpu.memory_space<vmem>>
      %dma_start3A_244 = tpu.memref_squeeze %dma_start3A_243 : memref<1x128xi32, #tpu.memory_space<vmem>> -> memref<128xi32, #tpu.memory_space<vmem>>
      %dma_start3A_245 = arith.constant 0 : i32
      %dma_start3A_246 = arith.constant 0 : i32
      %dma_start3A_247 = tpu.memref_slice %arg11[%dma_start3A_245, %dma_start3A_246] : memref<10240x64xf32, #tpu.memory_space<vmem_shared>> -> memref<10240x64xf32, #tpu.memory_space<vmem_shared>>
      tpu.enqueue_indirect_dma source(%arg15 : memref<128x64xf32, #tpu.memory_space<vmem>>) target(%dma_start3A_247 : memref<10240x64xf32, #tpu.memory_space<vmem_shared>>) offsets(%dma_start3A_244 : memref<128xi32, #tpu.memory_space<vmem>>) semaphore(%arg23 : memref<!tpu.dma_semaphore, #tpu.memory_space<semaphore_mem>>) {add = true}
      %eq3A_248 = arith.constant 0 : i32
      %eq3A_249 = arith.cmpi eq, %arg0, %eq3A_248 : i32
      %convert_element_type3A_250 = arith.extui %eq3A_249 : i1 to i32
      %cond3A_251 = arith.constant 0 : i32
      %cond3A_252 = arith.cmpi ne, %convert_element_type3A_250, %cond3A_251 : i32
      scf.if %cond3A_252 {
        "tpu.region"() ({
          %run_scoped3A_289 = tpu.sem_alloc : memref<!tpu.dma_semaphore, #tpu.memory_space<semaphore_mem>>
          %dma_start3A_290 = arith.constant 0 : i32
          %dma_start3A_291 = tpu.memref_slice %arg8[%add3A_231, %dma_start3A_290] : memref<160x128xi32, #tpu.memory_space<vmem>> -> memref<1x128xi32, #tpu.memory_space<vmem>>
          %dma_start3A_292 = tpu.memref_squeeze %dma_start3A_291 : memref<1x128xi32, #tpu.memory_space<vmem>> -> memref<128xi32, #tpu.memory_space<vmem>>
          %dma_start3A_293 = arith.constant 0 : i32
          %dma_start3A_294 = arith.constant 0 : i32
          %dma_start3A_295 = tpu.memref_slice %arg12[%dma_start3A_293, %dma_start3A_294] : memref<10240x16xf32, #tpu.memory_space<vmem_shared>> -> memref<10240x16xf32, #tpu.memory_space<vmem_shared>>
          tpu.enqueue_indirect_dma source(%arg9 : memref<128x16xf32, #tpu.memory_space<vmem>>) target(%dma_start3A_295 : memref<10240x16xf32, #tpu.memory_space<vmem_shared>>) offsets(%dma_start3A_292 : memref<128xi32, #tpu.memory_space<vmem>>) semaphore(%run_scoped3A_289 : memref<!tpu.dma_semaphore, #tpu.memory_space<semaphore_mem>>) {add = true}
          %dma_wait3A_296 = arith.constant 0 : i32
          %dma_wait3A_297 = tpu.memref_slice %arg8[%add3A_231, %dma_wait3A_296] : memref<160x128xi32, #tpu.memory_space<vmem>> -> memref<1x128xi32, #tpu.memory_space<vmem>>
          %dma_wait3A_298 = tpu.memref_squeeze %dma_wait3A_297 : memref<1x128xi32, #tpu.memory_space<vmem>> -> memref<128xi32, #tpu.memory_space<vmem>>
          %dma_wait3A_299 = arith.constant 0 : i32
          %dma_wait3A_300 = arith.constant 0 : i32
          %dma_wait3A_301 = tpu.memref_slice %arg12[%dma_wait3A_299, %dma_wait3A_300] : memref<10240x16xf32, #tpu.memory_space<vmem_shared>> -> memref<10240x16xf32, #tpu.memory_space<vmem_shared>>
          tpu.wait_indirect_dma semaphore(%run_scoped3A_289 : memref<!tpu.dma_semaphore, #tpu.memory_space<semaphore_mem>>) src(%arg9 : memref<128x16xf32, #tpu.memory_space<vmem>>) dst(%dma_wait3A_301 : memref<10240x16xf32, #tpu.memory_space<vmem_shared>>)
          tpu.yield
        }) : () -> ()
      } else {
      }
      %ge3A_253 = arith.constant 1 : i32
      %ge3A_254 = arith.cmpi sge, %add3A_231, %ge3A_253 : i32
      %convert_element_type3A_255 = arith.extui %ge3A_254 : i1 to i32
      %cond3A_256 = arith.constant 0 : i32
      %cond3A_257 = arith.cmpi ne, %convert_element_type3A_255, %cond3A_256 : i32
      scf.if %cond3A_257 {
        %sub3A = arith.constant 1 : i32
        %sub3A_289 = arith.subi %add3A_231, %sub3A : i32
        %dma_wait3A_290 = arith.constant 0 : i32
        %dma_wait3A_291 = tpu.memref_slice %arg8[%sub3A_289, %dma_wait3A_290] : memref<160x128xi32, #tpu.memory_space<vmem>> -> memref<1x128xi32, #tpu.memory_space<vmem>>
        %dma_wait3A_292 = tpu.memref_squeeze %dma_wait3A_291 : memref<1x128xi32, #tpu.memory_space<vmem>> -> memref<128xi32, #tpu.memory_space<vmem>>
        %dma_wait3A_293 = arith.constant 0 : i32
        %dma_wait3A_294 = arith.constant 0 : i32
        %dma_wait3A_295 = tpu.memref_slice %arg11[%dma_wait3A_293, %dma_wait3A_294] : memref<10240x64xf32, #tpu.memory_space<vmem_shared>> -> memref<10240x64xf32, #tpu.memory_space<vmem_shared>>
        tpu.wait_indirect_dma semaphore(%arg22 : memref<!tpu.dma_semaphore, #tpu.memory_space<semaphore_mem>>) src(%arg14 : memref<128x64xf32, #tpu.memory_space<vmem>>) dst(%dma_wait3A_295 : memref<10240x64xf32, #tpu.memory_space<vmem_shared>>)
        %add3A_296 = arith.constant 4 : i32
        %add3A_297 = arith.addi %add3A_231, %add3A_296 : i32
        %sub3A_298 = arith.constant 1 : i32
        %sub3A_299 = arith.subi %add3A_297, %sub3A_298 : i32
        %dma_start3A_300 = arith.constant 0 : i32
        %dma_start3A_301 = tpu.memref_slice %arg7[%sub3A_299, %dma_start3A_300] : memref<160x128xi32, #tpu.memory_space<vmem>> -> memref<1x128xi32, #tpu.memory_space<vmem>>
        %dma_start3A_302 = tpu.memref_squeeze %dma_start3A_301 : memref<1x128xi32, #tpu.memory_space<vmem>> -> memref<128xi32, #tpu.memory_space<vmem>>
        %dma_start3A_303 = arith.constant 0 : i32
        %dma_start3A_304 = arith.constant 0 : i32
        %dma_start3A_305 = tpu.memref_slice %arg2[%arg0, %dma_start3A_303, %dma_start3A_304] : memref<2x10000x64xf32, #tpu.memory_space<hbm>> -> memref<1x10000x64xf32, #tpu.memory_space<hbm>>
        %dma_start3A_306 = tpu.memref_squeeze %dma_start3A_305 : memref<1x10000x64xf32, #tpu.memory_space<hbm>> -> memref<10000x64xf32, #tpu.memory_space<hbm>>
        %dma_start3A_307 = arith.constant 0 : i32
        %dma_start3A_308 = arith.constant 0 : i32
        %dma_start3A_309 = tpu.memref_slice %dma_start3A_306[%dma_start3A_307, %dma_start3A_308] : memref<10000x64xf32, #tpu.memory_space<hbm>> -> memref<10000x64xf32, #tpu.memory_space<hbm>>
        tpu.enqueue_indirect_dma source(%dma_start3A_309 : memref<10000x64xf32, #tpu.memory_space<hbm>>) target(%arg14 : memref<128x64xf32, #tpu.memory_space<vmem>>) offsets(%dma_start3A_302 : memref<128xi32, #tpu.memory_space<vmem>>) semaphore(%arg18 : memref<!tpu.dma_semaphore, #tpu.memory_space<semaphore_mem>>)
      } else {
      }
      %mul3A_258 = arith.constant 4 : i32
      %mul3A_259 = arith.muli %mul3A_258, %scan3A_167 : i32
      %add3A_260 = arith.constant 3 : i32
      %add3A_261 = arith.addi %mul3A_259, %add3A_260 : i32
      %dma_wait3A_262 = arith.constant 0 : i32
      %dma_wait3A_263 = tpu.memref_slice %arg7[%add3A_261, %dma_wait3A_262] : memref<160x128xi32, #tpu.memory_space<vmem>> -> memref<1x128xi32, #tpu.memory_space<vmem>>
      %dma_wait3A_264 = tpu.memref_squeeze %dma_wait3A_263 : memref<1x128xi32, #tpu.memory_space<vmem>> -> memref<128xi32, #tpu.memory_space<vmem>>
      %dma_wait3A_265 = arith.constant 0 : i32
      %dma_wait3A_266 = arith.constant 0 : i32
      %dma_wait3A_267 = tpu.memref_slice %arg2[%arg0, %dma_wait3A_265, %dma_wait3A_266] : memref<2x10000x64xf32, #tpu.memory_space<hbm>> -> memref<1x10000x64xf32, #tpu.memory_space<hbm>>
      %dma_wait3A_268 = tpu.memref_squeeze %dma_wait3A_267 : memref<1x10000x64xf32, #tpu.memory_space<hbm>> -> memref<10000x64xf32, #tpu.memory_space<hbm>>
      %dma_wait3A_269 = arith.constant 0 : i32
      %dma_wait3A_270 = arith.constant 0 : i32
      %dma_wait3A_271 = tpu.memref_slice %dma_wait3A_268[%dma_wait3A_269, %dma_wait3A_270] : memref<10000x64xf32, #tpu.memory_space<hbm>> -> memref<10000x64xf32, #tpu.memory_space<hbm>>
      tpu.wait_indirect_dma semaphore(%arg20 : memref<!tpu.dma_semaphore, #tpu.memory_space<semaphore_mem>>) src(%dma_wait3A_271 : memref<10000x64xf32, #tpu.memory_space<hbm>>) dst(%arg16 : memref<128x64xf32, #tpu.memory_space<vmem>>)
      %dma_start3A_272 = arith.constant 0 : i32
      %dma_start3A_273 = tpu.memref_slice %arg8[%add3A_261, %dma_start3A_272] : memref<160x128xi32, #tpu.memory_space<vmem>> -> memref<1x128xi32, #tpu.memory_space<vmem>>
      %dma_start3A_274 = tpu.memref_squeeze %dma_start3A_273 : memref<1x128xi32, #tpu.memory_space<vmem>> -> memref<128xi32, #tpu.memory_space<vmem>>
      %dma_start3A_275 = arith.constant 0 : i32
      %dma_start3A_276 = arith.constant 0 : i32
      %dma_start3A_277 = tpu.memref_slice %arg11[%dma_start3A_275, %dma_start3A_276] : memref<10240x64xf32, #tpu.memory_space<vmem_shared>> -> memref<10240x64xf32, #tpu.memory_space<vmem_shared>>
      tpu.enqueue_indirect_dma source(%arg16 : memref<128x64xf32, #tpu.memory_space<vmem>>) target(%dma_start3A_277 : memref<10240x64xf32, #tpu.memory_space<vmem_shared>>) offsets(%dma_start3A_274 : memref<128xi32, #tpu.memory_space<vmem>>) semaphore(%arg24 : memref<!tpu.dma_semaphore, #tpu.memory_space<semaphore_mem>>) {add = true}
      %eq3A_278 = arith.constant 1 : i32
      %eq3A_279 = arith.cmpi eq, %arg0, %eq3A_278 : i32
      %convert_element_type3A_280 = arith.extui %eq3A_279 : i1 to i32
      %cond3A_281 = arith.constant 0 : i32
      %cond3A_282 = arith.cmpi ne, %convert_element_type3A_280, %cond3A_281 : i32
      scf.if %cond3A_282 {
        "tpu.region"() ({
          %run_scoped3A_289 = tpu.sem_alloc : memref<!tpu.dma_semaphore, #tpu.memory_space<semaphore_mem>>
          %dma_start3A_290 = arith.constant 0 : i32
          %dma_start3A_291 = tpu.memref_slice %arg8[%add3A_261, %dma_start3A_290] : memref<160x128xi32, #tpu.memory_space<vmem>> -> memref<1x128xi32, #tpu.memory_space<vmem>>
          %dma_start3A_292 = tpu.memref_squeeze %dma_start3A_291 : memref<1x128xi32, #tpu.memory_space<vmem>> -> memref<128xi32, #tpu.memory_space<vmem>>
          %dma_start3A_293 = arith.constant 0 : i32
          %dma_start3A_294 = arith.constant 0 : i32
          %dma_start3A_295 = tpu.memref_slice %arg12[%dma_start3A_293, %dma_start3A_294] : memref<10240x16xf32, #tpu.memory_space<vmem_shared>> -> memref<10240x16xf32, #tpu.memory_space<vmem_shared>>
          tpu.enqueue_indirect_dma source(%arg9 : memref<128x16xf32, #tpu.memory_space<vmem>>) target(%dma_start3A_295 : memref<10240x16xf32, #tpu.memory_space<vmem_shared>>) offsets(%dma_start3A_292 : memref<128xi32, #tpu.memory_space<vmem>>) semaphore(%run_scoped3A_289 : memref<!tpu.dma_semaphore, #tpu.memory_space<semaphore_mem>>) {add = true}
          %dma_wait3A_296 = arith.constant 0 : i32
          %dma_wait3A_297 = tpu.memref_slice %arg8[%add3A_261, %dma_wait3A_296] : memref<160x128xi32, #tpu.memory_space<vmem>> -> memref<1x128xi32, #tpu.memory_space<vmem>>
          %dma_wait3A_298 = tpu.memref_squeeze %dma_wait3A_297 : memref<1x128xi32, #tpu.memory_space<vmem>> -> memref<128xi32, #tpu.memory_space<vmem>>
          %dma_wait3A_299 = arith.constant 0 : i32
          %dma_wait3A_300 = arith.constant 0 : i32
          %dma_wait3A_301 = tpu.memref_slice %arg12[%dma_wait3A_299, %dma_wait3A_300] : memref<10240x16xf32, #tpu.memory_space<vmem_shared>> -> memref<10240x16xf32, #tpu.memory_space<vmem_shared>>
          tpu.wait_indirect_dma semaphore(%run_scoped3A_289 : memref<!tpu.dma_semaphore, #tpu.memory_space<semaphore_mem>>) src(%arg9 : memref<128x16xf32, #tpu.memory_space<vmem>>) dst(%dma_wait3A_301 : memref<10240x16xf32, #tpu.memory_space<vmem_shared>>)
          tpu.yield
        }) : () -> ()
      } else {
      }
      %ge3A_283 = arith.constant 1 : i32
      %ge3A_284 = arith.cmpi sge, %add3A_261, %ge3A_283 : i32
      %convert_element_type3A_285 = arith.extui %ge3A_284 : i1 to i32
      %cond3A_286 = arith.constant 0 : i32
      %cond3A_287 = arith.cmpi ne, %convert_element_type3A_285, %cond3A_286 : i32
      scf.if %cond3A_287 {
        %sub3A = arith.constant 1 : i32
        %sub3A_289 = arith.subi %add3A_261, %sub3A : i32
        %dma_wait3A_290 = arith.constant 0 : i32
        %dma_wait3A_291 = tpu.memref_slice %arg8[%sub3A_289, %dma_wait3A_290] : memref<160x128xi32, #tpu.memory_space<vmem>> -> memref<1x128xi32, #tpu.memory_space<vmem>>
        %dma_wait3A_292 = tpu.memref_squeeze %dma_wait3A_291 : memref<1x128xi32, #tpu.memory_space<vmem>> -> memref<128xi32, #tpu.memory_space<vmem>>
        %dma_wait3A_293 = arith.constant 0 : i32
        %dma_wait3A_294 = arith.constant 0 : i32
        %dma_wait3A_295 = tpu.memref_slice %arg11[%dma_wait3A_293, %dma_wait3A_294] : memref<10240x64xf32, #tpu.memory_space<vmem_shared>> -> memref<10240x64xf32, #tpu.memory_space<vmem_shared>>
        tpu.wait_indirect_dma semaphore(%arg23 : memref<!tpu.dma_semaphore, #tpu.memory_space<semaphore_mem>>) src(%arg15 : memref<128x64xf32, #tpu.memory_space<vmem>>) dst(%dma_wait3A_295 : memref<10240x64xf32, #tpu.memory_space<vmem_shared>>)
        %add3A_296 = arith.constant 4 : i32
        %add3A_297 = arith.addi %add3A_261, %add3A_296 : i32
        %sub3A_298 = arith.constant 1 : i32
        %sub3A_299 = arith.subi %add3A_297, %sub3A_298 : i32
        %dma_start3A_300 = arith.constant 0 : i32
        %dma_start3A_301 = tpu.memref_slice %arg7[%sub3A_299, %dma_start3A_300] : memref<160x128xi32, #tpu.memory_space<vmem>> -> memref<1x128xi32, #tpu.memory_space<vmem>>
        %dma_start3A_302 = tpu.memref_squeeze %dma_start3A_301 : memref<1x128xi32, #tpu.memory_space<vmem>> -> memref<128xi32, #tpu.memory_space<vmem>>
        %dma_start3A_303 = arith.constant 0 : i32
        %dma_start3A_304 = arith.constant 0 : i32
        %dma_start3A_305 = tpu.memref_slice %arg2[%arg0, %dma_start3A_303, %dma_start3A_304] : memref<2x10000x64xf32, #tpu.memory_space<hbm>> -> memref<1x10000x64xf32, #tpu.memory_space<hbm>>
        %dma_start3A_306 = tpu.memref_squeeze %dma_start3A_305 : memref<1x10000x64xf32, #tpu.memory_space<hbm>> -> memref<10000x64xf32, #tpu.memory_space<hbm>>
        %dma_start3A_307 = arith.constant 0 : i32
        %dma_start3A_308 = arith.constant 0 : i32
        %dma_start3A_309 = tpu.memref_slice %dma_start3A_306[%dma_start3A_307, %dma_start3A_308] : memref<10000x64xf32, #tpu.memory_space<hbm>> -> memref<10000x64xf32, #tpu.memory_space<hbm>>
        tpu.enqueue_indirect_dma source(%dma_start3A_309 : memref<10000x64xf32, #tpu.memory_space<hbm>>) target(%arg15 : memref<128x64xf32, #tpu.memory_space<vmem>>) offsets(%dma_start3A_302 : memref<128xi32, #tpu.memory_space<vmem>>) semaphore(%arg19 : memref<!tpu.dma_semaphore, #tpu.memory_space<semaphore_mem>>)
      } else {
      }
      %scan3A_288 = arith.constant 0 : i32
      scf.yield %scan3A_288 : i32
    }
    %scan3A_82 = arith.constant 39 : i32
    %dma_wait3A = arith.constant 155 : i32
    %dma_wait3A_83 = arith.constant 0 : i32
    %dma_wait3A_84 = tpu.memref_slice %arg8[%dma_wait3A, %dma_wait3A_83] : memref<160x128xi32, #tpu.memory_space<vmem>> -> memref<1x128xi32, #tpu.memory_space<vmem>>
    %dma_wait3A_85 = tpu.memref_squeeze %dma_wait3A_84 : memref<1x128xi32, #tpu.memory_space<vmem>> -> memref<128xi32, #tpu.memory_space<vmem>>
    %dma_wait3A_86 = arith.constant 0 : i32
    %dma_wait3A_87 = arith.constant 0 : i32
    %dma_wait3A_88 = tpu.memref_slice %arg11[%dma_wait3A_86, %dma_wait3A_87] : memref<10240x64xf32, #tpu.memory_space<vmem_shared>> -> memref<10240x64xf32, #tpu.memory_space<vmem_shared>>
    tpu.wait_indirect_dma semaphore(%arg24 : memref<!tpu.dma_semaphore, #tpu.memory_space<semaphore_mem>>) src(%arg16 : memref<128x64xf32, #tpu.memory_space<vmem>>) dst(%dma_wait3A_88 : memref<10240x64xf32, #tpu.memory_space<vmem_shared>>)
    %dma_start3A_89 = arith.constant 159 : i32
    %dma_start3A_90 = arith.constant 0 : i32
    %dma_start3A_91 = tpu.memref_slice %arg7[%dma_start3A_89, %dma_start3A_90] : memref<160x128xi32, #tpu.memory_space<vmem>> -> memref<1x128xi32, #tpu.memory_space<vmem>>
    %dma_start3A_92 = tpu.memref_squeeze %dma_start3A_91 : memref<1x128xi32, #tpu.memory_space<vmem>> -> memref<128xi32, #tpu.memory_space<vmem>>
    %dma_start3A_93 = arith.constant 0 : i32
    %dma_start3A_94 = arith.constant 0 : i32
    %dma_start3A_95 = tpu.memref_slice %arg2[%arg0, %dma_start3A_93, %dma_start3A_94] : memref<2x10000x64xf32, #tpu.memory_space<hbm>> -> memref<1x10000x64xf32, #tpu.memory_space<hbm>>
    %dma_start3A_96 = tpu.memref_squeeze %dma_start3A_95 : memref<1x10000x64xf32, #tpu.memory_space<hbm>> -> memref<10000x64xf32, #tpu.memory_space<hbm>>
    %dma_start3A_97 = arith.constant 0 : i32
    %dma_start3A_98 = arith.constant 0 : i32
    %dma_start3A_99 = tpu.memref_slice %dma_start3A_96[%dma_start3A_97, %dma_start3A_98] : memref<10000x64xf32, #tpu.memory_space<hbm>> -> memref<10000x64xf32, #tpu.memory_space<hbm>>
    tpu.enqueue_indirect_dma source(%dma_start3A_99 : memref<10000x64xf32, #tpu.memory_space<hbm>>) target(%arg16 : memref<128x64xf32, #tpu.memory_space<vmem>>) offsets(%dma_start3A_92 : memref<128xi32, #tpu.memory_space<vmem>>) semaphore(%arg20 : memref<!tpu.dma_semaphore, #tpu.memory_space<semaphore_mem>>)
    %dma_wait3A_100 = arith.constant 156 : i32
    %dma_wait3A_101 = arith.constant 0 : i32
    %dma_wait3A_102 = tpu.memref_slice %arg7[%dma_wait3A_100, %dma_wait3A_101] : memref<160x128xi32, #tpu.memory_space<vmem>> -> memref<1x128xi32, #tpu.memory_space<vmem>>
    %dma_wait3A_103 = tpu.memref_squeeze %dma_wait3A_102 : memref<1x128xi32, #tpu.memory_space<vmem>> -> memref<128xi32, #tpu.memory_space<vmem>>
    %dma_wait3A_104 = arith.constant 0 : i32
    %dma_wait3A_105 = arith.constant 0 : i32
    %dma_wait3A_106 = tpu.memref_slice %arg2[%arg0, %dma_wait3A_104, %dma_wait3A_105] : memref<2x10000x64xf32, #tpu.memory_space<hbm>> -> memref<1x10000x64xf32, #tpu.memory_space<hbm>>
    %dma_wait3A_107 = tpu.memref_squeeze %dma_wait3A_106 : memref<1x10000x64xf32, #tpu.memory_space<hbm>> -> memref<10000x64xf32, #tpu.memory_space<hbm>>
    %dma_wait3A_108 = arith.constant 0 : i32
    %dma_wait3A_109 = arith.constant 0 : i32
    %dma_wait3A_110 = tpu.memref_slice %dma_wait3A_107[%dma_wait3A_108, %dma_wait3A_109] : memref<10000x64xf32, #tpu.memory_space<hbm>> -> memref<10000x64xf32, #tpu.memory_space<hbm>>
    tpu.wait_indirect_dma semaphore(%arg17 : memref<!tpu.dma_semaphore, #tpu.memory_space<semaphore_mem>>) src(%dma_wait3A_110 : memref<10000x64xf32, #tpu.memory_space<hbm>>) dst(%arg13 : memref<128x64xf32, #tpu.memory_space<vmem>>)
    %run_scoped3A = arith.constant 156 : i32
    "tpu.region"() ({
      %run_scoped3A_167 = tpu.sem_alloc : memref<!tpu.dma_semaphore, #tpu.memory_space<semaphore_mem>>
      %dma_start3A_168 = arith.constant 0 : i32
      %dma_start3A_169 = tpu.memref_slice %arg8[%run_scoped3A, %dma_start3A_168] : memref<160x128xi32, #tpu.memory_space<vmem>> -> memref<1x128xi32, #tpu.memory_space<vmem>>
      %dma_start3A_170 = tpu.memref_squeeze %dma_start3A_169 : memref<1x128xi32, #tpu.memory_space<vmem>> -> memref<128xi32, #tpu.memory_space<vmem>>
      %dma_start3A_171 = arith.constant 0 : i32
      %dma_start3A_172 = arith.constant 0 : i32
      %dma_start3A_173 = tpu.memref_slice %arg11[%dma_start3A_171, %dma_start3A_172] : memref<10240x64xf32, #tpu.memory_space<vmem_shared>> -> memref<10240x64xf32, #tpu.memory_space<vmem_shared>>
      tpu.enqueue_indirect_dma source(%arg13 : memref<128x64xf32, #tpu.memory_space<vmem>>) target(%dma_start3A_173 : memref<10240x64xf32, #tpu.memory_space<vmem_shared>>) offsets(%dma_start3A_170 : memref<128xi32, #tpu.memory_space<vmem>>) semaphore(%run_scoped3A_167 : memref<!tpu.dma_semaphore, #tpu.memory_space<semaphore_mem>>) {add = true}
      %dma_wait3A_174 = arith.constant 0 : i32
      %dma_wait3A_175 = tpu.memref_slice %arg8[%run_scoped3A, %dma_wait3A_174] : memref<160x128xi32, #tpu.memory_space<vmem>> -> memref<1x128xi32, #tpu.memory_space<vmem>>
      %dma_wait3A_176 = tpu.memref_squeeze %dma_wait3A_175 : memref<1x128xi32, #tpu.memory_space<vmem>> -> memref<128xi32, #tpu.memory_space<vmem>>
      %dma_wait3A_177 = arith.constant 0 : i32
      %dma_wait3A_178 = arith.constant 0 : i32
      %dma_wait3A_179 = tpu.memref_slice %arg11[%dma_wait3A_177, %dma_wait3A_178] : memref<10240x64xf32, #tpu.memory_space<vmem_shared>> -> memref<10240x64xf32, #tpu.memory_space<vmem_shared>>
      tpu.wait_indirect_dma semaphore(%run_scoped3A_167 : memref<!tpu.dma_semaphore, #tpu.memory_space<semaphore_mem>>) src(%arg13 : memref<128x64xf32, #tpu.memory_space<vmem>>) dst(%dma_wait3A_179 : memref<10240x64xf32, #tpu.memory_space<vmem_shared>>)
      tpu.yield
    }) : () -> ()
    %eq3A = arith.constant 0 : i32
    %eq3A_111 = arith.cmpi eq, %arg0, %eq3A : i32
    %convert_element_type3A = arith.extui %eq3A_111 : i1 to i32
    %cond3A = arith.constant 0 : i32
    %cond3A_112 = arith.cmpi ne, %convert_element_type3A, %cond3A : i32
    scf.if %cond3A_112 {
      %run_scoped3A_167 = arith.constant 156 : i32
      "tpu.region"() ({
        %run_scoped3A_168 = tpu.sem_alloc : memref<!tpu.dma_semaphore, #tpu.memory_space<semaphore_mem>>
        %dma_start3A_169 = arith.constant 0 : i32
        %dma_start3A_170 = tpu.memref_slice %arg8[%run_scoped3A_167, %dma_start3A_169] : memref<160x128xi32, #tpu.memory_space<vmem>> -> memref<1x128xi32, #tpu.memory_space<vmem>>
        %dma_start3A_171 = tpu.memref_squeeze %dma_start3A_170 : memref<1x128xi32, #tpu.memory_space<vmem>> -> memref<128xi32, #tpu.memory_space<vmem>>
        %dma_start3A_172 = arith.constant 0 : i32
        %dma_start3A_173 = arith.constant 0 : i32
        %dma_start3A_174 = tpu.memref_slice %arg12[%dma_start3A_172, %dma_start3A_173] : memref<10240x16xf32, #tpu.memory_space<vmem_shared>> -> memref<10240x16xf32, #tpu.memory_space<vmem_shared>>
        tpu.enqueue_indirect_dma source(%arg9 : memref<128x16xf32, #tpu.memory_space<vmem>>) target(%dma_start3A_174 : memref<10240x16xf32, #tpu.memory_space<vmem_shared>>) offsets(%dma_start3A_171 : memref<128xi32, #tpu.memory_space<vmem>>) semaphore(%run_scoped3A_168 : memref<!tpu.dma_semaphore, #tpu.memory_space<semaphore_mem>>) {add = true}
        %dma_wait3A_175 = arith.constant 0 : i32
        %dma_wait3A_176 = tpu.memref_slice %arg8[%run_scoped3A_167, %dma_wait3A_175] : memref<160x128xi32, #tpu.memory_space<vmem>> -> memref<1x128xi32, #tpu.memory_space<vmem>>
        %dma_wait3A_177 = tpu.memref_squeeze %dma_wait3A_176 : memref<1x128xi32, #tpu.memory_space<vmem>> -> memref<128xi32, #tpu.memory_space<vmem>>
        %dma_wait3A_178 = arith.constant 0 : i32
        %dma_wait3A_179 = arith.constant 0 : i32
        %dma_wait3A_180 = tpu.memref_slice %arg12[%dma_wait3A_178, %dma_wait3A_179] : memref<10240x16xf32, #tpu.memory_space<vmem_shared>> -> memref<10240x16xf32, #tpu.memory_space<vmem_shared>>
        tpu.wait_indirect_dma semaphore(%run_scoped3A_168 : memref<!tpu.dma_semaphore, #tpu.memory_space<semaphore_mem>>) src(%arg9 : memref<128x16xf32, #tpu.memory_space<vmem>>) dst(%dma_wait3A_180 : memref<10240x16xf32, #tpu.memory_space<vmem_shared>>)
        tpu.yield
      }) : () -> ()
    } else {
    }
    %dma_wait3A_113 = arith.constant 157 : i32
    %dma_wait3A_114 = arith.constant 0 : i32
    %dma_wait3A_115 = tpu.memref_slice %arg7[%dma_wait3A_113, %dma_wait3A_114] : memref<160x128xi32, #tpu.memory_space<vmem>> -> memref<1x128xi32, #tpu.memory_space<vmem>>
    %dma_wait3A_116 = tpu.memref_squeeze %dma_wait3A_115 : memref<1x128xi32, #tpu.memory_space<vmem>> -> memref<128xi32, #tpu.memory_space<vmem>>
    %dma_wait3A_117 = arith.constant 0 : i32
    %dma_wait3A_118 = arith.constant 0 : i32
    %dma_wait3A_119 = tpu.memref_slice %arg2[%arg0, %dma_wait3A_117, %dma_wait3A_118] : memref<2x10000x64xf32, #tpu.memory_space<hbm>> -> memref<1x10000x64xf32, #tpu.memory_space<hbm>>
    %dma_wait3A_120 = tpu.memref_squeeze %dma_wait3A_119 : memref<1x10000x64xf32, #tpu.memory_space<hbm>> -> memref<10000x64xf32, #tpu.memory_space<hbm>>
    %dma_wait3A_121 = arith.constant 0 : i32
    %dma_wait3A_122 = arith.constant 0 : i32
    %dma_wait3A_123 = tpu.memref_slice %dma_wait3A_120[%dma_wait3A_121, %dma_wait3A_122] : memref<10000x64xf32, #tpu.memory_space<hbm>> -> memref<10000x64xf32, #tpu.memory_space<hbm>>
    tpu.wait_indirect_dma semaphore(%arg18 : memref<!tpu.dma_semaphore, #tpu.memory_space<semaphore_mem>>) src(%dma_wait3A_123 : memref<10000x64xf32, #tpu.memory_space<hbm>>) dst(%arg14 : memref<128x64xf32, #tpu.memory_space<vmem>>)
    %run_scoped3A_124 = arith.constant 157 : i32
    "tpu.region"() ({
      %run_scoped3A_167 = tpu.sem_alloc : memref<!tpu.dma_semaphore, #tpu.memory_space<semaphore_mem>>
      %dma_start3A_168 = arith.constant 0 : i32
      %dma_start3A_169 = tpu.memref_slice %arg8[%run_scoped3A_124, %dma_start3A_168] : memref<160x128xi32, #tpu.memory_space<vmem>> -> memref<1x128xi32, #tpu.memory_space<vmem>>
      %dma_start3A_170 = tpu.memref_squeeze %dma_start3A_169 : memref<1x128xi32, #tpu.memory_space<vmem>> -> memref<128xi32, #tpu.memory_space<vmem>>
      %dma_start3A_171 = arith.constant 0 : i32
      %dma_start3A_172 = arith.constant 0 : i32
      %dma_start3A_173 = tpu.memref_slice %arg11[%dma_start3A_171, %dma_start3A_172] : memref<10240x64xf32, #tpu.memory_space<vmem_shared>> -> memref<10240x64xf32, #tpu.memory_space<vmem_shared>>
      tpu.enqueue_indirect_dma source(%arg14 : memref<128x64xf32, #tpu.memory_space<vmem>>) target(%dma_start3A_173 : memref<10240x64xf32, #tpu.memory_space<vmem_shared>>) offsets(%dma_start3A_170 : memref<128xi32, #tpu.memory_space<vmem>>) semaphore(%run_scoped3A_167 : memref<!tpu.dma_semaphore, #tpu.memory_space<semaphore_mem>>) {add = true}
      %dma_wait3A_174 = arith.constant 0 : i32
      %dma_wait3A_175 = tpu.memref_slice %arg8[%run_scoped3A_124, %dma_wait3A_174] : memref<160x128xi32, #tpu.memory_space<vmem>> -> memref<1x128xi32, #tpu.memory_space<vmem>>
      %dma_wait3A_176 = tpu.memref_squeeze %dma_wait3A_175 : memref<1x128xi32, #tpu.memory_space<vmem>> -> memref<128xi32, #tpu.memory_space<vmem>>
      %dma_wait3A_177 = arith.constant 0 : i32
      %dma_wait3A_178 = arith.constant 0 : i32
      %dma_wait3A_179 = tpu.memref_slice %arg11[%dma_wait3A_177, %dma_wait3A_178] : memref<10240x64xf32, #tpu.memory_space<vmem_shared>> -> memref<10240x64xf32, #tpu.memory_space<vmem_shared>>
      tpu.wait_indirect_dma semaphore(%run_scoped3A_167 : memref<!tpu.dma_semaphore, #tpu.memory_space<semaphore_mem>>) src(%arg14 : memref<128x64xf32, #tpu.memory_space<vmem>>) dst(%dma_wait3A_179 : memref<10240x64xf32, #tpu.memory_space<vmem_shared>>)
      tpu.yield
    }) : () -> ()
    %eq3A_125 = arith.constant 1 : i32
    %eq3A_126 = arith.cmpi eq, %arg0, %eq3A_125 : i32
    %convert_element_type3A_127 = arith.extui %eq3A_126 : i1 to i32
    %cond3A_128 = arith.constant 0 : i32
    %cond3A_129 = arith.cmpi ne, %convert_element_type3A_127, %cond3A_128 : i32
    scf.if %cond3A_129 {
      %run_scoped3A_167 = arith.constant 157 : i32
      "tpu.region"() ({
        %run_scoped3A_168 = tpu.sem_alloc : memref<!tpu.dma_semaphore, #tpu.memory_space<semaphore_mem>>
        %dma_start3A_169 = arith.constant 0 : i32
        %dma_start3A_170 = tpu.memref_slice %arg8[%run_scoped3A_167, %dma_start3A_169] : memref<160x128xi32, #tpu.memory_space<vmem>> -> memref<1x128xi32, #tpu.memory_space<vmem>>
        %dma_start3A_171 = tpu.memref_squeeze %dma_start3A_170 : memref<1x128xi32, #tpu.memory_space<vmem>> -> memref<128xi32, #tpu.memory_space<vmem>>
        %dma_start3A_172 = arith.constant 0 : i32
        %dma_start3A_173 = arith.constant 0 : i32
        %dma_start3A_174 = tpu.memref_slice %arg12[%dma_start3A_172, %dma_start3A_173] : memref<10240x16xf32, #tpu.memory_space<vmem_shared>> -> memref<10240x16xf32, #tpu.memory_space<vmem_shared>>
        tpu.enqueue_indirect_dma source(%arg9 : memref<128x16xf32, #tpu.memory_space<vmem>>) target(%dma_start3A_174 : memref<10240x16xf32, #tpu.memory_space<vmem_shared>>) offsets(%dma_start3A_171 : memref<128xi32, #tpu.memory_space<vmem>>) semaphore(%run_scoped3A_168 : memref<!tpu.dma_semaphore, #tpu.memory_space<semaphore_mem>>) {add = true}
        %dma_wait3A_175 = arith.constant 0 : i32
        %dma_wait3A_176 = tpu.memref_slice %arg8[%run_scoped3A_167, %dma_wait3A_175] : memref<160x128xi32, #tpu.memory_space<vmem>> -> memref<1x128xi32, #tpu.memory_space<vmem>>
        %dma_wait3A_177 = tpu.memref_squeeze %dma_wait3A_176 : memref<1x128xi32, #tpu.memory_space<vmem>> -> memref<128xi32, #tpu.memory_space<vmem>>
        %dma_wait3A_178 = arith.constant 0 : i32
        %dma_wait3A_179 = arith.constant 0 : i32
        %dma_wait3A_180 = tpu.memref_slice %arg12[%dma_wait3A_178, %dma_wait3A_179] : memref<10240x16xf32, #tpu.memory_space<vmem_shared>> -> memref<10240x16xf32, #tpu.memory_space<vmem_shared>>
        tpu.wait_indirect_dma semaphore(%run_scoped3A_168 : memref<!tpu.dma_semaphore, #tpu.memory_space<semaphore_mem>>) src(%arg9 : memref<128x16xf32, #tpu.memory_space<vmem>>) dst(%dma_wait3A_180 : memref<10240x16xf32, #tpu.memory_space<vmem_shared>>)
        tpu.yield
      }) : () -> ()
    } else {
    }
    %dma_wait3A_130 = arith.constant 158 : i32
    %dma_wait3A_131 = arith.constant 0 : i32
    %dma_wait3A_132 = tpu.memref_slice %arg7[%dma_wait3A_130, %dma_wait3A_131] : memref<160x128xi32, #tpu.memory_space<vmem>> -> memref<1x128xi32, #tpu.memory_space<vmem>>
    %dma_wait3A_133 = tpu.memref_squeeze %dma_wait3A_132 : memref<1x128xi32, #tpu.memory_space<vmem>> -> memref<128xi32, #tpu.memory_space<vmem>>
    %dma_wait3A_134 = arith.constant 0 : i32
    %dma_wait3A_135 = arith.constant 0 : i32
    %dma_wait3A_136 = tpu.memref_slice %arg2[%arg0, %dma_wait3A_134, %dma_wait3A_135] : memref<2x10000x64xf32, #tpu.memory_space<hbm>> -> memref<1x10000x64xf32, #tpu.memory_space<hbm>>
    %dma_wait3A_137 = tpu.memref_squeeze %dma_wait3A_136 : memref<1x10000x64xf32, #tpu.memory_space<hbm>> -> memref<10000x64xf32, #tpu.memory_space<hbm>>
    %dma_wait3A_138 = arith.constant 0 : i32
    %dma_wait3A_139 = arith.constant 0 : i32
    %dma_wait3A_140 = tpu.memref_slice %dma_wait3A_137[%dma_wait3A_138, %dma_wait3A_139] : memref<10000x64xf32, #tpu.memory_space<hbm>> -> memref<10000x64xf32, #tpu.memory_space<hbm>>
    tpu.wait_indirect_dma semaphore(%arg19 : memref<!tpu.dma_semaphore, #tpu.memory_space<semaphore_mem>>) src(%dma_wait3A_140 : memref<10000x64xf32, #tpu.memory_space<hbm>>) dst(%arg15 : memref<128x64xf32, #tpu.memory_space<vmem>>)
    %run_scoped3A_141 = arith.constant 158 : i32
    "tpu.region"() ({
      %run_scoped3A_167 = tpu.sem_alloc : memref<!tpu.dma_semaphore, #tpu.memory_space<semaphore_mem>>
      %dma_start3A_168 = arith.constant 0 : i32
      %dma_start3A_169 = tpu.memref_slice %arg8[%run_scoped3A_141, %dma_start3A_168] : memref<160x128xi32, #tpu.memory_space<vmem>> -> memref<1x128xi32, #tpu.memory_space<vmem>>
      %dma_start3A_170 = tpu.memref_squeeze %dma_start3A_169 : memref<1x128xi32, #tpu.memory_space<vmem>> -> memref<128xi32, #tpu.memory_space<vmem>>
      %dma_start3A_171 = arith.constant 0 : i32
      %dma_start3A_172 = arith.constant 0 : i32
      %dma_start3A_173 = tpu.memref_slice %arg11[%dma_start3A_171, %dma_start3A_172] : memref<10240x64xf32, #tpu.memory_space<vmem_shared>> -> memref<10240x64xf32, #tpu.memory_space<vmem_shared>>
      tpu.enqueue_indirect_dma source(%arg15 : memref<128x64xf32, #tpu.memory_space<vmem>>) target(%dma_start3A_173 : memref<10240x64xf32, #tpu.memory_space<vmem_shared>>) offsets(%dma_start3A_170 : memref<128xi32, #tpu.memory_space<vmem>>) semaphore(%run_scoped3A_167 : memref<!tpu.dma_semaphore, #tpu.memory_space<semaphore_mem>>) {add = true}
      %dma_wait3A_174 = arith.constant 0 : i32
      %dma_wait3A_175 = tpu.memref_slice %arg8[%run_scoped3A_141, %dma_wait3A_174] : memref<160x128xi32, #tpu.memory_space<vmem>> -> memref<1x128xi32, #tpu.memory_space<vmem>>
      %dma_wait3A_176 = tpu.memref_squeeze %dma_wait3A_175 : memref<1x128xi32, #tpu.memory_space<vmem>> -> memref<128xi32, #tpu.memory_space<vmem>>
      %dma_wait3A_177 = arith.constant 0 : i32
      %dma_wait3A_178 = arith.constant 0 : i32
      %dma_wait3A_179 = tpu.memref_slice %arg11[%dma_wait3A_177, %dma_wait3A_178] : memref<10240x64xf32, #tpu.memory_space<vmem_shared>> -> memref<10240x64xf32, #tpu.memory_space<vmem_shared>>
      tpu.wait_indirect_dma semaphore(%run_scoped3A_167 : memref<!tpu.dma_semaphore, #tpu.memory_space<semaphore_mem>>) src(%arg15 : memref<128x64xf32, #tpu.memory_space<vmem>>) dst(%dma_wait3A_179 : memref<10240x64xf32, #tpu.memory_space<vmem_shared>>)
      tpu.yield
    }) : () -> ()
    %eq3A_142 = arith.constant 0 : i32
    %eq3A_143 = arith.cmpi eq, %arg0, %eq3A_142 : i32
    %convert_element_type3A_144 = arith.extui %eq3A_143 : i1 to i32
    %cond3A_145 = arith.constant 0 : i32
    %cond3A_146 = arith.cmpi ne, %convert_element_type3A_144, %cond3A_145 : i32
    scf.if %cond3A_146 {
      %run_scoped3A_167 = arith.constant 158 : i32
      "tpu.region"() ({
        %run_scoped3A_168 = tpu.sem_alloc : memref<!tpu.dma_semaphore, #tpu.memory_space<semaphore_mem>>
        %dma_start3A_169 = arith.constant 0 : i32
        %dma_start3A_170 = tpu.memref_slice %arg8[%run_scoped3A_167, %dma_start3A_169] : memref<160x128xi32, #tpu.memory_space<vmem>> -> memref<1x128xi32, #tpu.memory_space<vmem>>
        %dma_start3A_171 = tpu.memref_squeeze %dma_start3A_170 : memref<1x128xi32, #tpu.memory_space<vmem>> -> memref<128xi32, #tpu.memory_space<vmem>>
        %dma_start3A_172 = arith.constant 0 : i32
        %dma_start3A_173 = arith.constant 0 : i32
        %dma_start3A_174 = tpu.memref_slice %arg12[%dma_start3A_172, %dma_start3A_173] : memref<10240x16xf32, #tpu.memory_space<vmem_shared>> -> memref<10240x16xf32, #tpu.memory_space<vmem_shared>>
        tpu.enqueue_indirect_dma source(%arg9 : memref<128x16xf32, #tpu.memory_space<vmem>>) target(%dma_start3A_174 : memref<10240x16xf32, #tpu.memory_space<vmem_shared>>) offsets(%dma_start3A_171 : memref<128xi32, #tpu.memory_space<vmem>>) semaphore(%run_scoped3A_168 : memref<!tpu.dma_semaphore, #tpu.memory_space<semaphore_mem>>) {add = true}
        %dma_wait3A_175 = arith.constant 0 : i32
        %dma_wait3A_176 = tpu.memref_slice %arg8[%run_scoped3A_167, %dma_wait3A_175] : memref<160x128xi32, #tpu.memory_space<vmem>> -> memref<1x128xi32, #tpu.memory_space<vmem>>
        %dma_wait3A_177 = tpu.memref_squeeze %dma_wait3A_176 : memref<1x128xi32, #tpu.memory_space<vmem>> -> memref<128xi32, #tpu.memory_space<vmem>>
        %dma_wait3A_178 = arith.constant 0 : i32
        %dma_wait3A_179 = arith.constant 0 : i32
        %dma_wait3A_180 = tpu.memref_slice %arg12[%dma_wait3A_178, %dma_wait3A_179] : memref<10240x16xf32, #tpu.memory_space<vmem_shared>> -> memref<10240x16xf32, #tpu.memory_space<vmem_shared>>
        tpu.wait_indirect_dma semaphore(%run_scoped3A_168 : memref<!tpu.dma_semaphore, #tpu.memory_space<semaphore_mem>>) src(%arg9 : memref<128x16xf32, #tpu.memory_space<vmem>>) dst(%dma_wait3A_180 : memref<10240x16xf32, #tpu.memory_space<vmem_shared>>)
        tpu.yield
      }) : () -> ()
    } else {
    }
    %dma_wait3A_147 = arith.constant 159 : i32
    %dma_wait3A_148 = arith.constant 0 : i32
    %dma_wait3A_149 = tpu.memref_slice %arg7[%dma_wait3A_147, %dma_wait3A_148] : memref<160x128xi32, #tpu.memory_space<vmem>> -> memref<1x128xi32, #tpu.memory_space<vmem>>
    %dma_wait3A_150 = tpu.memref_squeeze %dma_wait3A_149 : memref<1x128xi32, #tpu.memory_space<vmem>> -> memref<128xi32, #tpu.memory_space<vmem>>
    %dma_wait3A_151 = arith.constant 0 : i32
    %dma_wait3A_152 = arith.constant 0 : i32
    %dma_wait3A_153 = tpu.memref_slice %arg2[%arg0, %dma_wait3A_151, %dma_wait3A_152] : memref<2x10000x64xf32, #tpu.memory_space<hbm>> -> memref<1x10000x64xf32, #tpu.memory_space<hbm>>
    %dma_wait3A_154 = tpu.memref_squeeze %dma_wait3A_153 : memref<1x10000x64xf32, #tpu.memory_space<hbm>> -> memref<10000x64xf32, #tpu.memory_space<hbm>>
    %dma_wait3A_155 = arith.constant 0 : i32
    %dma_wait3A_156 = arith.constant 0 : i32
    %dma_wait3A_157 = tpu.memref_slice %dma_wait3A_154[%dma_wait3A_155, %dma_wait3A_156] : memref<10000x64xf32, #tpu.memory_space<hbm>> -> memref<10000x64xf32, #tpu.memory_space<hbm>>
    tpu.wait_indirect_dma semaphore(%arg20 : memref<!tpu.dma_semaphore, #tpu.memory_space<semaphore_mem>>) src(%dma_wait3A_157 : memref<10000x64xf32, #tpu.memory_space<hbm>>) dst(%arg16 : memref<128x64xf32, #tpu.memory_space<vmem>>)
    %run_scoped3A_158 = arith.constant 159 : i32
    "tpu.region"() ({
      %run_scoped3A_167 = tpu.sem_alloc : memref<!tpu.dma_semaphore, #tpu.memory_space<semaphore_mem>>
      %dma_start3A_168 = arith.constant 0 : i32
      %dma_start3A_169 = tpu.memref_slice %arg8[%run_scoped3A_158, %dma_start3A_168] : memref<160x128xi32, #tpu.memory_space<vmem>> -> memref<1x128xi32, #tpu.memory_space<vmem>>
      %dma_start3A_170 = tpu.memref_squeeze %dma_start3A_169 : memref<1x128xi32, #tpu.memory_space<vmem>> -> memref<128xi32, #tpu.memory_space<vmem>>
      %dma_start3A_171 = arith.constant 0 : i32
      %dma_start3A_172 = arith.constant 0 : i32
      %dma_start3A_173 = tpu.memref_slice %arg11[%dma_start3A_171, %dma_start3A_172] : memref<10240x64xf32, #tpu.memory_space<vmem_shared>> -> memref<10240x64xf32, #tpu.memory_space<vmem_shared>>
      tpu.enqueue_indirect_dma source(%arg16 : memref<128x64xf32, #tpu.memory_space<vmem>>) target(%dma_start3A_173 : memref<10240x64xf32, #tpu.memory_space<vmem_shared>>) offsets(%dma_start3A_170 : memref<128xi32, #tpu.memory_space<vmem>>) semaphore(%run_scoped3A_167 : memref<!tpu.dma_semaphore, #tpu.memory_space<semaphore_mem>>) {add = true}
      %dma_wait3A_174 = arith.constant 0 : i32
      %dma_wait3A_175 = tpu.memref_slice %arg8[%run_scoped3A_158, %dma_wait3A_174] : memref<160x128xi32, #tpu.memory_space<vmem>> -> memref<1x128xi32, #tpu.memory_space<vmem>>
      %dma_wait3A_176 = tpu.memref_squeeze %dma_wait3A_175 : memref<1x128xi32, #tpu.memory_space<vmem>> -> memref<128xi32, #tpu.memory_space<vmem>>
      %dma_wait3A_177 = arith.constant 0 : i32
      %dma_wait3A_178 = arith.constant 0 : i32
      %dma_wait3A_179 = tpu.memref_slice %arg11[%dma_wait3A_177, %dma_wait3A_178] : memref<10240x64xf32, #tpu.memory_space<vmem_shared>> -> memref<10240x64xf32, #tpu.memory_space<vmem_shared>>
      tpu.wait_indirect_dma semaphore(%run_scoped3A_167 : memref<!tpu.dma_semaphore, #tpu.memory_space<semaphore_mem>>) src(%arg16 : memref<128x64xf32, #tpu.memory_space<vmem>>) dst(%dma_wait3A_179 : memref<10240x64xf32, #tpu.memory_space<vmem_shared>>)
      tpu.yield
    }) : () -> ()
    %eq3A_159 = arith.constant 1 : i32
    %eq3A_160 = arith.cmpi eq, %arg0, %eq3A_159 : i32
    %convert_element_type3A_161 = arith.extui %eq3A_160 : i1 to i32
    %cond3A_162 = arith.constant 0 : i32
    %cond3A_163 = arith.cmpi ne, %convert_element_type3A_161, %cond3A_162 : i32
    scf.if %cond3A_163 {
      %run_scoped3A_167 = arith.constant 159 : i32
      "tpu.region"() ({
        %run_scoped3A_168 = tpu.sem_alloc : memref<!tpu.dma_semaphore, #tpu.memory_space<semaphore_mem>>
        %dma_start3A_169 = arith.constant 0 : i32
        %dma_start3A_170 = tpu.memref_slice %arg8[%run_scoped3A_167, %dma_start3A_169] : memref<160x128xi32, #tpu.memory_space<vmem>> -> memref<1x128xi32, #tpu.memory_space<vmem>>
        %dma_start3A_171 = tpu.memref_squeeze %dma_start3A_170 : memref<1x128xi32, #tpu.memory_space<vmem>> -> memref<128xi32, #tpu.memory_space<vmem>>
        %dma_start3A_172 = arith.constant 0 : i32
        %dma_start3A_173 = arith.constant 0 : i32
        %dma_start3A_174 = tpu.memref_slice %arg12[%dma_start3A_172, %dma_start3A_173] : memref<10240x16xf32, #tpu.memory_space<vmem_shared>> -> memref<10240x16xf32, #tpu.memory_space<vmem_shared>>
        tpu.enqueue_indirect_dma source(%arg9 : memref<128x16xf32, #tpu.memory_space<vmem>>) target(%dma_start3A_174 : memref<10240x16xf32, #tpu.memory_space<vmem_shared>>) offsets(%dma_start3A_171 : memref<128xi32, #tpu.memory_space<vmem>>) semaphore(%run_scoped3A_168 : memref<!tpu.dma_semaphore, #tpu.memory_space<semaphore_mem>>) {add = true}
        %dma_wait3A_175 = arith.constant 0 : i32
        %dma_wait3A_176 = tpu.memref_slice %arg8[%run_scoped3A_167, %dma_wait3A_175] : memref<160x128xi32, #tpu.memory_space<vmem>> -> memref<1x128xi32, #tpu.memory_space<vmem>>
        %dma_wait3A_177 = tpu.memref_squeeze %dma_wait3A_176 : memref<1x128xi32, #tpu.memory_space<vmem>> -> memref<128xi32, #tpu.memory_space<vmem>>
        %dma_wait3A_178 = arith.constant 0 : i32
        %dma_wait3A_179 = arith.constant 0 : i32
        %dma_wait3A_180 = tpu.memref_slice %arg12[%dma_wait3A_178, %dma_wait3A_179] : memref<10240x16xf32, #tpu.memory_space<vmem_shared>> -> memref<10240x16xf32, #tpu.memory_space<vmem_shared>>
        tpu.wait_indirect_dma semaphore(%run_scoped3A_168 : memref<!tpu.dma_semaphore, #tpu.memory_space<semaphore_mem>>) src(%arg9 : memref<128x16xf32, #tpu.memory_space<vmem>>) dst(%dma_wait3A_180 : memref<10240x16xf32, #tpu.memory_space<vmem_shared>>)
        tpu.yield
      }) : () -> ()
    } else {
    }
    %barrier3A_164 = arith.constant 0 : index
    tpu.barrier barrier_id(%barrier3A_164)
    %mul3A_165 = arith.constant 640 : i32
    %mul3A_166 = arith.muli %arg1, %mul3A_165 : i32
    "tpu.region"() ({
      %run_scoped3A_167 = tpu.sem_alloc : memref<!tpu.dma_semaphore, #tpu.memory_space<semaphore_mem>>
      %dma_start3A_168 = arith.constant 0 : i32
      %dma_start3A_169 = tpu.memref_slice %arg5[%arg0, %mul3A_166, %dma_start3A_168] : memref<2x10240x64xf32, #tpu.memory_space<hbm>> -> memref<1x640x64xf32, #tpu.memory_space<hbm>>
      %dma_start3A_170 = tpu.memref_squeeze %dma_start3A_169 : memref<1x640x64xf32, #tpu.memory_space<hbm>> -> memref<640x64xf32, #tpu.memory_space<hbm>>
      %dma_start3A_171 = arith.constant 0 : i32
      %dma_start3A_172 = tpu.memref_slice %arg11[%mul3A_166, %dma_start3A_171] : memref<10240x64xf32, #tpu.memory_space<vmem_shared>> -> memref<640x64xf32, #tpu.memory_space<vmem_shared>>
      tpu.enqueue_dma source(%dma_start3A_172 : memref<640x64xf32, #tpu.memory_space<vmem_shared>>) target(%dma_start3A_170 : memref<640x64xf32, #tpu.memory_space<hbm>>) target_semaphore(%run_scoped3A_167 : memref<!tpu.dma_semaphore, #tpu.memory_space<semaphore_mem>>)
      %dma_wait3A_173 = arith.constant 0 : i32
      %dma_wait3A_174 = tpu.memref_slice %arg5[%arg0, %mul3A_166, %dma_wait3A_173] : memref<2x10240x64xf32, #tpu.memory_space<hbm>> -> memref<1x640x64xf32, #tpu.memory_space<hbm>>
      %dma_wait3A_175 = tpu.memref_squeeze %dma_wait3A_174 : memref<1x640x64xf32, #tpu.memory_space<hbm>> -> memref<640x64xf32, #tpu.memory_space<hbm>>
      %dma_wait3A_176 = arith.constant 0 : i32
      %dma_wait3A_177 = tpu.memref_slice %arg11[%mul3A_166, %dma_wait3A_176] : memref<10240x64xf32, #tpu.memory_space<vmem_shared>> -> memref<640x64xf32, #tpu.memory_space<vmem_shared>>
      tpu.wait_dma2 semaphore(%run_scoped3A_167 : memref<!tpu.dma_semaphore, #tpu.memory_space<semaphore_mem>>) src(%dma_wait3A_177 : memref<640x64xf32, #tpu.memory_space<vmem_shared>>) dst(%dma_wait3A_175 : memref<640x64xf32, #tpu.memory_space<hbm>>)
      tpu.yield
    }) : () -> ()
    "tpu.region"() ({
      %run_scoped3A_167 = tpu.sem_alloc : memref<!tpu.dma_semaphore, #tpu.memory_space<semaphore_mem>>
      %dma_start3A_168 = arith.constant 0 : i32
      %dma_start3A_169 = tpu.memref_slice %arg6[%arg0, %mul3A_166, %dma_start3A_168] : memref<2x10240x16xf32, #tpu.memory_space<hbm>> -> memref<1x640x16xf32, #tpu.memory_space<hbm>>
      %dma_start3A_170 = tpu.memref_squeeze %dma_start3A_169 : memref<1x640x16xf32, #tpu.memory_space<hbm>> -> memref<640x16xf32, #tpu.memory_space<hbm>>
      %dma_start3A_171 = arith.constant 0 : i32
      %dma_start3A_172 = tpu.memref_slice %arg12[%mul3A_166, %dma_start3A_171] : memref<10240x16xf32, #tpu.memory_space<vmem_shared>> -> memref<640x16xf32, #tpu.memory_space<vmem_shared>>
      tpu.enqueue_dma source(%dma_start3A_172 : memref<640x16xf32, #tpu.memory_space<vmem_shared>>) target(%dma_start3A_170 : memref<640x16xf32, #tpu.memory_space<hbm>>) target_semaphore(%run_scoped3A_167 : memref<!tpu.dma_semaphore, #tpu.memory_space<semaphore_mem>>)
      %dma_wait3A_173 = arith.constant 0 : i32
      %dma_wait3A_174 = tpu.memref_slice %arg6[%arg0, %mul3A_166, %dma_wait3A_173] : memref<2x10240x16xf32, #tpu.memory_space<hbm>> -> memref<1x640x16xf32, #tpu.memory_space<hbm>>
      %dma_wait3A_175 = tpu.memref_squeeze %dma_wait3A_174 : memref<1x640x16xf32, #tpu.memory_space<hbm>> -> memref<640x16xf32, #tpu.memory_space<hbm>>
      %dma_wait3A_176 = arith.constant 0 : i32
      %dma_wait3A_177 = tpu.memref_slice %arg12[%mul3A_166, %dma_wait3A_176] : memref<10240x16xf32, #tpu.memory_space<vmem_shared>> -> memref<640x16xf32, #tpu.memory_space<vmem_shared>>
      tpu.wait_dma2 semaphore(%run_scoped3A_167 : memref<!tpu.dma_semaphore, #tpu.memory_space<semaphore_mem>>) src(%dma_wait3A_177 : memref<640x16xf32, #tpu.memory_space<vmem_shared>>) dst(%dma_wait3A_175 : memref<640x16xf32, #tpu.memory_space<hbm>>)
      tpu.yield
    }) : () -> ()
    return
  }
}

#map = affine_map<(d0, d1) -> (0, 0, 0)>
module attributes {stable_mosaic.version = 14 : i64} {
  func.func @_sc_body(%arg0: i32, %arg1: i32, %arg2: memref<2x10000x64xf32, #tpu.memory_space<hbm>>, %arg3: memref<16x160x128xi32, #tpu.memory_space<hbm>>, %arg4: memref<16x160x128xi32, #tpu.memory_space<hbm>>, %arg5: memref<2x10240x64xf32, #tpu.memory_space<hbm>>, %arg6: memref<160x128xi32, #tpu.memory_space<vmem>>, %arg7: memref<160x128xi32, #tpu.memory_space<vmem>>, %arg8: memref<10240x64xf32, #tpu.memory_space<vmem_shared>>, %arg9: memref<128x64xf32, #tpu.memory_space<vmem>>, %arg10: memref<128x64xf32, #tpu.memory_space<vmem>>, %arg11: memref<128x64xf32, #tpu.memory_space<vmem>>, %arg12: memref<128x64xf32, #tpu.memory_space<vmem>>, %arg13: memref<!tpu.dma_semaphore, #tpu.memory_space<semaphore_mem>>, %arg14: memref<!tpu.dma_semaphore, #tpu.memory_space<semaphore_mem>>, %arg15: memref<!tpu.dma_semaphore, #tpu.memory_space<semaphore_mem>>, %arg16: memref<!tpu.dma_semaphore, #tpu.memory_space<semaphore_mem>>, %arg17: memref<!tpu.dma_semaphore, #tpu.memory_space<semaphore_mem>>, %arg18: memref<!tpu.dma_semaphore, #tpu.memory_space<semaphore_mem>>, %arg19: memref<!tpu.dma_semaphore, #tpu.memory_space<semaphore_mem>>, %arg20: memref<!tpu.dma_semaphore, #tpu.memory_space<semaphore_mem>>) attributes {dimension_semantics = [#tpu.dimension_semantics<core_parallel>, #tpu.dimension_semantics<subcore_parallel>], iteration_bounds = array<i64: 2, 16>, scalar_prefetch = 0 : i64, scratch_operands = 15 : i64, tpu.core_type = #tpu.core_type<sc_vector_subcore>, window_params = [{transform_indices = #map}, {transform_indices = #map}, {transform_indices = #map}, {transform_indices = #map}]} {
    %scan3A = arith.constant 0 : i32
    %scan3A_0 = arith.constant 0 : i32
    %scan3A_1 = arith.constant 128 : i32
    %scan3A_2 = arith.addi %scan3A_0, %scan3A_1 : i32
    %scan3A_3 = arith.constant 1 : i32
    %scan3A_4 = scf.for %scan3A_133 = %scan3A_0 to %scan3A_2 step %scan3A_3 iter_args(%scan3A_134 = %scan3A) -> (i32)  : i32 {
      %scan3A_135 = arith.constant 0 : i32
      %scan3A_136 = arith.constant 0 : i32
      %scan3A_137 = arith.constant 4 : i32
      %scan3A_138 = arith.addi %scan3A_136, %scan3A_137 : i32
      %scan3A_139 = arith.constant 1 : i32
      %scan3A_140 = scf.for %scan3A_143 = %scan3A_136 to %scan3A_138 step %scan3A_139 iter_args(%scan3A_144 = %scan3A_135) -> (i32)  : i32 {
        %broadcast_in_dim3A = arith.constant 0.000000e+00 : f32
        %broadcast_in_dim3A_145 = vector.broadcast %broadcast_in_dim3A : f32 to vector<16xf32>
        %mul3A_146 = arith.constant 16 : i32
        %mul3A_147 = arith.muli %scan3A_143, %mul3A_146 : i32
        %swap3A = arith.index_cast %scan3A_133 : i32 to index
        %swap3A_148 = arith.index_cast %mul3A_147 : i32 to index
        %swap3A_149 = tpu.vector_load %arg9[%swap3A, %swap3A_148] {strides = array<i32>} : memref<128x64xf32, #tpu.memory_space<vmem>>, vector<1x16xf32>,
        %swap3A_150 = vector.shape_cast %swap3A_149 : vector<1x16xf32> to vector<16xf32>
        %swap3A_151 = vector.shape_cast %broadcast_in_dim3A_145 : vector<16xf32> to vector<1x16xf32>
        tpu.vector_store %arg9[%swap3A, %swap3A_148], %swap3A_151 {strides = array<i32>} : memref<128x64xf32, #tpu.memory_space<vmem>>, vector<1x16xf32>,
        %scan3A_152 = arith.constant 0 : i32
        scf.yield %scan3A_152 : i32
      }
      %scan3A_141 = arith.constant 4 : i32
      %scan3A_142 = arith.constant 0 : i32
      scf.yield %scan3A_142 : i32
    }
    %scan3A_5 = arith.constant 128 : i32
    "tpu.region"() ({
      %run_scoped3A_133 = tpu.sem_alloc : memref<!tpu.dma_semaphore, #tpu.memory_space<semaphore_mem>>
      %dma_start3A_134 = arith.constant 0 : i32
      %dma_start3A_135 = arith.constant 0 : i32
      %dma_start3A_136 = tpu.memref_slice %arg3[%arg1, %dma_start3A_134, %dma_start3A_135] : memref<16x160x128xi32, #tpu.memory_space<hbm>> -> memref<1x160x128xi32, #tpu.memory_space<hbm>>
      %dma_start3A_137 = tpu.memref_squeeze %dma_start3A_136 : memref<1x160x128xi32, #tpu.memory_space<hbm>> -> memref<160x128xi32, #tpu.memory_space<hbm>>
      %dma_start3A_138 = arith.constant 0 : i32
      %dma_start3A_139 = arith.constant 0 : i32
      %dma_start3A_140 = tpu.memref_slice %arg3[%arg1, %dma_start3A_138, %dma_start3A_139] : memref<16x160x128xi32, #tpu.memory_space<hbm>> -> memref<1x160x128xi32, #tpu.memory_space<hbm>>
      %dma_start3A_141 = tpu.memref_squeeze %dma_start3A_140 : memref<1x160x128xi32, #tpu.memory_space<hbm>> -> memref<160x128xi32, #tpu.memory_space<hbm>>
      tpu.enqueue_dma source(%dma_start3A_141 : memref<160x128xi32, #tpu.memory_space<hbm>>) target(%arg6 : memref<160x128xi32, #tpu.memory_space<vmem>>) target_semaphore(%run_scoped3A_133 : memref<!tpu.dma_semaphore, #tpu.memory_space<semaphore_mem>>)
      %dma_wait3A_142 = arith.constant 0 : i32
      %dma_wait3A_143 = arith.constant 0 : i32
      %dma_wait3A_144 = tpu.memref_slice %arg3[%arg1, %dma_wait3A_142, %dma_wait3A_143] : memref<16x160x128xi32, #tpu.memory_space<hbm>> -> memref<1x160x128xi32, #tpu.memory_space<hbm>>
      %dma_wait3A_145 = tpu.memref_squeeze %dma_wait3A_144 : memref<1x160x128xi32, #tpu.memory_space<hbm>> -> memref<160x128xi32, #tpu.memory_space<hbm>>
      %dma_wait3A_146 = arith.constant 0 : i32
      %dma_wait3A_147 = arith.constant 0 : i32
      %dma_wait3A_148 = tpu.memref_slice %arg3[%arg1, %dma_wait3A_146, %dma_wait3A_147] : memref<16x160x128xi32, #tpu.memory_space<hbm>> -> memref<1x160x128xi32, #tpu.memory_space<hbm>>
      %dma_wait3A_149 = tpu.memref_squeeze %dma_wait3A_148 : memref<1x160x128xi32, #tpu.memory_space<hbm>> -> memref<160x128xi32, #tpu.memory_space<hbm>>
      tpu.wait_dma2 semaphore(%run_scoped3A_133 : memref<!tpu.dma_semaphore, #tpu.memory_space<semaphore_mem>>) src(%dma_wait3A_149 : memref<160x128xi32, #tpu.memory_space<hbm>>) dst(%arg6 : memref<160x128xi32, #tpu.memory_space<vmem>>)
      tpu.yield
    }) : () -> ()
    "tpu.region"() ({
      %run_scoped3A_133 = tpu.sem_alloc : memref<!tpu.dma_semaphore, #tpu.memory_space<semaphore_mem>>
      %dma_start3A_134 = arith.constant 0 : i32
      %dma_start3A_135 = arith.constant 0 : i32
      %dma_start3A_136 = tpu.memref_slice %arg4[%arg1, %dma_start3A_134, %dma_start3A_135] : memref<16x160x128xi32, #tpu.memory_space<hbm>> -> memref<1x160x128xi32, #tpu.memory_space<hbm>>
      %dma_start3A_137 = tpu.memref_squeeze %dma_start3A_136 : memref<1x160x128xi32, #tpu.memory_space<hbm>> -> memref<160x128xi32, #tpu.memory_space<hbm>>
      %dma_start3A_138 = arith.constant 0 : i32
      %dma_start3A_139 = arith.constant 0 : i32
      %dma_start3A_140 = tpu.memref_slice %arg4[%arg1, %dma_start3A_138, %dma_start3A_139] : memref<16x160x128xi32, #tpu.memory_space<hbm>> -> memref<1x160x128xi32, #tpu.memory_space<hbm>>
      %dma_start3A_141 = tpu.memref_squeeze %dma_start3A_140 : memref<1x160x128xi32, #tpu.memory_space<hbm>> -> memref<160x128xi32, #tpu.memory_space<hbm>>
      tpu.enqueue_dma source(%dma_start3A_141 : memref<160x128xi32, #tpu.memory_space<hbm>>) target(%arg7 : memref<160x128xi32, #tpu.memory_space<vmem>>) target_semaphore(%run_scoped3A_133 : memref<!tpu.dma_semaphore, #tpu.memory_space<semaphore_mem>>)
      %dma_wait3A_142 = arith.constant 0 : i32
      %dma_wait3A_143 = arith.constant 0 : i32
      %dma_wait3A_144 = tpu.memref_slice %arg4[%arg1, %dma_wait3A_142, %dma_wait3A_143] : memref<16x160x128xi32, #tpu.memory_space<hbm>> -> memref<1x160x128xi32, #tpu.memory_space<hbm>>
      %dma_wait3A_145 = tpu.memref_squeeze %dma_wait3A_144 : memref<1x160x128xi32, #tpu.memory_space<hbm>> -> memref<160x128xi32, #tpu.memory_space<hbm>>
      %dma_wait3A_146 = arith.constant 0 : i32
      %dma_wait3A_147 = arith.constant 0 : i32
      %dma_wait3A_148 = tpu.memref_slice %arg4[%arg1, %dma_wait3A_146, %dma_wait3A_147] : memref<16x160x128xi32, #tpu.memory_space<hbm>> -> memref<1x160x128xi32, #tpu.memory_space<hbm>>
      %dma_wait3A_149 = tpu.memref_squeeze %dma_wait3A_148 : memref<1x160x128xi32, #tpu.memory_space<hbm>> -> memref<160x128xi32, #tpu.memory_space<hbm>>
      tpu.wait_dma2 semaphore(%run_scoped3A_133 : memref<!tpu.dma_semaphore, #tpu.memory_space<semaphore_mem>>) src(%dma_wait3A_149 : memref<160x128xi32, #tpu.memory_space<hbm>>) dst(%arg7 : memref<160x128xi32, #tpu.memory_space<vmem>>)
      tpu.yield
    }) : () -> ()
    %dma_start3A = arith.constant 1 : i32
    %dma_start3A_6 = arith.constant 0 : i32
    %dma_start3A_7 = tpu.memref_slice %arg6[%dma_start3A, %dma_start3A_6] : memref<160x128xi32, #tpu.memory_space<vmem>> -> memref<1x128xi32, #tpu.memory_space<vmem>>
    %dma_start3A_8 = tpu.memref_squeeze %dma_start3A_7 : memref<1x128xi32, #tpu.memory_space<vmem>> -> memref<128xi32, #tpu.memory_space<vmem>>
    %dma_start3A_9 = arith.constant 0 : i32
    %dma_start3A_10 = arith.constant 0 : i32
    %dma_start3A_11 = tpu.memref_slice %arg2[%arg0, %dma_start3A_9, %dma_start3A_10] : memref<2x10000x64xf32, #tpu.memory_space<hbm>> -> memref<1x10000x64xf32, #tpu.memory_space<hbm>>
    %dma_start3A_12 = tpu.memref_squeeze %dma_start3A_11 : memref<1x10000x64xf32, #tpu.memory_space<hbm>> -> memref<10000x64xf32, #tpu.memory_space<hbm>>
    %dma_start3A_13 = arith.constant 0 : i32
    %dma_start3A_14 = arith.constant 0 : i32
    %dma_start3A_15 = tpu.memref_slice %dma_start3A_12[%dma_start3A_13, %dma_start3A_14] : memref<10000x64xf32, #tpu.memory_space<hbm>> -> memref<10000x64xf32, #tpu.memory_space<hbm>>
    tpu.enqueue_indirect_dma source(%dma_start3A_15 : memref<10000x64xf32, #tpu.memory_space<hbm>>) target(%arg10 : memref<128x64xf32, #tpu.memory_space<vmem>>) offsets(%dma_start3A_8 : memref<128xi32, #tpu.memory_space<vmem>>) semaphore(%arg14 : memref<!tpu.dma_semaphore, #tpu.memory_space<semaphore_mem>>)
    %dma_start3A_16 = arith.constant 2 : i32
    %dma_start3A_17 = arith.constant 0 : i32
    %dma_start3A_18 = tpu.memref_slice %arg6[%dma_start3A_16, %dma_start3A_17] : memref<160x128xi32, #tpu.memory_space<vmem>> -> memref<1x128xi32, #tpu.memory_space<vmem>>
    %dma_start3A_19 = tpu.memref_squeeze %dma_start3A_18 : memref<1x128xi32, #tpu.memory_space<vmem>> -> memref<128xi32, #tpu.memory_space<vmem>>
    %dma_start3A_20 = arith.constant 0 : i32
    %dma_start3A_21 = arith.constant 0 : i32
    %dma_start3A_22 = tpu.memref_slice %arg2[%arg0, %dma_start3A_20, %dma_start3A_21] : memref<2x10000x64xf32, #tpu.memory_space<hbm>> -> memref<1x10000x64xf32, #tpu.memory_space<hbm>>
    %dma_start3A_23 = tpu.memref_squeeze %dma_start3A_22 : memref<1x10000x64xf32, #tpu.memory_space<hbm>> -> memref<10000x64xf32, #tpu.memory_space<hbm>>
    %dma_start3A_24 = arith.constant 0 : i32
    %dma_start3A_25 = arith.constant 0 : i32
    %dma_start3A_26 = tpu.memref_slice %dma_start3A_23[%dma_start3A_24, %dma_start3A_25] : memref<10000x64xf32, #tpu.memory_space<hbm>> -> memref<10000x64xf32, #tpu.memory_space<hbm>>
    tpu.enqueue_indirect_dma source(%dma_start3A_26 : memref<10000x64xf32, #tpu.memory_space<hbm>>) target(%arg11 : memref<128x64xf32, #tpu.memory_space<vmem>>) offsets(%dma_start3A_19 : memref<128xi32, #tpu.memory_space<vmem>>) semaphore(%arg15 : memref<!tpu.dma_semaphore, #tpu.memory_space<semaphore_mem>>)
    %dma_start3A_27 = arith.constant 3 : i32
    %dma_start3A_28 = arith.constant 0 : i32
    %dma_start3A_29 = tpu.memref_slice %arg6[%dma_start3A_27, %dma_start3A_28] : memref<160x128xi32, #tpu.memory_space<vmem>> -> memref<1x128xi32, #tpu.memory_space<vmem>>
    %dma_start3A_30 = tpu.memref_squeeze %dma_start3A_29 : memref<1x128xi32, #tpu.memory_space<vmem>> -> memref<128xi32, #tpu.memory_space<vmem>>
    %dma_start3A_31 = arith.constant 0 : i32
    %dma_start3A_32 = arith.constant 0 : i32
    %dma_start3A_33 = tpu.memref_slice %arg2[%arg0, %dma_start3A_31, %dma_start3A_32] : memref<2x10000x64xf32, #tpu.memory_space<hbm>> -> memref<1x10000x64xf32, #tpu.memory_space<hbm>>
    %dma_start3A_34 = tpu.memref_squeeze %dma_start3A_33 : memref<1x10000x64xf32, #tpu.memory_space<hbm>> -> memref<10000x64xf32, #tpu.memory_space<hbm>>
    %dma_start3A_35 = arith.constant 0 : i32
    %dma_start3A_36 = arith.constant 0 : i32
    %dma_start3A_37 = tpu.memref_slice %dma_start3A_34[%dma_start3A_35, %dma_start3A_36] : memref<10000x64xf32, #tpu.memory_space<hbm>> -> memref<10000x64xf32, #tpu.memory_space<hbm>>
    tpu.enqueue_indirect_dma source(%dma_start3A_37 : memref<10000x64xf32, #tpu.memory_space<hbm>>) target(%arg12 : memref<128x64xf32, #tpu.memory_space<vmem>>) offsets(%dma_start3A_30 : memref<128xi32, #tpu.memory_space<vmem>>) semaphore(%arg16 : memref<!tpu.dma_semaphore, #tpu.memory_space<semaphore_mem>>)
    %mul3A = arith.constant 640 : i32
    %mul3A_38 = arith.muli %arg1, %mul3A : i32
    %add3A = arith.constant 0 : i32
    %add3A_39 = arith.addi %mul3A_38, %add3A : i32
    "tpu.region"() ({
      %run_scoped3A_133 = tpu.sem_alloc : memref<!tpu.dma_semaphore, #tpu.memory_space<semaphore_mem>>
      %dma_start3A_134 = arith.constant 0 : i32
      %dma_start3A_135 = tpu.memref_slice %arg8[%add3A_39, %dma_start3A_134] : memref<10240x64xf32, #tpu.memory_space<vmem_shared>> -> memref<128x64xf32, #tpu.memory_space<vmem_shared>>
      %dma_start3A_136 = arith.constant 0 : i32
      %dma_start3A_137 = tpu.memref_slice %arg8[%add3A_39, %dma_start3A_136] : memref<10240x64xf32, #tpu.memory_space<vmem_shared>> -> memref<128x64xf32, #tpu.memory_space<vmem_shared>>
      tpu.enqueue_dma source(%arg9 : memref<128x64xf32, #tpu.memory_space<vmem>>) target(%dma_start3A_137 : memref<128x64xf32, #tpu.memory_space<vmem_shared>>) target_semaphore(%run_scoped3A_133 : memref<!tpu.dma_semaphore, #tpu.memory_space<semaphore_mem>>)
      %dma_wait3A_138 = arith.constant 0 : i32
      %dma_wait3A_139 = tpu.memref_slice %arg8[%add3A_39, %dma_wait3A_138] : memref<10240x64xf32, #tpu.memory_space<vmem_shared>> -> memref<128x64xf32, #tpu.memory_space<vmem_shared>>
      %dma_wait3A_140 = arith.constant 0 : i32
      %dma_wait3A_141 = tpu.memref_slice %arg8[%add3A_39, %dma_wait3A_140] : memref<10240x64xf32, #tpu.memory_space<vmem_shared>> -> memref<128x64xf32, #tpu.memory_space<vmem_shared>>
      tpu.wait_dma2 semaphore(%run_scoped3A_133 : memref<!tpu.dma_semaphore, #tpu.memory_space<semaphore_mem>>) src(%arg9 : memref<128x64xf32, #tpu.memory_space<vmem>>) dst(%dma_wait3A_141 : memref<128x64xf32, #tpu.memory_space<vmem_shared>>)
      tpu.yield
    }) : () -> ()
    %add3A_40 = arith.constant 128 : i32
    %add3A_41 = arith.addi %mul3A_38, %add3A_40 : i32
    "tpu.region"() ({
      %run_scoped3A_133 = tpu.sem_alloc : memref<!tpu.dma_semaphore, #tpu.memory_space<semaphore_mem>>
      %dma_start3A_134 = arith.constant 0 : i32
      %dma_start3A_135 = tpu.memref_slice %arg8[%add3A_41, %dma_start3A_134] : memref<10240x64xf32, #tpu.memory_space<vmem_shared>> -> memref<128x64xf32, #tpu.memory_space<vmem_shared>>
      %dma_start3A_136 = arith.constant 0 : i32
      %dma_start3A_137 = tpu.memref_slice %arg8[%add3A_41, %dma_start3A_136] : memref<10240x64xf32, #tpu.memory_space<vmem_shared>> -> memref<128x64xf32, #tpu.memory_space<vmem_shared>>
      tpu.enqueue_dma source(%arg9 : memref<128x64xf32, #tpu.memory_space<vmem>>) target(%dma_start3A_137 : memref<128x64xf32, #tpu.memory_space<vmem_shared>>) target_semaphore(%run_scoped3A_133 : memref<!tpu.dma_semaphore, #tpu.memory_space<semaphore_mem>>)
      %dma_wait3A_138 = arith.constant 0 : i32
      %dma_wait3A_139 = tpu.memref_slice %arg8[%add3A_41, %dma_wait3A_138] : memref<10240x64xf32, #tpu.memory_space<vmem_shared>> -> memref<128x64xf32, #tpu.memory_space<vmem_shared>>
      %dma_wait3A_140 = arith.constant 0 : i32
      %dma_wait3A_141 = tpu.memref_slice %arg8[%add3A_41, %dma_wait3A_140] : memref<10240x64xf32, #tpu.memory_space<vmem_shared>> -> memref<128x64xf32, #tpu.memory_space<vmem_shared>>
      tpu.wait_dma2 semaphore(%run_scoped3A_133 : memref<!tpu.dma_semaphore, #tpu.memory_space<semaphore_mem>>) src(%arg9 : memref<128x64xf32, #tpu.memory_space<vmem>>) dst(%dma_wait3A_141 : memref<128x64xf32, #tpu.memory_space<vmem_shared>>)
      tpu.yield
    }) : () -> ()
    %add3A_42 = arith.constant 256 : i32
    %add3A_43 = arith.addi %mul3A_38, %add3A_42 : i32
    "tpu.region"() ({
      %run_scoped3A_133 = tpu.sem_alloc : memref<!tpu.dma_semaphore, #tpu.memory_space<semaphore_mem>>
      %dma_start3A_134 = arith.constant 0 : i32
      %dma_start3A_135 = tpu.memref_slice %arg8[%add3A_43, %dma_start3A_134] : memref<10240x64xf32, #tpu.memory_space<vmem_shared>> -> memref<128x64xf32, #tpu.memory_space<vmem_shared>>
      %dma_start3A_136 = arith.constant 0 : i32
      %dma_start3A_137 = tpu.memref_slice %arg8[%add3A_43, %dma_start3A_136] : memref<10240x64xf32, #tpu.memory_space<vmem_shared>> -> memref<128x64xf32, #tpu.memory_space<vmem_shared>>
      tpu.enqueue_dma source(%arg9 : memref<128x64xf32, #tpu.memory_space<vmem>>) target(%dma_start3A_137 : memref<128x64xf32, #tpu.memory_space<vmem_shared>>) target_semaphore(%run_scoped3A_133 : memref<!tpu.dma_semaphore, #tpu.memory_space<semaphore_mem>>)
      %dma_wait3A_138 = arith.constant 0 : i32
      %dma_wait3A_139 = tpu.memref_slice %arg8[%add3A_43, %dma_wait3A_138] : memref<10240x64xf32, #tpu.memory_space<vmem_shared>> -> memref<128x64xf32, #tpu.memory_space<vmem_shared>>
      %dma_wait3A_140 = arith.constant 0 : i32
      %dma_wait3A_141 = tpu.memref_slice %arg8[%add3A_43, %dma_wait3A_140] : memref<10240x64xf32, #tpu.memory_space<vmem_shared>> -> memref<128x64xf32, #tpu.memory_space<vmem_shared>>
      tpu.wait_dma2 semaphore(%run_scoped3A_133 : memref<!tpu.dma_semaphore, #tpu.memory_space<semaphore_mem>>) src(%arg9 : memref<128x64xf32, #tpu.memory_space<vmem>>) dst(%dma_wait3A_141 : memref<128x64xf32, #tpu.memory_space<vmem_shared>>)
      tpu.yield
    }) : () -> ()
    %add3A_44 = arith.constant 384 : i32
    %add3A_45 = arith.addi %mul3A_38, %add3A_44 : i32
    "tpu.region"() ({
      %run_scoped3A_133 = tpu.sem_alloc : memref<!tpu.dma_semaphore, #tpu.memory_space<semaphore_mem>>
      %dma_start3A_134 = arith.constant 0 : i32
      %dma_start3A_135 = tpu.memref_slice %arg8[%add3A_45, %dma_start3A_134] : memref<10240x64xf32, #tpu.memory_space<vmem_shared>> -> memref<128x64xf32, #tpu.memory_space<vmem_shared>>
      %dma_start3A_136 = arith.constant 0 : i32
      %dma_start3A_137 = tpu.memref_slice %arg8[%add3A_45, %dma_start3A_136] : memref<10240x64xf32, #tpu.memory_space<vmem_shared>> -> memref<128x64xf32, #tpu.memory_space<vmem_shared>>
      tpu.enqueue_dma source(%arg9 : memref<128x64xf32, #tpu.memory_space<vmem>>) target(%dma_start3A_137 : memref<128x64xf32, #tpu.memory_space<vmem_shared>>) target_semaphore(%run_scoped3A_133 : memref<!tpu.dma_semaphore, #tpu.memory_space<semaphore_mem>>)
      %dma_wait3A_138 = arith.constant 0 : i32
      %dma_wait3A_139 = tpu.memref_slice %arg8[%add3A_45, %dma_wait3A_138] : memref<10240x64xf32, #tpu.memory_space<vmem_shared>> -> memref<128x64xf32, #tpu.memory_space<vmem_shared>>
      %dma_wait3A_140 = arith.constant 0 : i32
      %dma_wait3A_141 = tpu.memref_slice %arg8[%add3A_45, %dma_wait3A_140] : memref<10240x64xf32, #tpu.memory_space<vmem_shared>> -> memref<128x64xf32, #tpu.memory_space<vmem_shared>>
      tpu.wait_dma2 semaphore(%run_scoped3A_133 : memref<!tpu.dma_semaphore, #tpu.memory_space<semaphore_mem>>) src(%arg9 : memref<128x64xf32, #tpu.memory_space<vmem>>) dst(%dma_wait3A_141 : memref<128x64xf32, #tpu.memory_space<vmem_shared>>)
      tpu.yield
    }) : () -> ()
    %add3A_46 = arith.constant 512 : i32
    %add3A_47 = arith.addi %mul3A_38, %add3A_46 : i32
    "tpu.region"() ({
      %run_scoped3A_133 = tpu.sem_alloc : memref<!tpu.dma_semaphore, #tpu.memory_space<semaphore_mem>>
      %dma_start3A_134 = arith.constant 0 : i32
      %dma_start3A_135 = tpu.memref_slice %arg8[%add3A_47, %dma_start3A_134] : memref<10240x64xf32, #tpu.memory_space<vmem_shared>> -> memref<128x64xf32, #tpu.memory_space<vmem_shared>>
      %dma_start3A_136 = arith.constant 0 : i32
      %dma_start3A_137 = tpu.memref_slice %arg8[%add3A_47, %dma_start3A_136] : memref<10240x64xf32, #tpu.memory_space<vmem_shared>> -> memref<128x64xf32, #tpu.memory_space<vmem_shared>>
      tpu.enqueue_dma source(%arg9 : memref<128x64xf32, #tpu.memory_space<vmem>>) target(%dma_start3A_137 : memref<128x64xf32, #tpu.memory_space<vmem_shared>>) target_semaphore(%run_scoped3A_133 : memref<!tpu.dma_semaphore, #tpu.memory_space<semaphore_mem>>)
      %dma_wait3A_138 = arith.constant 0 : i32
      %dma_wait3A_139 = tpu.memref_slice %arg8[%add3A_47, %dma_wait3A_138] : memref<10240x64xf32, #tpu.memory_space<vmem_shared>> -> memref<128x64xf32, #tpu.memory_space<vmem_shared>>
      %dma_wait3A_140 = arith.constant 0 : i32
      %dma_wait3A_141 = tpu.memref_slice %arg8[%add3A_47, %dma_wait3A_140] : memref<10240x64xf32, #tpu.memory_space<vmem_shared>> -> memref<128x64xf32, #tpu.memory_space<vmem_shared>>
      tpu.wait_dma2 semaphore(%run_scoped3A_133 : memref<!tpu.dma_semaphore, #tpu.memory_space<semaphore_mem>>) src(%arg9 : memref<128x64xf32, #tpu.memory_space<vmem>>) dst(%dma_wait3A_141 : memref<128x64xf32, #tpu.memory_space<vmem_shared>>)
      tpu.yield
    }) : () -> ()
    %dma_start3A_48 = arith.constant 0 : i32
    %dma_start3A_49 = arith.constant 0 : i32
    %dma_start3A_50 = tpu.memref_slice %arg6[%dma_start3A_48, %dma_start3A_49] : memref<160x128xi32, #tpu.memory_space<vmem>> -> memref<1x128xi32, #tpu.memory_space<vmem>>
    %dma_start3A_51 = tpu.memref_squeeze %dma_start3A_50 : memref<1x128xi32, #tpu.memory_space<vmem>> -> memref<128xi32, #tpu.memory_space<vmem>>
    %dma_start3A_52 = arith.constant 0 : i32
    %dma_start3A_53 = arith.constant 0 : i32
    %dma_start3A_54 = tpu.memref_slice %arg2[%arg0, %dma_start3A_52, %dma_start3A_53] : memref<2x10000x64xf32, #tpu.memory_space<hbm>> -> memref<1x10000x64xf32, #tpu.memory_space<hbm>>
    %dma_start3A_55 = tpu.memref_squeeze %dma_start3A_54 : memref<1x10000x64xf32, #tpu.memory_space<hbm>> -> memref<10000x64xf32, #tpu.memory_space<hbm>>
    %dma_start3A_56 = arith.constant 0 : i32
    %dma_start3A_57 = arith.constant 0 : i32
    %dma_start3A_58 = tpu.memref_slice %dma_start3A_55[%dma_start3A_56, %dma_start3A_57] : memref<10000x64xf32, #tpu.memory_space<hbm>> -> memref<10000x64xf32, #tpu.memory_space<hbm>>
    tpu.enqueue_indirect_dma source(%dma_start3A_58 : memref<10000x64xf32, #tpu.memory_space<hbm>>) target(%arg9 : memref<128x64xf32, #tpu.memory_space<vmem>>) offsets(%dma_start3A_51 : memref<128xi32, #tpu.memory_space<vmem>>) semaphore(%arg13 : memref<!tpu.dma_semaphore, #tpu.memory_space<semaphore_mem>>)
    %barrier3A = arith.constant 0 : index
    tpu.barrier barrier_id(%barrier3A)
    %scan3A_59 = arith.constant 0 : i32
    %scan3A_60 = arith.constant 0 : i32
    %scan3A_61 = arith.constant 39 : i32
    %scan3A_62 = arith.addi %scan3A_60, %scan3A_61 : i32
    %scan3A_63 = arith.constant 1 : i32
    %scan3A_64 = scf.for %scan3A_133 = %scan3A_60 to %scan3A_62 step %scan3A_63 iter_args(%scan3A_134 = %scan3A_59) -> (i32)  : i32 {
      %mul3A_135 = arith.constant 4 : i32
      %mul3A_136 = arith.muli %mul3A_135, %scan3A_133 : i32
      %add3A_137 = arith.constant 0 : i32
      %add3A_138 = arith.addi %mul3A_136, %add3A_137 : i32
      %dma_wait3A_139 = arith.constant 0 : i32
      %dma_wait3A_140 = tpu.memref_slice %arg6[%add3A_138, %dma_wait3A_139] : memref<160x128xi32, #tpu.memory_space<vmem>> -> memref<1x128xi32, #tpu.memory_space<vmem>>
      %dma_wait3A_141 = tpu.memref_squeeze %dma_wait3A_140 : memref<1x128xi32, #tpu.memory_space<vmem>> -> memref<128xi32, #tpu.memory_space<vmem>>
      %dma_wait3A_142 = arith.constant 0 : i32
      %dma_wait3A_143 = arith.constant 0 : i32
      %dma_wait3A_144 = tpu.memref_slice %arg2[%arg0, %dma_wait3A_142, %dma_wait3A_143] : memref<2x10000x64xf32, #tpu.memory_space<hbm>> -> memref<1x10000x64xf32, #tpu.memory_space<hbm>>
      %dma_wait3A_145 = tpu.memref_squeeze %dma_wait3A_144 : memref<1x10000x64xf32, #tpu.memory_space<hbm>> -> memref<10000x64xf32, #tpu.memory_space<hbm>>
      %dma_wait3A_146 = arith.constant 0 : i32
      %dma_wait3A_147 = arith.constant 0 : i32
      %dma_wait3A_148 = tpu.memref_slice %dma_wait3A_145[%dma_wait3A_146, %dma_wait3A_147] : memref<10000x64xf32, #tpu.memory_space<hbm>> -> memref<10000x64xf32, #tpu.memory_space<hbm>>
      tpu.wait_indirect_dma semaphore(%arg13 : memref<!tpu.dma_semaphore, #tpu.memory_space<semaphore_mem>>) src(%dma_wait3A_148 : memref<10000x64xf32, #tpu.memory_space<hbm>>) dst(%arg9 : memref<128x64xf32, #tpu.memory_space<vmem>>)
      %dma_start3A_149 = arith.constant 0 : i32
      %dma_start3A_150 = tpu.memref_slice %arg7[%add3A_138, %dma_start3A_149] : memref<160x128xi32, #tpu.memory_space<vmem>> -> memref<1x128xi32, #tpu.memory_space<vmem>>
      %dma_start3A_151 = tpu.memref_squeeze %dma_start3A_150 : memref<1x128xi32, #tpu.memory_space<vmem>> -> memref<128xi32, #tpu.memory_space<vmem>>
      %dma_start3A_152 = arith.constant 0 : i32
      %dma_start3A_153 = arith.constant 0 : i32
      %dma_start3A_154 = tpu.memref_slice %arg8[%dma_start3A_152, %dma_start3A_153] : memref<10240x64xf32, #tpu.memory_space<vmem_shared>> -> memref<10240x64xf32, #tpu.memory_space<vmem_shared>>
      tpu.enqueue_indirect_dma source(%arg9 : memref<128x64xf32, #tpu.memory_space<vmem>>) target(%dma_start3A_154 : memref<10240x64xf32, #tpu.memory_space<vmem_shared>>) offsets(%dma_start3A_151 : memref<128xi32, #tpu.memory_space<vmem>>) semaphore(%arg17 : memref<!tpu.dma_semaphore, #tpu.memory_space<semaphore_mem>>) {add = true}
      %ge3A = arith.constant 1 : i32
      %ge3A_155 = arith.cmpi sge, %add3A_138, %ge3A : i32
      %convert_element_type3A = arith.extui %ge3A_155 : i1 to i32
      %cond3A = arith.constant 0 : i32
      %cond3A_156 = arith.cmpi ne, %convert_element_type3A, %cond3A : i32
      scf.if %cond3A_156 {
        %sub3A = arith.constant 1 : i32
        %sub3A_233 = arith.subi %add3A_138, %sub3A : i32
        %dma_wait3A_234 = arith.constant 0 : i32
        %dma_wait3A_235 = tpu.memref_slice %arg7[%sub3A_233, %dma_wait3A_234] : memref<160x128xi32, #tpu.memory_space<vmem>> -> memref<1x128xi32, #tpu.memory_space<vmem>>
        %dma_wait3A_236 = tpu.memref_squeeze %dma_wait3A_235 : memref<1x128xi32, #tpu.memory_space<vmem>> -> memref<128xi32, #tpu.memory_space<vmem>>
        %dma_wait3A_237 = arith.constant 0 : i32
        %dma_wait3A_238 = arith.constant 0 : i32
        %dma_wait3A_239 = tpu.memref_slice %arg8[%dma_wait3A_237, %dma_wait3A_238] : memref<10240x64xf32, #tpu.memory_space<vmem_shared>> -> memref<10240x64xf32, #tpu.memory_space<vmem_shared>>
        tpu.wait_indirect_dma semaphore(%arg20 : memref<!tpu.dma_semaphore, #tpu.memory_space<semaphore_mem>>) src(%arg12 : memref<128x64xf32, #tpu.memory_space<vmem>>) dst(%dma_wait3A_239 : memref<10240x64xf32, #tpu.memory_space<vmem_shared>>)
        %add3A_240 = arith.constant 4 : i32
        %add3A_241 = arith.addi %add3A_138, %add3A_240 : i32
        %sub3A_242 = arith.constant 1 : i32
        %sub3A_243 = arith.subi %add3A_241, %sub3A_242 : i32
        %dma_start3A_244 = arith.constant 0 : i32
        %dma_start3A_245 = tpu.memref_slice %arg6[%sub3A_243, %dma_start3A_244] : memref<160x128xi32, #tpu.memory_space<vmem>> -> memref<1x128xi32, #tpu.memory_space<vmem>>
        %dma_start3A_246 = tpu.memref_squeeze %dma_start3A_245 : memref<1x128xi32, #tpu.memory_space<vmem>> -> memref<128xi32, #tpu.memory_space<vmem>>
        %dma_start3A_247 = arith.constant 0 : i32
        %dma_start3A_248 = arith.constant 0 : i32
        %dma_start3A_249 = tpu.memref_slice %arg2[%arg0, %dma_start3A_247, %dma_start3A_248] : memref<2x10000x64xf32, #tpu.memory_space<hbm>> -> memref<1x10000x64xf32, #tpu.memory_space<hbm>>
        %dma_start3A_250 = tpu.memref_squeeze %dma_start3A_249 : memref<1x10000x64xf32, #tpu.memory_space<hbm>> -> memref<10000x64xf32, #tpu.memory_space<hbm>>
        %dma_start3A_251 = arith.constant 0 : i32
        %dma_start3A_252 = arith.constant 0 : i32
        %dma_start3A_253 = tpu.memref_slice %dma_start3A_250[%dma_start3A_251, %dma_start3A_252] : memref<10000x64xf32, #tpu.memory_space<hbm>> -> memref<10000x64xf32, #tpu.memory_space<hbm>>
        tpu.enqueue_indirect_dma source(%dma_start3A_253 : memref<10000x64xf32, #tpu.memory_space<hbm>>) target(%arg12 : memref<128x64xf32, #tpu.memory_space<vmem>>) offsets(%dma_start3A_246 : memref<128xi32, #tpu.memory_space<vmem>>) semaphore(%arg16 : memref<!tpu.dma_semaphore, #tpu.memory_space<semaphore_mem>>)
      } else {
      }
      %mul3A_157 = arith.constant 4 : i32
      %mul3A_158 = arith.muli %mul3A_157, %scan3A_133 : i32
      %add3A_159 = arith.constant 1 : i32
      %add3A_160 = arith.addi %mul3A_158, %add3A_159 : i32
      %dma_wait3A_161 = arith.constant 0 : i32
      %dma_wait3A_162 = tpu.memref_slice %arg6[%add3A_160, %dma_wait3A_161] : memref<160x128xi32, #tpu.memory_space<vmem>> -> memref<1x128xi32, #tpu.memory_space<vmem>>
      %dma_wait3A_163 = tpu.memref_squeeze %dma_wait3A_162 : memref<1x128xi32, #tpu.memory_space<vmem>> -> memref<128xi32, #tpu.memory_space<vmem>>
      %dma_wait3A_164 = arith.constant 0 : i32
      %dma_wait3A_165 = arith.constant 0 : i32
      %dma_wait3A_166 = tpu.memref_slice %arg2[%arg0, %dma_wait3A_164, %dma_wait3A_165] : memref<2x10000x64xf32, #tpu.memory_space<hbm>> -> memref<1x10000x64xf32, #tpu.memory_space<hbm>>
      %dma_wait3A_167 = tpu.memref_squeeze %dma_wait3A_166 : memref<1x10000x64xf32, #tpu.memory_space<hbm>> -> memref<10000x64xf32, #tpu.memory_space<hbm>>
      %dma_wait3A_168 = arith.constant 0 : i32
      %dma_wait3A_169 = arith.constant 0 : i32
      %dma_wait3A_170 = tpu.memref_slice %dma_wait3A_167[%dma_wait3A_168, %dma_wait3A_169] : memref<10000x64xf32, #tpu.memory_space<hbm>> -> memref<10000x64xf32, #tpu.memory_space<hbm>>
      tpu.wait_indirect_dma semaphore(%arg14 : memref<!tpu.dma_semaphore, #tpu.memory_space<semaphore_mem>>) src(%dma_wait3A_170 : memref<10000x64xf32, #tpu.memory_space<hbm>>) dst(%arg10 : memref<128x64xf32, #tpu.memory_space<vmem>>)
      %dma_start3A_171 = arith.constant 0 : i32
      %dma_start3A_172 = tpu.memref_slice %arg7[%add3A_160, %dma_start3A_171] : memref<160x128xi32, #tpu.memory_space<vmem>> -> memref<1x128xi32, #tpu.memory_space<vmem>>
      %dma_start3A_173 = tpu.memref_squeeze %dma_start3A_172 : memref<1x128xi32, #tpu.memory_space<vmem>> -> memref<128xi32, #tpu.memory_space<vmem>>
      %dma_start3A_174 = arith.constant 0 : i32
      %dma_start3A_175 = arith.constant 0 : i32
      %dma_start3A_176 = tpu.memref_slice %arg8[%dma_start3A_174, %dma_start3A_175] : memref<10240x64xf32, #tpu.memory_space<vmem_shared>> -> memref<10240x64xf32, #tpu.memory_space<vmem_shared>>
      tpu.enqueue_indirect_dma source(%arg10 : memref<128x64xf32, #tpu.memory_space<vmem>>) target(%dma_start3A_176 : memref<10240x64xf32, #tpu.memory_space<vmem_shared>>) offsets(%dma_start3A_173 : memref<128xi32, #tpu.memory_space<vmem>>) semaphore(%arg18 : memref<!tpu.dma_semaphore, #tpu.memory_space<semaphore_mem>>) {add = true}
      %ge3A_177 = arith.constant 1 : i32
      %ge3A_178 = arith.cmpi sge, %add3A_160, %ge3A_177 : i32
      %convert_element_type3A_179 = arith.extui %ge3A_178 : i1 to i32
      %cond3A_180 = arith.constant 0 : i32
      %cond3A_181 = arith.cmpi ne, %convert_element_type3A_179, %cond3A_180 : i32
      scf.if %cond3A_181 {
        %sub3A = arith.constant 1 : i32
        %sub3A_233 = arith.subi %add3A_160, %sub3A : i32
        %dma_wait3A_234 = arith.constant 0 : i32
        %dma_wait3A_235 = tpu.memref_slice %arg7[%sub3A_233, %dma_wait3A_234] : memref<160x128xi32, #tpu.memory_space<vmem>> -> memref<1x128xi32, #tpu.memory_space<vmem>>
        %dma_wait3A_236 = tpu.memref_squeeze %dma_wait3A_235 : memref<1x128xi32, #tpu.memory_space<vmem>> -> memref<128xi32, #tpu.memory_space<vmem>>
        %dma_wait3A_237 = arith.constant 0 : i32
        %dma_wait3A_238 = arith.constant 0 : i32
        %dma_wait3A_239 = tpu.memref_slice %arg8[%dma_wait3A_237, %dma_wait3A_238] : memref<10240x64xf32, #tpu.memory_space<vmem_shared>> -> memref<10240x64xf32, #tpu.memory_space<vmem_shared>>
        tpu.wait_indirect_dma semaphore(%arg17 : memref<!tpu.dma_semaphore, #tpu.memory_space<semaphore_mem>>) src(%arg9 : memref<128x64xf32, #tpu.memory_space<vmem>>) dst(%dma_wait3A_239 : memref<10240x64xf32, #tpu.memory_space<vmem_shared>>)
        %add3A_240 = arith.constant 4 : i32
        %add3A_241 = arith.addi %add3A_160, %add3A_240 : i32
        %sub3A_242 = arith.constant 1 : i32
        %sub3A_243 = arith.subi %add3A_241, %sub3A_242 : i32
        %dma_start3A_244 = arith.constant 0 : i32
        %dma_start3A_245 = tpu.memref_slice %arg6[%sub3A_243, %dma_start3A_244] : memref<160x128xi32, #tpu.memory_space<vmem>> -> memref<1x128xi32, #tpu.memory_space<vmem>>
        %dma_start3A_246 = tpu.memref_squeeze %dma_start3A_245 : memref<1x128xi32, #tpu.memory_space<vmem>> -> memref<128xi32, #tpu.memory_space<vmem>>
        %dma_start3A_247 = arith.constant 0 : i32
        %dma_start3A_248 = arith.constant 0 : i32
        %dma_start3A_249 = tpu.memref_slice %arg2[%arg0, %dma_start3A_247, %dma_start3A_248] : memref<2x10000x64xf32, #tpu.memory_space<hbm>> -> memref<1x10000x64xf32, #tpu.memory_space<hbm>>
        %dma_start3A_250 = tpu.memref_squeeze %dma_start3A_249 : memref<1x10000x64xf32, #tpu.memory_space<hbm>> -> memref<10000x64xf32, #tpu.memory_space<hbm>>
        %dma_start3A_251 = arith.constant 0 : i32
        %dma_start3A_252 = arith.constant 0 : i32
        %dma_start3A_253 = tpu.memref_slice %dma_start3A_250[%dma_start3A_251, %dma_start3A_252] : memref<10000x64xf32, #tpu.memory_space<hbm>> -> memref<10000x64xf32, #tpu.memory_space<hbm>>
        tpu.enqueue_indirect_dma source(%dma_start3A_253 : memref<10000x64xf32, #tpu.memory_space<hbm>>) target(%arg9 : memref<128x64xf32, #tpu.memory_space<vmem>>) offsets(%dma_start3A_246 : memref<128xi32, #tpu.memory_space<vmem>>) semaphore(%arg13 : memref<!tpu.dma_semaphore, #tpu.memory_space<semaphore_mem>>)
      } else {
      }
      %mul3A_182 = arith.constant 4 : i32
      %mul3A_183 = arith.muli %mul3A_182, %scan3A_133 : i32
      %add3A_184 = arith.constant 2 : i32
      %add3A_185 = arith.addi %mul3A_183, %add3A_184 : i32
      %dma_wait3A_186 = arith.constant 0 : i32
      %dma_wait3A_187 = tpu.memref_slice %arg6[%add3A_185, %dma_wait3A_186] : memref<160x128xi32, #tpu.memory_space<vmem>> -> memref<1x128xi32, #tpu.memory_space<vmem>>
      %dma_wait3A_188 = tpu.memref_squeeze %dma_wait3A_187 : memref<1x128xi32, #tpu.memory_space<vmem>> -> memref<128xi32, #tpu.memory_space<vmem>>
      %dma_wait3A_189 = arith.constant 0 : i32
      %dma_wait3A_190 = arith.constant 0 : i32
      %dma_wait3A_191 = tpu.memref_slice %arg2[%arg0, %dma_wait3A_189, %dma_wait3A_190] : memref<2x10000x64xf32, #tpu.memory_space<hbm>> -> memref<1x10000x64xf32, #tpu.memory_space<hbm>>
      %dma_wait3A_192 = tpu.memref_squeeze %dma_wait3A_191 : memref<1x10000x64xf32, #tpu.memory_space<hbm>> -> memref<10000x64xf32, #tpu.memory_space<hbm>>
      %dma_wait3A_193 = arith.constant 0 : i32
      %dma_wait3A_194 = arith.constant 0 : i32
      %dma_wait3A_195 = tpu.memref_slice %dma_wait3A_192[%dma_wait3A_193, %dma_wait3A_194] : memref<10000x64xf32, #tpu.memory_space<hbm>> -> memref<10000x64xf32, #tpu.memory_space<hbm>>
      tpu.wait_indirect_dma semaphore(%arg15 : memref<!tpu.dma_semaphore, #tpu.memory_space<semaphore_mem>>) src(%dma_wait3A_195 : memref<10000x64xf32, #tpu.memory_space<hbm>>) dst(%arg11 : memref<128x64xf32, #tpu.memory_space<vmem>>)
      %dma_start3A_196 = arith.constant 0 : i32
      %dma_start3A_197 = tpu.memref_slice %arg7[%add3A_185, %dma_start3A_196] : memref<160x128xi32, #tpu.memory_space<vmem>> -> memref<1x128xi32, #tpu.memory_space<vmem>>
      %dma_start3A_198 = tpu.memref_squeeze %dma_start3A_197 : memref<1x128xi32, #tpu.memory_space<vmem>> -> memref<128xi32, #tpu.memory_space<vmem>>
      %dma_start3A_199 = arith.constant 0 : i32
      %dma_start3A_200 = arith.constant 0 : i32
      %dma_start3A_201 = tpu.memref_slice %arg8[%dma_start3A_199, %dma_start3A_200] : memref<10240x64xf32, #tpu.memory_space<vmem_shared>> -> memref<10240x64xf32, #tpu.memory_space<vmem_shared>>
      tpu.enqueue_indirect_dma source(%arg11 : memref<128x64xf32, #tpu.memory_space<vmem>>) target(%dma_start3A_201 : memref<10240x64xf32, #tpu.memory_space<vmem_shared>>) offsets(%dma_start3A_198 : memref<128xi32, #tpu.memory_space<vmem>>) semaphore(%arg19 : memref<!tpu.dma_semaphore, #tpu.memory_space<semaphore_mem>>) {add = true}
      %ge3A_202 = arith.constant 1 : i32
      %ge3A_203 = arith.cmpi sge, %add3A_185, %ge3A_202 : i32
      %convert_element_type3A_204 = arith.extui %ge3A_203 : i1 to i32
      %cond3A_205 = arith.constant 0 : i32
      %cond3A_206 = arith.cmpi ne, %convert_element_type3A_204, %cond3A_205 : i32
      scf.if %cond3A_206 {
        %sub3A = arith.constant 1 : i32
        %sub3A_233 = arith.subi %add3A_185, %sub3A : i32
        %dma_wait3A_234 = arith.constant 0 : i32
        %dma_wait3A_235 = tpu.memref_slice %arg7[%sub3A_233, %dma_wait3A_234] : memref<160x128xi32, #tpu.memory_space<vmem>> -> memref<1x128xi32, #tpu.memory_space<vmem>>
        %dma_wait3A_236 = tpu.memref_squeeze %dma_wait3A_235 : memref<1x128xi32, #tpu.memory_space<vmem>> -> memref<128xi32, #tpu.memory_space<vmem>>
        %dma_wait3A_237 = arith.constant 0 : i32
        %dma_wait3A_238 = arith.constant 0 : i32
        %dma_wait3A_239 = tpu.memref_slice %arg8[%dma_wait3A_237, %dma_wait3A_238] : memref<10240x64xf32, #tpu.memory_space<vmem_shared>> -> memref<10240x64xf32, #tpu.memory_space<vmem_shared>>
        tpu.wait_indirect_dma semaphore(%arg18 : memref<!tpu.dma_semaphore, #tpu.memory_space<semaphore_mem>>) src(%arg10 : memref<128x64xf32, #tpu.memory_space<vmem>>) dst(%dma_wait3A_239 : memref<10240x64xf32, #tpu.memory_space<vmem_shared>>)
        %add3A_240 = arith.constant 4 : i32
        %add3A_241 = arith.addi %add3A_185, %add3A_240 : i32
        %sub3A_242 = arith.constant 1 : i32
        %sub3A_243 = arith.subi %add3A_241, %sub3A_242 : i32
        %dma_start3A_244 = arith.constant 0 : i32
        %dma_start3A_245 = tpu.memref_slice %arg6[%sub3A_243, %dma_start3A_244] : memref<160x128xi32, #tpu.memory_space<vmem>> -> memref<1x128xi32, #tpu.memory_space<vmem>>
        %dma_start3A_246 = tpu.memref_squeeze %dma_start3A_245 : memref<1x128xi32, #tpu.memory_space<vmem>> -> memref<128xi32, #tpu.memory_space<vmem>>
        %dma_start3A_247 = arith.constant 0 : i32
        %dma_start3A_248 = arith.constant 0 : i32
        %dma_start3A_249 = tpu.memref_slice %arg2[%arg0, %dma_start3A_247, %dma_start3A_248] : memref<2x10000x64xf32, #tpu.memory_space<hbm>> -> memref<1x10000x64xf32, #tpu.memory_space<hbm>>
        %dma_start3A_250 = tpu.memref_squeeze %dma_start3A_249 : memref<1x10000x64xf32, #tpu.memory_space<hbm>> -> memref<10000x64xf32, #tpu.memory_space<hbm>>
        %dma_start3A_251 = arith.constant 0 : i32
        %dma_start3A_252 = arith.constant 0 : i32
        %dma_start3A_253 = tpu.memref_slice %dma_start3A_250[%dma_start3A_251, %dma_start3A_252] : memref<10000x64xf32, #tpu.memory_space<hbm>> -> memref<10000x64xf32, #tpu.memory_space<hbm>>
        tpu.enqueue_indirect_dma source(%dma_start3A_253 : memref<10000x64xf32, #tpu.memory_space<hbm>>) target(%arg10 : memref<128x64xf32, #tpu.memory_space<vmem>>) offsets(%dma_start3A_246 : memref<128xi32, #tpu.memory_space<vmem>>) semaphore(%arg14 : memref<!tpu.dma_semaphore, #tpu.memory_space<semaphore_mem>>)
      } else {
      }
      %mul3A_207 = arith.constant 4 : i32
      %mul3A_208 = arith.muli %mul3A_207, %scan3A_133 : i32
      %add3A_209 = arith.constant 3 : i32
      %add3A_210 = arith.addi %mul3A_208, %add3A_209 : i32
      %dma_wait3A_211 = arith.constant 0 : i32
      %dma_wait3A_212 = tpu.memref_slice %arg6[%add3A_210, %dma_wait3A_211] : memref<160x128xi32, #tpu.memory_space<vmem>> -> memref<1x128xi32, #tpu.memory_space<vmem>>
      %dma_wait3A_213 = tpu.memref_squeeze %dma_wait3A_212 : memref<1x128xi32, #tpu.memory_space<vmem>> -> memref<128xi32, #tpu.memory_space<vmem>>
      %dma_wait3A_214 = arith.constant 0 : i32
      %dma_wait3A_215 = arith.constant 0 : i32
      %dma_wait3A_216 = tpu.memref_slice %arg2[%arg0, %dma_wait3A_214, %dma_wait3A_215] : memref<2x10000x64xf32, #tpu.memory_space<hbm>> -> memref<1x10000x64xf32, #tpu.memory_space<hbm>>
      %dma_wait3A_217 = tpu.memref_squeeze %dma_wait3A_216 : memref<1x10000x64xf32, #tpu.memory_space<hbm>> -> memref<10000x64xf32, #tpu.memory_space<hbm>>
      %dma_wait3A_218 = arith.constant 0 : i32
      %dma_wait3A_219 = arith.constant 0 : i32
      %dma_wait3A_220 = tpu.memref_slice %dma_wait3A_217[%dma_wait3A_218, %dma_wait3A_219] : memref<10000x64xf32, #tpu.memory_space<hbm>> -> memref<10000x64xf32, #tpu.memory_space<hbm>>
      tpu.wait_indirect_dma semaphore(%arg16 : memref<!tpu.dma_semaphore, #tpu.memory_space<semaphore_mem>>) src(%dma_wait3A_220 : memref<10000x64xf32, #tpu.memory_space<hbm>>) dst(%arg12 : memref<128x64xf32, #tpu.memory_space<vmem>>)
      %dma_start3A_221 = arith.constant 0 : i32
      %dma_start3A_222 = tpu.memref_slice %arg7[%add3A_210, %dma_start3A_221] : memref<160x128xi32, #tpu.memory_space<vmem>> -> memref<1x128xi32, #tpu.memory_space<vmem>>
      %dma_start3A_223 = tpu.memref_squeeze %dma_start3A_222 : memref<1x128xi32, #tpu.memory_space<vmem>> -> memref<128xi32, #tpu.memory_space<vmem>>
      %dma_start3A_224 = arith.constant 0 : i32
      %dma_start3A_225 = arith.constant 0 : i32
      %dma_start3A_226 = tpu.memref_slice %arg8[%dma_start3A_224, %dma_start3A_225] : memref<10240x64xf32, #tpu.memory_space<vmem_shared>> -> memref<10240x64xf32, #tpu.memory_space<vmem_shared>>
      tpu.enqueue_indirect_dma source(%arg12 : memref<128x64xf32, #tpu.memory_space<vmem>>) target(%dma_start3A_226 : memref<10240x64xf32, #tpu.memory_space<vmem_shared>>) offsets(%dma_start3A_223 : memref<128xi32, #tpu.memory_space<vmem>>) semaphore(%arg20 : memref<!tpu.dma_semaphore, #tpu.memory_space<semaphore_mem>>) {add = true}
      %ge3A_227 = arith.constant 1 : i32
      %ge3A_228 = arith.cmpi sge, %add3A_210, %ge3A_227 : i32
      %convert_element_type3A_229 = arith.extui %ge3A_228 : i1 to i32
      %cond3A_230 = arith.constant 0 : i32
      %cond3A_231 = arith.cmpi ne, %convert_element_type3A_229, %cond3A_230 : i32
      scf.if %cond3A_231 {
        %sub3A = arith.constant 1 : i32
        %sub3A_233 = arith.subi %add3A_210, %sub3A : i32
        %dma_wait3A_234 = arith.constant 0 : i32
        %dma_wait3A_235 = tpu.memref_slice %arg7[%sub3A_233, %dma_wait3A_234] : memref<160x128xi32, #tpu.memory_space<vmem>> -> memref<1x128xi32, #tpu.memory_space<vmem>>
        %dma_wait3A_236 = tpu.memref_squeeze %dma_wait3A_235 : memref<1x128xi32, #tpu.memory_space<vmem>> -> memref<128xi32, #tpu.memory_space<vmem>>
        %dma_wait3A_237 = arith.constant 0 : i32
        %dma_wait3A_238 = arith.constant 0 : i32
        %dma_wait3A_239 = tpu.memref_slice %arg8[%dma_wait3A_237, %dma_wait3A_238] : memref<10240x64xf32, #tpu.memory_space<vmem_shared>> -> memref<10240x64xf32, #tpu.memory_space<vmem_shared>>
        tpu.wait_indirect_dma semaphore(%arg19 : memref<!tpu.dma_semaphore, #tpu.memory_space<semaphore_mem>>) src(%arg11 : memref<128x64xf32, #tpu.memory_space<vmem>>) dst(%dma_wait3A_239 : memref<10240x64xf32, #tpu.memory_space<vmem_shared>>)
        %add3A_240 = arith.constant 4 : i32
        %add3A_241 = arith.addi %add3A_210, %add3A_240 : i32
        %sub3A_242 = arith.constant 1 : i32
        %sub3A_243 = arith.subi %add3A_241, %sub3A_242 : i32
        %dma_start3A_244 = arith.constant 0 : i32
        %dma_start3A_245 = tpu.memref_slice %arg6[%sub3A_243, %dma_start3A_244] : memref<160x128xi32, #tpu.memory_space<vmem>> -> memref<1x128xi32, #tpu.memory_space<vmem>>
        %dma_start3A_246 = tpu.memref_squeeze %dma_start3A_245 : memref<1x128xi32, #tpu.memory_space<vmem>> -> memref<128xi32, #tpu.memory_space<vmem>>
        %dma_start3A_247 = arith.constant 0 : i32
        %dma_start3A_248 = arith.constant 0 : i32
        %dma_start3A_249 = tpu.memref_slice %arg2[%arg0, %dma_start3A_247, %dma_start3A_248] : memref<2x10000x64xf32, #tpu.memory_space<hbm>> -> memref<1x10000x64xf32, #tpu.memory_space<hbm>>
        %dma_start3A_250 = tpu.memref_squeeze %dma_start3A_249 : memref<1x10000x64xf32, #tpu.memory_space<hbm>> -> memref<10000x64xf32, #tpu.memory_space<hbm>>
        %dma_start3A_251 = arith.constant 0 : i32
        %dma_start3A_252 = arith.constant 0 : i32
        %dma_start3A_253 = tpu.memref_slice %dma_start3A_250[%dma_start3A_251, %dma_start3A_252] : memref<10000x64xf32, #tpu.memory_space<hbm>> -> memref<10000x64xf32, #tpu.memory_space<hbm>>
        tpu.enqueue_indirect_dma source(%dma_start3A_253 : memref<10000x64xf32, #tpu.memory_space<hbm>>) target(%arg11 : memref<128x64xf32, #tpu.memory_space<vmem>>) offsets(%dma_start3A_246 : memref<128xi32, #tpu.memory_space<vmem>>) semaphore(%arg15 : memref<!tpu.dma_semaphore, #tpu.memory_space<semaphore_mem>>)
      } else {
      }
      %scan3A_232 = arith.constant 0 : i32
      scf.yield %scan3A_232 : i32
    }
    %scan3A_65 = arith.constant 39 : i32
    %dma_wait3A = arith.constant 155 : i32
    %dma_wait3A_66 = arith.constant 0 : i32
    %dma_wait3A_67 = tpu.memref_slice %arg7[%dma_wait3A, %dma_wait3A_66] : memref<160x128xi32, #tpu.memory_space<vmem>> -> memref<1x128xi32, #tpu.memory_space<vmem>>
    %dma_wait3A_68 = tpu.memref_squeeze %dma_wait3A_67 : memref<1x128xi32, #tpu.memory_space<vmem>> -> memref<128xi32, #tpu.memory_space<vmem>>
    %dma_wait3A_69 = arith.constant 0 : i32
    %dma_wait3A_70 = arith.constant 0 : i32
    %dma_wait3A_71 = tpu.memref_slice %arg8[%dma_wait3A_69, %dma_wait3A_70] : memref<10240x64xf32, #tpu.memory_space<vmem_shared>> -> memref<10240x64xf32, #tpu.memory_space<vmem_shared>>
    tpu.wait_indirect_dma semaphore(%arg20 : memref<!tpu.dma_semaphore, #tpu.memory_space<semaphore_mem>>) src(%arg12 : memref<128x64xf32, #tpu.memory_space<vmem>>) dst(%dma_wait3A_71 : memref<10240x64xf32, #tpu.memory_space<vmem_shared>>)
    %dma_start3A_72 = arith.constant 159 : i32
    %dma_start3A_73 = arith.constant 0 : i32
    %dma_start3A_74 = tpu.memref_slice %arg6[%dma_start3A_72, %dma_start3A_73] : memref<160x128xi32, #tpu.memory_space<vmem>> -> memref<1x128xi32, #tpu.memory_space<vmem>>
    %dma_start3A_75 = tpu.memref_squeeze %dma_start3A_74 : memref<1x128xi32, #tpu.memory_space<vmem>> -> memref<128xi32, #tpu.memory_space<vmem>>
    %dma_start3A_76 = arith.constant 0 : i32
    %dma_start3A_77 = arith.constant 0 : i32
    %dma_start3A_78 = tpu.memref_slice %arg2[%arg0, %dma_start3A_76, %dma_start3A_77] : memref<2x10000x64xf32, #tpu.memory_space<hbm>> -> memref<1x10000x64xf32, #tpu.memory_space<hbm>>
    %dma_start3A_79 = tpu.memref_squeeze %dma_start3A_78 : memref<1x10000x64xf32, #tpu.memory_space<hbm>> -> memref<10000x64xf32, #tpu.memory_space<hbm>>
    %dma_start3A_80 = arith.constant 0 : i32
    %dma_start3A_81 = arith.constant 0 : i32
    %dma_start3A_82 = tpu.memref_slice %dma_start3A_79[%dma_start3A_80, %dma_start3A_81] : memref<10000x64xf32, #tpu.memory_space<hbm>> -> memref<10000x64xf32, #tpu.memory_space<hbm>>
    tpu.enqueue_indirect_dma source(%dma_start3A_82 : memref<10000x64xf32, #tpu.memory_space<hbm>>) target(%arg12 : memref<128x64xf32, #tpu.memory_space<vmem>>) offsets(%dma_start3A_75 : memref<128xi32, #tpu.memory_space<vmem>>) semaphore(%arg16 : memref<!tpu.dma_semaphore, #tpu.memory_space<semaphore_mem>>)
    %dma_wait3A_83 = arith.constant 156 : i32
    %dma_wait3A_84 = arith.constant 0 : i32
    %dma_wait3A_85 = tpu.memref_slice %arg6[%dma_wait3A_83, %dma_wait3A_84] : memref<160x128xi32, #tpu.memory_space<vmem>> -> memref<1x128xi32, #tpu.memory_space<vmem>>
    %dma_wait3A_86 = tpu.memref_squeeze %dma_wait3A_85 : memref<1x128xi32, #tpu.memory_space<vmem>> -> memref<128xi32, #tpu.memory_space<vmem>>
    %dma_wait3A_87 = arith.constant 0 : i32
    %dma_wait3A_88 = arith.constant 0 : i32
    %dma_wait3A_89 = tpu.memref_slice %arg2[%arg0, %dma_wait3A_87, %dma_wait3A_88] : memref<2x10000x64xf32, #tpu.memory_space<hbm>> -> memref<1x10000x64xf32, #tpu.memory_space<hbm>>
    %dma_wait3A_90 = tpu.memref_squeeze %dma_wait3A_89 : memref<1x10000x64xf32, #tpu.memory_space<hbm>> -> memref<10000x64xf32, #tpu.memory_space<hbm>>
    %dma_wait3A_91 = arith.constant 0 : i32
    %dma_wait3A_92 = arith.constant 0 : i32
    %dma_wait3A_93 = tpu.memref_slice %dma_wait3A_90[%dma_wait3A_91, %dma_wait3A_92] : memref<10000x64xf32, #tpu.memory_space<hbm>> -> memref<10000x64xf32, #tpu.memory_space<hbm>>
    tpu.wait_indirect_dma semaphore(%arg13 : memref<!tpu.dma_semaphore, #tpu.memory_space<semaphore_mem>>) src(%dma_wait3A_93 : memref<10000x64xf32, #tpu.memory_space<hbm>>) dst(%arg9 : memref<128x64xf32, #tpu.memory_space<vmem>>)
    %run_scoped3A = arith.constant 156 : i32
    "tpu.region"() ({
      %run_scoped3A_133 = tpu.sem_alloc : memref<!tpu.dma_semaphore, #tpu.memory_space<semaphore_mem>>
      %dma_start3A_134 = arith.constant 0 : i32
      %dma_start3A_135 = tpu.memref_slice %arg7[%run_scoped3A, %dma_start3A_134] : memref<160x128xi32, #tpu.memory_space<vmem>> -> memref<1x128xi32, #tpu.memory_space<vmem>>
      %dma_start3A_136 = tpu.memref_squeeze %dma_start3A_135 : memref<1x128xi32, #tpu.memory_space<vmem>> -> memref<128xi32, #tpu.memory_space<vmem>>
      %dma_start3A_137 = arith.constant 0 : i32
      %dma_start3A_138 = arith.constant 0 : i32
      %dma_start3A_139 = tpu.memref_slice %arg8[%dma_start3A_137, %dma_start3A_138] : memref<10240x64xf32, #tpu.memory_space<vmem_shared>> -> memref<10240x64xf32, #tpu.memory_space<vmem_shared>>
      tpu.enqueue_indirect_dma source(%arg9 : memref<128x64xf32, #tpu.memory_space<vmem>>) target(%dma_start3A_139 : memref<10240x64xf32, #tpu.memory_space<vmem_shared>>) offsets(%dma_start3A_136 : memref<128xi32, #tpu.memory_space<vmem>>) semaphore(%run_scoped3A_133 : memref<!tpu.dma_semaphore, #tpu.memory_space<semaphore_mem>>) {add = true}
      %dma_wait3A_140 = arith.constant 0 : i32
      %dma_wait3A_141 = tpu.memref_slice %arg7[%run_scoped3A, %dma_wait3A_140] : memref<160x128xi32, #tpu.memory_space<vmem>> -> memref<1x128xi32, #tpu.memory_space<vmem>>
      %dma_wait3A_142 = tpu.memref_squeeze %dma_wait3A_141 : memref<1x128xi32, #tpu.memory_space<vmem>> -> memref<128xi32, #tpu.memory_space<vmem>>
      %dma_wait3A_143 = arith.constant 0 : i32
      %dma_wait3A_144 = arith.constant 0 : i32
      %dma_wait3A_145 = tpu.memref_slice %arg8[%dma_wait3A_143, %dma_wait3A_144] : memref<10240x64xf32, #tpu.memory_space<vmem_shared>> -> memref<10240x64xf32, #tpu.memory_space<vmem_shared>>
      tpu.wait_indirect_dma semaphore(%run_scoped3A_133 : memref<!tpu.dma_semaphore, #tpu.memory_space<semaphore_mem>>) src(%arg9 : memref<128x64xf32, #tpu.memory_space<vmem>>) dst(%dma_wait3A_145 : memref<10240x64xf32, #tpu.memory_space<vmem_shared>>)
      tpu.yield
    }) : () -> ()
    %dma_wait3A_94 = arith.constant 157 : i32
    %dma_wait3A_95 = arith.constant 0 : i32
    %dma_wait3A_96 = tpu.memref_slice %arg6[%dma_wait3A_94, %dma_wait3A_95] : memref<160x128xi32, #tpu.memory_space<vmem>> -> memref<1x128xi32, #tpu.memory_space<vmem>>
    %dma_wait3A_97 = tpu.memref_squeeze %dma_wait3A_96 : memref<1x128xi32, #tpu.memory_space<vmem>> -> memref<128xi32, #tpu.memory_space<vmem>>
    %dma_wait3A_98 = arith.constant 0 : i32
    %dma_wait3A_99 = arith.constant 0 : i32
    %dma_wait3A_100 = tpu.memref_slice %arg2[%arg0, %dma_wait3A_98, %dma_wait3A_99] : memref<2x10000x64xf32, #tpu.memory_space<hbm>> -> memref<1x10000x64xf32, #tpu.memory_space<hbm>>
    %dma_wait3A_101 = tpu.memref_squeeze %dma_wait3A_100 : memref<1x10000x64xf32, #tpu.memory_space<hbm>> -> memref<10000x64xf32, #tpu.memory_space<hbm>>
    %dma_wait3A_102 = arith.constant 0 : i32
    %dma_wait3A_103 = arith.constant 0 : i32
    %dma_wait3A_104 = tpu.memref_slice %dma_wait3A_101[%dma_wait3A_102, %dma_wait3A_103] : memref<10000x64xf32, #tpu.memory_space<hbm>> -> memref<10000x64xf32, #tpu.memory_space<hbm>>
    tpu.wait_indirect_dma semaphore(%arg14 : memref<!tpu.dma_semaphore, #tpu.memory_space<semaphore_mem>>) src(%dma_wait3A_104 : memref<10000x64xf32, #tpu.memory_space<hbm>>) dst(%arg10 : memref<128x64xf32, #tpu.memory_space<vmem>>)
    %run_scoped3A_105 = arith.constant 157 : i32
    "tpu.region"() ({
      %run_scoped3A_133 = tpu.sem_alloc : memref<!tpu.dma_semaphore, #tpu.memory_space<semaphore_mem>>
      %dma_start3A_134 = arith.constant 0 : i32
      %dma_start3A_135 = tpu.memref_slice %arg7[%run_scoped3A_105, %dma_start3A_134] : memref<160x128xi32, #tpu.memory_space<vmem>> -> memref<1x128xi32, #tpu.memory_space<vmem>>
      %dma_start3A_136 = tpu.memref_squeeze %dma_start3A_135 : memref<1x128xi32, #tpu.memory_space<vmem>> -> memref<128xi32, #tpu.memory_space<vmem>>
      %dma_start3A_137 = arith.constant 0 : i32
      %dma_start3A_138 = arith.constant 0 : i32
      %dma_start3A_139 = tpu.memref_slice %arg8[%dma_start3A_137, %dma_start3A_138] : memref<10240x64xf32, #tpu.memory_space<vmem_shared>> -> memref<10240x64xf32, #tpu.memory_space<vmem_shared>>
      tpu.enqueue_indirect_dma source(%arg10 : memref<128x64xf32, #tpu.memory_space<vmem>>) target(%dma_start3A_139 : memref<10240x64xf32, #tpu.memory_space<vmem_shared>>) offsets(%dma_start3A_136 : memref<128xi32, #tpu.memory_space<vmem>>) semaphore(%run_scoped3A_133 : memref<!tpu.dma_semaphore, #tpu.memory_space<semaphore_mem>>) {add = true}
      %dma_wait3A_140 = arith.constant 0 : i32
      %dma_wait3A_141 = tpu.memref_slice %arg7[%run_scoped3A_105, %dma_wait3A_140] : memref<160x128xi32, #tpu.memory_space<vmem>> -> memref<1x128xi32, #tpu.memory_space<vmem>>
      %dma_wait3A_142 = tpu.memref_squeeze %dma_wait3A_141 : memref<1x128xi32, #tpu.memory_space<vmem>> -> memref<128xi32, #tpu.memory_space<vmem>>
      %dma_wait3A_143 = arith.constant 0 : i32
      %dma_wait3A_144 = arith.constant 0 : i32
      %dma_wait3A_145 = tpu.memref_slice %arg8[%dma_wait3A_143, %dma_wait3A_144] : memref<10240x64xf32, #tpu.memory_space<vmem_shared>> -> memref<10240x64xf32, #tpu.memory_space<vmem_shared>>
      tpu.wait_indirect_dma semaphore(%run_scoped3A_133 : memref<!tpu.dma_semaphore, #tpu.memory_space<semaphore_mem>>) src(%arg10 : memref<128x64xf32, #tpu.memory_space<vmem>>) dst(%dma_wait3A_145 : memref<10240x64xf32, #tpu.memory_space<vmem_shared>>)
      tpu.yield
    }) : () -> ()
    %dma_wait3A_106 = arith.constant 158 : i32
    %dma_wait3A_107 = arith.constant 0 : i32
    %dma_wait3A_108 = tpu.memref_slice %arg6[%dma_wait3A_106, %dma_wait3A_107] : memref<160x128xi32, #tpu.memory_space<vmem>> -> memref<1x128xi32, #tpu.memory_space<vmem>>
    %dma_wait3A_109 = tpu.memref_squeeze %dma_wait3A_108 : memref<1x128xi32, #tpu.memory_space<vmem>> -> memref<128xi32, #tpu.memory_space<vmem>>
    %dma_wait3A_110 = arith.constant 0 : i32
    %dma_wait3A_111 = arith.constant 0 : i32
    %dma_wait3A_112 = tpu.memref_slice %arg2[%arg0, %dma_wait3A_110, %dma_wait3A_111] : memref<2x10000x64xf32, #tpu.memory_space<hbm>> -> memref<1x10000x64xf32, #tpu.memory_space<hbm>>
    %dma_wait3A_113 = tpu.memref_squeeze %dma_wait3A_112 : memref<1x10000x64xf32, #tpu.memory_space<hbm>> -> memref<10000x64xf32, #tpu.memory_space<hbm>>
    %dma_wait3A_114 = arith.constant 0 : i32
    %dma_wait3A_115 = arith.constant 0 : i32
    %dma_wait3A_116 = tpu.memref_slice %dma_wait3A_113[%dma_wait3A_114, %dma_wait3A_115] : memref<10000x64xf32, #tpu.memory_space<hbm>> -> memref<10000x64xf32, #tpu.memory_space<hbm>>
    tpu.wait_indirect_dma semaphore(%arg15 : memref<!tpu.dma_semaphore, #tpu.memory_space<semaphore_mem>>) src(%dma_wait3A_116 : memref<10000x64xf32, #tpu.memory_space<hbm>>) dst(%arg11 : memref<128x64xf32, #tpu.memory_space<vmem>>)
    %run_scoped3A_117 = arith.constant 158 : i32
    "tpu.region"() ({
      %run_scoped3A_133 = tpu.sem_alloc : memref<!tpu.dma_semaphore, #tpu.memory_space<semaphore_mem>>
      %dma_start3A_134 = arith.constant 0 : i32
      %dma_start3A_135 = tpu.memref_slice %arg7[%run_scoped3A_117, %dma_start3A_134] : memref<160x128xi32, #tpu.memory_space<vmem>> -> memref<1x128xi32, #tpu.memory_space<vmem>>
      %dma_start3A_136 = tpu.memref_squeeze %dma_start3A_135 : memref<1x128xi32, #tpu.memory_space<vmem>> -> memref<128xi32, #tpu.memory_space<vmem>>
      %dma_start3A_137 = arith.constant 0 : i32
      %dma_start3A_138 = arith.constant 0 : i32
      %dma_start3A_139 = tpu.memref_slice %arg8[%dma_start3A_137, %dma_start3A_138] : memref<10240x64xf32, #tpu.memory_space<vmem_shared>> -> memref<10240x64xf32, #tpu.memory_space<vmem_shared>>
      tpu.enqueue_indirect_dma source(%arg11 : memref<128x64xf32, #tpu.memory_space<vmem>>) target(%dma_start3A_139 : memref<10240x64xf32, #tpu.memory_space<vmem_shared>>) offsets(%dma_start3A_136 : memref<128xi32, #tpu.memory_space<vmem>>) semaphore(%run_scoped3A_133 : memref<!tpu.dma_semaphore, #tpu.memory_space<semaphore_mem>>) {add = true}
      %dma_wait3A_140 = arith.constant 0 : i32
      %dma_wait3A_141 = tpu.memref_slice %arg7[%run_scoped3A_117, %dma_wait3A_140] : memref<160x128xi32, #tpu.memory_space<vmem>> -> memref<1x128xi32, #tpu.memory_space<vmem>>
      %dma_wait3A_142 = tpu.memref_squeeze %dma_wait3A_141 : memref<1x128xi32, #tpu.memory_space<vmem>> -> memref<128xi32, #tpu.memory_space<vmem>>
      %dma_wait3A_143 = arith.constant 0 : i32
      %dma_wait3A_144 = arith.constant 0 : i32
      %dma_wait3A_145 = tpu.memref_slice %arg8[%dma_wait3A_143, %dma_wait3A_144] : memref<10240x64xf32, #tpu.memory_space<vmem_shared>> -> memref<10240x64xf32, #tpu.memory_space<vmem_shared>>
      tpu.wait_indirect_dma semaphore(%run_scoped3A_133 : memref<!tpu.dma_semaphore, #tpu.memory_space<semaphore_mem>>) src(%arg11 : memref<128x64xf32, #tpu.memory_space<vmem>>) dst(%dma_wait3A_145 : memref<10240x64xf32, #tpu.memory_space<vmem_shared>>)
      tpu.yield
    }) : () -> ()
    %dma_wait3A_118 = arith.constant 159 : i32
    %dma_wait3A_119 = arith.constant 0 : i32
    %dma_wait3A_120 = tpu.memref_slice %arg6[%dma_wait3A_118, %dma_wait3A_119] : memref<160x128xi32, #tpu.memory_space<vmem>> -> memref<1x128xi32, #tpu.memory_space<vmem>>
    %dma_wait3A_121 = tpu.memref_squeeze %dma_wait3A_120 : memref<1x128xi32, #tpu.memory_space<vmem>> -> memref<128xi32, #tpu.memory_space<vmem>>
    %dma_wait3A_122 = arith.constant 0 : i32
    %dma_wait3A_123 = arith.constant 0 : i32
    %dma_wait3A_124 = tpu.memref_slice %arg2[%arg0, %dma_wait3A_122, %dma_wait3A_123] : memref<2x10000x64xf32, #tpu.memory_space<hbm>> -> memref<1x10000x64xf32, #tpu.memory_space<hbm>>
    %dma_wait3A_125 = tpu.memref_squeeze %dma_wait3A_124 : memref<1x10000x64xf32, #tpu.memory_space<hbm>> -> memref<10000x64xf32, #tpu.memory_space<hbm>>
    %dma_wait3A_126 = arith.constant 0 : i32
    %dma_wait3A_127 = arith.constant 0 : i32
    %dma_wait3A_128 = tpu.memref_slice %dma_wait3A_125[%dma_wait3A_126, %dma_wait3A_127] : memref<10000x64xf32, #tpu.memory_space<hbm>> -> memref<10000x64xf32, #tpu.memory_space<hbm>>
    tpu.wait_indirect_dma semaphore(%arg16 : memref<!tpu.dma_semaphore, #tpu.memory_space<semaphore_mem>>) src(%dma_wait3A_128 : memref<10000x64xf32, #tpu.memory_space<hbm>>) dst(%arg12 : memref<128x64xf32, #tpu.memory_space<vmem>>)
    %run_scoped3A_129 = arith.constant 159 : i32
    "tpu.region"() ({
      %run_scoped3A_133 = tpu.sem_alloc : memref<!tpu.dma_semaphore, #tpu.memory_space<semaphore_mem>>
      %dma_start3A_134 = arith.constant 0 : i32
      %dma_start3A_135 = tpu.memref_slice %arg7[%run_scoped3A_129, %dma_start3A_134] : memref<160x128xi32, #tpu.memory_space<vmem>> -> memref<1x128xi32, #tpu.memory_space<vmem>>
      %dma_start3A_136 = tpu.memref_squeeze %dma_start3A_135 : memref<1x128xi32, #tpu.memory_space<vmem>> -> memref<128xi32, #tpu.memory_space<vmem>>
      %dma_start3A_137 = arith.constant 0 : i32
      %dma_start3A_138 = arith.constant 0 : i32
      %dma_start3A_139 = tpu.memref_slice %arg8[%dma_start3A_137, %dma_start3A_138] : memref<10240x64xf32, #tpu.memory_space<vmem_shared>> -> memref<10240x64xf32, #tpu.memory_space<vmem_shared>>
      tpu.enqueue_indirect_dma source(%arg12 : memref<128x64xf32, #tpu.memory_space<vmem>>) target(%dma_start3A_139 : memref<10240x64xf32, #tpu.memory_space<vmem_shared>>) offsets(%dma_start3A_136 : memref<128xi32, #tpu.memory_space<vmem>>) semaphore(%run_scoped3A_133 : memref<!tpu.dma_semaphore, #tpu.memory_space<semaphore_mem>>) {add = true}
      %dma_wait3A_140 = arith.constant 0 : i32
      %dma_wait3A_141 = tpu.memref_slice %arg7[%run_scoped3A_129, %dma_wait3A_140] : memref<160x128xi32, #tpu.memory_space<vmem>> -> memref<1x128xi32, #tpu.memory_space<vmem>>
      %dma_wait3A_142 = tpu.memref_squeeze %dma_wait3A_141 : memref<1x128xi32, #tpu.memory_space<vmem>> -> memref<128xi32, #tpu.memory_space<vmem>>
      %dma_wait3A_143 = arith.constant 0 : i32
      %dma_wait3A_144 = arith.constant 0 : i32
      %dma_wait3A_145 = tpu.memref_slice %arg8[%dma_wait3A_143, %dma_wait3A_144] : memref<10240x64xf32, #tpu.memory_space<vmem_shared>> -> memref<10240x64xf32, #tpu.memory_space<vmem_shared>>
      tpu.wait_indirect_dma semaphore(%run_scoped3A_133 : memref<!tpu.dma_semaphore, #tpu.memory_space<semaphore_mem>>) src(%arg12 : memref<128x64xf32, #tpu.memory_space<vmem>>) dst(%dma_wait3A_145 : memref<10240x64xf32, #tpu.memory_space<vmem_shared>>)
      tpu.yield
    }) : () -> ()
    %barrier3A_130 = arith.constant 0 : index
    tpu.barrier barrier_id(%barrier3A_130)
    %mul3A_131 = arith.constant 640 : i32
    %mul3A_132 = arith.muli %arg1, %mul3A_131 : i32
    "tpu.region"() ({
      %run_scoped3A_133 = tpu.sem_alloc : memref<!tpu.dma_semaphore, #tpu.memory_space<semaphore_mem>>
      %dma_start3A_134 = arith.constant 0 : i32
      %dma_start3A_135 = tpu.memref_slice %arg5[%arg0, %mul3A_132, %dma_start3A_134] : memref<2x10240x64xf32, #tpu.memory_space<hbm>> -> memref<1x640x64xf32, #tpu.memory_space<hbm>>
      %dma_start3A_136 = tpu.memref_squeeze %dma_start3A_135 : memref<1x640x64xf32, #tpu.memory_space<hbm>> -> memref<640x64xf32, #tpu.memory_space<hbm>>
      %dma_start3A_137 = arith.constant 0 : i32
      %dma_start3A_138 = tpu.memref_slice %arg8[%mul3A_132, %dma_start3A_137] : memref<10240x64xf32, #tpu.memory_space<vmem_shared>> -> memref<640x64xf32, #tpu.memory_space<vmem_shared>>
      tpu.enqueue_dma source(%dma_start3A_138 : memref<640x64xf32, #tpu.memory_space<vmem_shared>>) target(%dma_start3A_136 : memref<640x64xf32, #tpu.memory_space<hbm>>) target_semaphore(%run_scoped3A_133 : memref<!tpu.dma_semaphore, #tpu.memory_space<semaphore_mem>>)
      %dma_wait3A_139 = arith.constant 0 : i32
      %dma_wait3A_140 = tpu.memref_slice %arg5[%arg0, %mul3A_132, %dma_wait3A_139] : memref<2x10240x64xf32, #tpu.memory_space<hbm>> -> memref<1x640x64xf32, #tpu.memory_space<hbm>>
      %dma_wait3A_141 = tpu.memref_squeeze %dma_wait3A_140 : memref<1x640x64xf32, #tpu.memory_space<hbm>> -> memref<640x64xf32, #tpu.memory_space<hbm>>
      %dma_wait3A_142 = arith.constant 0 : i32
      %dma_wait3A_143 = tpu.memref_slice %arg8[%mul3A_132, %dma_wait3A_142] : memref<10240x64xf32, #tpu.memory_space<vmem_shared>> -> memref<640x64xf32, #tpu.memory_space<vmem_shared>>
      tpu.wait_dma2 semaphore(%run_scoped3A_133 : memref<!tpu.dma_semaphore, #tpu.memory_space<semaphore_mem>>) src(%dma_wait3A_143 : memref<640x64xf32, #tpu.memory_space<vmem_shared>>) dst(%dma_wait3A_141 : memref<640x64xf32, #tpu.memory_space<hbm>>)
      tpu.yield
    }) : () -> ()
    return
  }
}

module attributes {stable_mosaic.version = 14 : i64} {
  func.func @_tc_body(%arg0: i32, %arg1: memref<2x5000x64xf32, #tpu.memory_space<vmem>>, %arg2: memref<2x5000x16xf32, #tpu.memory_space<vmem>>, %arg3: memref<5000x128xf32, #tpu.memory_space<vmem>>, %arg4: memref<128x128xf32, #tpu.memory_space<vmem>>, %arg5: memref<1x128xf32, #tpu.memory_space<vmem>>, %arg6: memref<128x128xf32, #tpu.memory_space<vmem>>, %arg7: memref<5000x128xf32, #tpu.memory_space<vmem>>) attributes {dimension_semantics = [#tpu.dimension_semantics<arbitrary>], iteration_bounds = array<i64: 2>, scalar_prefetch = 0 : i64, scratch_operands = 0 : i64, tpu.core_type = #tpu.core_type<tc>, window_params = [{transform_indices = @transform_0, window_bounds = array<i64: 2, 5000, 64>}, {transform_indices = @transform_1, window_bounds = array<i64: 2, 5000, 16>}, {transform_indices = @transform_2, window_bounds = array<i64: 5000, 128>}, {pipeline_mode = #tpu.pipeline_mode<synchronous>, transform_indices = @transform_3, window_bounds = array<i64: 128, 128>}, {pipeline_mode = #tpu.pipeline_mode<synchronous>, transform_indices = @transform_4, window_bounds = array<i64: 1, 128>}, {pipeline_mode = #tpu.pipeline_mode<synchronous>, transform_indices = @transform_5, window_bounds = array<i64: 128, 128>}, {transform_indices = @transform_6, window_bounds = array<i64: 5000, 128>}]} {
    %get3A = arith.constant 0 : index
    %get3A_0 = arith.constant 0 : index
    %get3A_1 = arith.constant 0 : index
    %get3A_2 = vector.load %arg1[%get3A, %get3A_0, %get3A_1] : memref<2x5000x64xf32, #tpu.memory_space<vmem>>, vector<1x5000x64xf32>
    %get3A_3 = vector.shape_cast %get3A_2 : vector<1x5000x64xf32> to vector<5000x64xf32>
    %get3A_4 = arith.constant 1 : index
    %get3A_5 = arith.constant 0 : index
    %get3A_6 = arith.constant 0 : index
    %get3A_7 = vector.load %arg1[%get3A_4, %get3A_5, %get3A_6] : memref<2x5000x64xf32, #tpu.memory_space<vmem>>, vector<1x5000x64xf32>
    %get3A_8 = vector.shape_cast %get3A_7 : vector<1x5000x64xf32> to vector<5000x64xf32>
    %concatenate3A = tpu.concatenate %get3A_3, %get3A_8 in 1 : vector<5000x64xf32>, vector<5000x64xf32> -> vector<5000x128xf32>
    %get3A_9 = arith.constant 0 : index
    %get3A_10 = arith.constant 0 : index
    %get3A_11 = arith.constant 0 : index
    %get3A_12 = vector.load %arg2[%get3A_9, %get3A_10, %get3A_11] : memref<2x5000x16xf32, #tpu.memory_space<vmem>>, vector<1x5000x1xf32>
    %get3A_13 = vector.shape_cast %get3A_12 : vector<1x5000x1xf32> to vector<5000x1xf32>
    %get3A_14 = arith.constant 1 : index
    %get3A_15 = arith.constant 0 : index
    %get3A_16 = arith.constant 0 : index
    %get3A_17 = vector.load %arg2[%get3A_14, %get3A_15, %get3A_16] : memref<2x5000x16xf32, #tpu.memory_space<vmem>>, vector<1x5000x1xf32>
    %get3A_18 = vector.shape_cast %get3A_17 : vector<1x5000x1xf32> to vector<5000x1xf32>
    %add3A = arith.addf %get3A_13, %get3A_18 : vector<5000x1xf32>
    %max3A = arith.constant 1.000000e+00 : f32
    %max3A_19 = vector.broadcast %max3A : f32 to vector<5000x1xf32>
    %max3A_20 = arith.maximumf %add3A, %max3A_19 : vector<5000x1xf32>
    %div3A = vector.broadcast %max3A_20 : vector<5000x1xf32> to vector<5000x128xf32>
    %div3A_21 = arith.divf %concatenate3A, %div3A : vector<5000x128xf32>
    %get3A_22 = arith.constant 0 : index
    %get3A_23 = arith.constant 0 : index
    %get3A_24 = vector.load %arg4[%get3A_22, %get3A_23] : memref<128x128xf32, #tpu.memory_space<vmem>>, vector<128x128xf32>
    %dot_general3A = arith.constant dense<0.000000e+00> : vector<5000x128xf32>
    %dot_general3A_25 = tpu.matmul %div3A_21, %get3A_24, %dot_general3A {dimension_numbers = #tpu.dot_dimension_numbers<[1], [1], [0], [0], [0, 0, 1, 0], [], []>, transpose_lhs_hint = false} : vector<5000x128xf32>, vector<128x128xf32>, vector<5000x128xf32> -> vector<5000x128xf32>
    %get3A_26 = arith.constant 0 : index
    %get3A_27 = arith.constant 0 : index
    %get3A_28 = vector.load %arg5[%get3A_26, %get3A_27] : memref<1x128xf32, #tpu.memory_space<vmem>>, vector<1x128xf32>
    %add3A_29 = vector.broadcast %get3A_28 : vector<1x128xf32> to vector<5000x128xf32>
    %add3A_30 = arith.addf %dot_general3A_25, %add3A_29 : vector<5000x128xf32>
    %get3A_31 = arith.constant 0 : index
    %get3A_32 = arith.constant 0 : index
    %get3A_33 = vector.load %arg3[%get3A_31, %get3A_32] : memref<5000x128xf32, #tpu.memory_space<vmem>>, vector<5000x128xf32>
    %get3A_34 = arith.constant 0 : index
    %get3A_35 = arith.constant 0 : index
    %get3A_36 = vector.load %arg6[%get3A_34, %get3A_35] : memref<128x128xf32, #tpu.memory_space<vmem>>, vector<128x128xf32>
    %dot_general3A_37 = arith.constant dense<0.000000e+00> : vector<5000x128xf32>
    %dot_general3A_38 = tpu.matmul %get3A_33, %get3A_36, %dot_general3A_37 {dimension_numbers = #tpu.dot_dimension_numbers<[1], [1], [0], [0], [0, 0, 1, 0], [], []>, transpose_lhs_hint = false} : vector<5000x128xf32>, vector<128x128xf32>, vector<5000x128xf32> -> vector<5000x128xf32>
    %add3A_39 = arith.addf %add3A_30, %dot_general3A_38 : vector<5000x128xf32>
    %mul3A = arith.constant 0.00999999977 : f32
    %mul3A_40 = vector.broadcast %mul3A : f32 to vector<5000x128xf32>
    %mul3A_41 = arith.mulf %mul3A_40, %add3A_39 : vector<5000x128xf32>
    %max3A_42 = arith.maximumf %add3A_39, %mul3A_41 : vector<5000x128xf32>
    %swap3A = arith.constant 0 : index
    %swap3A_43 = arith.constant 0 : index
    %swap3A_44 = vector.load %arg7[%swap3A, %swap3A_43] : memref<5000x128xf32, #tpu.memory_space<vmem>>, vector<5000x128xf32>
    tpu.vector_store %arg7[%swap3A, %swap3A_43], %max3A_42 {strides = array<i32>} : memref<5000x128xf32, #tpu.memory_space<vmem>>, vector<5000x128xf32>,
    return
  }
  func.func @transform_0(%arg0: i32) -> (i32, i32, i32) {
    %c0_i32 = arith.constant 0 : i32
    %c0_i32_0 = arith.constant 0 : i32
    %c0_i32_1 = arith.constant 0 : i32
    return %c0_i32, %arg0, %c0_i32_0 : i32, i32, i32
  }
  func.func @transform_1(%arg0: i32) -> (i32, i32, i32) {
    %c0_i32 = arith.constant 0 : i32
    %c0_i32_0 = arith.constant 0 : i32
    %c0_i32_1 = arith.constant 0 : i32
    return %c0_i32, %arg0, %c0_i32_0 : i32, i32, i32
  }
  func.func @transform_2(%arg0: i32) -> (i32, i32) {
    %c0_i32 = arith.constant 0 : i32
    %c0_i32_0 = arith.constant 0 : i32
    return %arg0, %c0_i32 : i32, i32
  }
  func.func @transform_3(%arg0: i32) -> (i32, i32) {
    %c0_i32 = arith.constant 0 : i32
    %c0_i32_0 = arith.constant 0 : i32
    %c0_i32_1 = arith.constant 0 : i32
    return %c0_i32, %c0_i32_0 : i32, i32
  }
  func.func @transform_4(%arg0: i32) -> (i32, i32) {
    %c0_i32 = arith.constant 0 : i32
    %c0_i32_0 = arith.constant 0 : i32
    %c0_i32_1 = arith.constant 0 : i32
    return %c0_i32, %c0_i32_0 : i32, i32
  }
  func.func @transform_5(%arg0: i32) -> (i32, i32) {
    %c0_i32 = arith.constant 0 : i32
    %c0_i32_0 = arith.constant 0 : i32
    %c0_i32_1 = arith.constant 0 : i32
    return %c0_i32, %c0_i32_0 : i32, i32
  }
  func.func @transform_6(%arg0: i32) -> (i32, i32) {
    %c0_i32 = arith.constant 0 : i32
    %c0_i32_0 = arith.constant 0 : i32
    return %arg0, %c0_i32 : i32, i32
  }
}

module attributes {stable_mosaic.version = 14 : i64} {
  func.func @_tc_body(%arg0: i32, %arg1: memref<2x5000x64xf32, #tpu.memory_space<vmem>>, %arg2: memref<2x5000x16xf32, #tpu.memory_space<vmem>>, %arg3: memref<5000x128xf32, #tpu.memory_space<vmem>>, %arg4: memref<128x128xf32, #tpu.memory_space<vmem>>, %arg5: memref<1x128xf32, #tpu.memory_space<vmem>>, %arg6: memref<128x128xf32, #tpu.memory_space<vmem>>, %arg7: memref<5000x128xf32, #tpu.memory_space<vmem>>) attributes {dimension_semantics = [#tpu.dimension_semantics<arbitrary>], iteration_bounds = array<i64: 2>, scalar_prefetch = 0 : i64, scratch_operands = 0 : i64, tpu.core_type = #tpu.core_type<tc>, window_params = [{transform_indices = @transform_0, window_bounds = array<i64: 2, 5000, 64>}, {transform_indices = @transform_1, window_bounds = array<i64: 2, 5000, 16>}, {transform_indices = @transform_2, window_bounds = array<i64: 5000, 128>}, {pipeline_mode = #tpu.pipeline_mode<synchronous>, transform_indices = @transform_3, window_bounds = array<i64: 128, 128>}, {pipeline_mode = #tpu.pipeline_mode<synchronous>, transform_indices = @transform_4, window_bounds = array<i64: 1, 128>}, {pipeline_mode = #tpu.pipeline_mode<synchronous>, transform_indices = @transform_5, window_bounds = array<i64: 128, 128>}, {transform_indices = @transform_6, window_bounds = array<i64: 5000, 128>}]} {
    %get3A = arith.constant 0 : index
    %get3A_0 = arith.constant 0 : index
    %get3A_1 = arith.constant 0 : index
    %get3A_2 = vector.load %arg1[%get3A, %get3A_0, %get3A_1] : memref<2x5000x64xf32, #tpu.memory_space<vmem>>, vector<1x5000x64xf32>
    %get3A_3 = vector.shape_cast %get3A_2 : vector<1x5000x64xf32> to vector<5000x64xf32>
    %get3A_4 = arith.constant 1 : index
    %get3A_5 = arith.constant 0 : index
    %get3A_6 = arith.constant 0 : index
    %get3A_7 = vector.load %arg1[%get3A_4, %get3A_5, %get3A_6] : memref<2x5000x64xf32, #tpu.memory_space<vmem>>, vector<1x5000x64xf32>
    %get3A_8 = vector.shape_cast %get3A_7 : vector<1x5000x64xf32> to vector<5000x64xf32>
    %concatenate3A = tpu.concatenate %get3A_3, %get3A_8 in 1 : vector<5000x64xf32>, vector<5000x64xf32> -> vector<5000x128xf32>
    %get3A_9 = arith.constant 0 : index
    %get3A_10 = arith.constant 0 : index
    %get3A_11 = arith.constant 0 : index
    %get3A_12 = vector.load %arg2[%get3A_9, %get3A_10, %get3A_11] : memref<2x5000x16xf32, #tpu.memory_space<vmem>>, vector<1x5000x1xf32>
    %get3A_13 = vector.shape_cast %get3A_12 : vector<1x5000x1xf32> to vector<5000x1xf32>
    %get3A_14 = arith.constant 1 : index
    %get3A_15 = arith.constant 0 : index
    %get3A_16 = arith.constant 0 : index
    %get3A_17 = vector.load %arg2[%get3A_14, %get3A_15, %get3A_16] : memref<2x5000x16xf32, #tpu.memory_space<vmem>>, vector<1x5000x1xf32>
    %get3A_18 = vector.shape_cast %get3A_17 : vector<1x5000x1xf32> to vector<5000x1xf32>
    %add3A = arith.addf %get3A_13, %get3A_18 : vector<5000x1xf32>
    %max3A = arith.constant 1.000000e+00 : f32
    %max3A_19 = vector.broadcast %max3A : f32 to vector<5000x1xf32>
    %max3A_20 = arith.maximumf %add3A, %max3A_19 : vector<5000x1xf32>
    %div3A = vector.broadcast %max3A_20 : vector<5000x1xf32> to vector<5000x128xf32>
    %div3A_21 = arith.divf %concatenate3A, %div3A : vector<5000x128xf32>
    %get3A_22 = arith.constant 0 : index
    %get3A_23 = arith.constant 0 : index
    %get3A_24 = vector.load %arg4[%get3A_22, %get3A_23] : memref<128x128xf32, #tpu.memory_space<vmem>>, vector<128x128xf32>
    %dot_general3A = arith.constant dense<0.000000e+00> : vector<5000x128xf32>
    %dot_general3A_25 = tpu.matmul %div3A_21, %get3A_24, %dot_general3A {dimension_numbers = #tpu.dot_dimension_numbers<[1], [1], [0], [0], [0, 0, 1, 0], [], []>, transpose_lhs_hint = false} : vector<5000x128xf32>, vector<128x128xf32>, vector<5000x128xf32> -> vector<5000x128xf32>
    %get3A_26 = arith.constant 0 : index
    %get3A_27 = arith.constant 0 : index
    %get3A_28 = vector.load %arg5[%get3A_26, %get3A_27] : memref<1x128xf32, #tpu.memory_space<vmem>>, vector<1x128xf32>
    %add3A_29 = vector.broadcast %get3A_28 : vector<1x128xf32> to vector<5000x128xf32>
    %add3A_30 = arith.addf %dot_general3A_25, %add3A_29 : vector<5000x128xf32>
    %get3A_31 = arith.constant 0 : index
    %get3A_32 = arith.constant 0 : index
    %get3A_33 = vector.load %arg3[%get3A_31, %get3A_32] : memref<5000x128xf32, #tpu.memory_space<vmem>>, vector<5000x128xf32>
    %get3A_34 = arith.constant 0 : index
    %get3A_35 = arith.constant 0 : index
    %get3A_36 = vector.load %arg6[%get3A_34, %get3A_35] : memref<128x128xf32, #tpu.memory_space<vmem>>, vector<128x128xf32>
    %dot_general3A_37 = arith.constant dense<0.000000e+00> : vector<5000x128xf32>
    %dot_general3A_38 = tpu.matmul %get3A_33, %get3A_36, %dot_general3A_37 {dimension_numbers = #tpu.dot_dimension_numbers<[1], [1], [0], [0], [0, 0, 1, 0], [], []>, transpose_lhs_hint = false} : vector<5000x128xf32>, vector<128x128xf32>, vector<5000x128xf32> -> vector<5000x128xf32>
    %add3A_39 = arith.addf %add3A_30, %dot_general3A_38 : vector<5000x128xf32>
    %mul3A = arith.constant 0.00999999977 : f32
    %mul3A_40 = vector.broadcast %mul3A : f32 to vector<5000x128xf32>
    %mul3A_41 = arith.mulf %mul3A_40, %add3A_39 : vector<5000x128xf32>
    %max3A_42 = arith.maximumf %add3A_39, %mul3A_41 : vector<5000x128xf32>
    %swap3A = arith.constant 0 : index
    %swap3A_43 = arith.constant 0 : index
    %swap3A_44 = vector.load %arg7[%swap3A, %swap3A_43] : memref<5000x128xf32, #tpu.memory_space<vmem>>, vector<5000x128xf32>
    tpu.vector_store %arg7[%swap3A, %swap3A_43], %max3A_42 {strides = array<i32>} : memref<5000x128xf32, #tpu.memory_space<vmem>>, vector<5000x128xf32>,
    return
  }
  func.func @transform_0(%arg0: i32) -> (i32, i32, i32) {
    %c0_i32 = arith.constant 0 : i32
    %c0_i32_0 = arith.constant 0 : i32
    %c0_i32_1 = arith.constant 0 : i32
    return %c0_i32, %arg0, %c0_i32_0 : i32, i32, i32
  }
  func.func @transform_1(%arg0: i32) -> (i32, i32, i32) {
    %c0_i32 = arith.constant 0 : i32
    %c0_i32_0 = arith.constant 0 : i32
    %c0_i32_1 = arith.constant 0 : i32
    return %c0_i32, %arg0, %c0_i32_0 : i32, i32, i32
  }
  func.func @transform_2(%arg0: i32) -> (i32, i32) {
    %c0_i32 = arith.constant 0 : i32
    %c0_i32_0 = arith.constant 0 : i32
    return %arg0, %c0_i32 : i32, i32
  }
  func.func @transform_3(%arg0: i32) -> (i32, i32) {
    %c0_i32 = arith.constant 0 : i32
    %c0_i32_0 = arith.constant 0 : i32
    %c0_i32_1 = arith.constant 0 : i32
    return %c0_i32, %c0_i32_0 : i32, i32
  }
  func.func @transform_4(%arg0: i32) -> (i32, i32) {
    %c0_i32 = arith.constant 0 : i32
    %c0_i32_0 = arith.constant 0 : i32
    %c0_i32_1 = arith.constant 0 : i32
    return %c0_i32, %c0_i32_0 : i32, i32
  }
  func.func @transform_5(%arg0: i32) -> (i32, i32) {
    %c0_i32 = arith.constant 0 : i32
    %c0_i32_0 = arith.constant 0 : i32
    %c0_i32_1 = arith.constant 0 : i32
    return %c0_i32, %c0_i32_0 : i32, i32
  }
  func.func @transform_6(%arg0: i32) -> (i32, i32) {
    %c0_i32 = arith.constant 0 : i32
    %c0_i32_0 = arith.constant 0 : i32
    return %arg0, %c0_i32 : i32, i32
  }
}

</mosaic_0001>

<sc_bundles>
// kernel: kernel.6.cloned.1.call-start
scs
__scs_entry_jumppad:
0x0: {  	(pc) =	sbr.rel $0x88, $3  }
0x1: {  	(tag) =	ssettag $0x0;
	lr =	simm.s32 $0x1  }
0x2: {  	[smem:$0x3F99] =	sst lr;
	_ =	strace $0xD0000000  }
0x3: {  	_ = 	snop  }
0x4: {  	_ = 	snop  }
0x5: {  	_ = 	snop  }
0x6: {  	_ = 	snop  }
0x7: {  	_ = 	snop  }
__scs_overlays_trampoline_lowered:
0x8: {  	[smem:$0x3FA8] =	sst s0  }
0x9: {  	[smem:$0x3FA9] =	sst s1  }
0xa: {  	[smem:$0x3FAA] =	sst s2  }
0xb: {  	[smem:$0x3FAB] =	sst s3  }
0xc: {  	[smem:$0x3FAC] =	sst s4  }
0xd: {  	[smem:$0x3FAD] =	sst s5  }
0xe: {  	[smem:$0x3FAE] =	sst s6  }
0xf: {  	[smem:$0x3FAF] =	sst s7  }
0x10: {  	[smem:$0x3FB0] =	sst s8  }
0x11: {  	[smem:$0x3FB1] =	sst s9;
	s0 =	simm.s32 @!p0 $0x0  }
0x12: {  	s1 =	sld [smem:$0x3F97];
	s0 =	simm.s32 @p0 $0x1  }
0x13: {  	[smem:$0x3FB2] =	sst s0;
	s0 =	simm.s32 @!p1 $0x0  }
0x14: {  	s2 =	sld [smem:$0x3F96];
	s0 =	simm.s32 @p1 $0x1  }
0x15: {  	[smem:$0x3FB3] =	sst s0;
	s0 =	simm.s32 @!p2 $0x0  }
0x16: {  	s3 =	sld [smem:$0x3FDB];
	s0 =	simm.s32 @p2 $0x1  }
0x17: {  	s4 =	simm.s32 $0x1BF5;
	[smem:$0x3FB5] =	sst s0  }
0x18: {  	s0 =	sld [smem:$0x3F98];
	_ =	swait.ge [sflag:s4], $0x0  }
0x19: {  	s7 =	sld [smem:$0x3F99]  }
0x1a: {  	s8 =	sadd.s32 $0xFFFFE003, lr  }
0x1b: {  	s9 =	sadd.s32 $0xFFFFFEF7, lr;
	s5 =	simm.s32 $0xFFFFFFFF;
	p2 =	slt.u32 s8, $0xFFFFF086  }
0x1c: {  	p1 =	slt.u32 s9, $0xF7A;
	s5 =	simm.s32 @!p2 $0x0  }
0x1d: {  	s5 =	simm.s32 @p1 $0x1;
	p0 =	seq.s32 s7, s2  }
0x1e: {  	s7 =	smul.u32 @!p0 $0xF7A, s2;
	p2 =	seq.s32 @!p0 s5, $0x0  }
0x1f: {  	s9 =	smul.u32 $0xF7A, s1;
	s8 =	simm.s32 @!p0 $0x1BF5;
	p2 =	por !p2, p0  }
0x20: {  	[sflag:s8] =	ssyncset.s32 @!p0 $0xFFFFF086;
	s6 =	sadd.s32 @!p0 s3, s7;
	s7 =	simm.s32 @!p0 $0x108  }
0x21: {  	s3 =	sadd.s32 s3, s9;
	s6 =	sadd.s32 @!p0 $0x88, s6;
	s7 =	simm.s32 @p2 $0x1082  }
0x22: {  	[simem:s7], [sflag:s8] =	dma.local @!p0 [hbm:s6], $0xF7A  }
0x23: {  	s9 =	sor.u32 $0xD0000000, s2;
	s6 =	simm.s32 $0x108;
	_ =	swait.ge @!p0 [sflag:s8], $0x0  }
0x24: {  	s3 =	sadd.s32 $0x88, s3;
	s6 =	simm.s32 @!p1 $0x1082;
	[sflag:s4] =	ssyncset.s32 $0xFFFFF086  }
0x25: {  	[simem:s6], [sflag:s4] =	dma.local [hbm:s3], $0xF7A  }
0x26: {  	[smem:$0x3F99] =	sst s1;
	(tag) =	ssettag s2;
	_ =	strace s9  }
0x27: {  	s1 =	sld [smem:$0x3FA9]  }
0x28: {  	s2 =	sld [smem:$0x3FAA]  }
0x29: {  	s4 =	sld [smem:$0x3FAC]  }
0x2a: {  	p0 =	seq.s32 s5, $0x0;
	s5 =	sld [smem:$0x3FAD]  }
0x2b: {  	s6 =	sld [smem:$0x3FAE]  }
0x2c: {  	s7 =	sld [smem:$0x3FAF]  }
0x2d: {  	s3 =	simm.s32 $0x108;
	s8 =	sld [smem:$0x3FB0]  }
0x2e: {  	s3 =	simm.s32 @!p0 $0x1082;
	s9 =	sld [smem:$0x3FB1]  }
0x2f: {  	lr =	sadd.s32 s0, s3;
	s0 =	sld [smem:$0x3FA8]  }
0x30: {  	s3 =	sld [smem:$0x3FAB]  }
0x31: {  	[smem:$0x3FB4] =	sst s10  }
0x32: {  	s10 =	sld [smem:$0x3FB2];
	_ =	sdelay $0x3  }
0x33: {  	p0 =	seq.s32 s10, $0x1;
	s10 =	sld [smem:$0x3FB4];
	_ =	sdelay $0x3  }
0x34: {  	[smem:$0x3FB4] =	sst s10  }
0x35: {  	s10 =	sld [smem:$0x3FB3];
	_ =	sdelay $0x3  }
0x36: {  	p1 =	seq.s32 s10, $0x1;
	s10 =	sld [smem:$0x3FB4];
	_ =	sdelay $0x3  }
0x37: {  	[smem:$0x3FB4] =	sst s10  }
0x38: {  	s10 =	sld [smem:$0x3FB5]  }
0x39: {  	_ = 	snop;
	(pc) =	sbr.ind lr, $3  }
0x3a: {  	_ = 	snop  }
0x3b: {  	_ = 	snop  }
0x3c: {  	p2 =	seq.s32 s10, $0x1;
	s10 =	sld [smem:$0x3FB4]  }
0x3d: {  	_ =	shalt  }
0x3e: {  	_ =	shalt  }
0x3f: {  	_ =	shalt  }
0x40: {  	_ =	shalt  }
0x41: {  	_ =	shalt  }
0x42: {  	_ =	shalt  }
0x43: {  	_ =	shalt  }
0x44: {  	_ =	shalt  }
0x45: {  	_ =	shalt  }
0x46: {  	_ =	shalt  }
0x47: {  	_ =	shalt  }
0x48: {  	_ =	shalt  }
0x49: {  	_ =	shalt  }
0x4a: {  	_ =	shalt  }
0x4b: {  	_ =	shalt  }
0x4c: {  	_ =	shalt  }
0x4d: {  	_ =	shalt  }
0x4e: {  	_ =	shalt  }
0x4f: {  	_ =	shalt  }
0x50: {  	_ =	shalt  }
0x51: {  	_ =	shalt  }
0x52: {  	_ =	shalt  }
0x53: {  	_ =	shalt  }
0x54: {  	_ =	shalt  }
0x55: {  	_ =	shalt  }
0x56: {  	_ =	shalt  }
0x57: {  	_ =	shalt  }
0x58: {  	_ =	shalt  }
0x59: {  	_ =	shalt  }
0x5a: {  	_ =	shalt  }
0x5b: {  	_ =	shalt  }
0x5c: {  	_ =	shalt  }
0x5d: {  	_ =	shalt  }
0x5e: {  	_ =	shalt  }
0x5f: {  	_ =	shalt  }
0x60: {  	_ =	shalt  }
0x61: {  	_ =	shalt  }
0x62: {  	_ =	shalt  }
0x63: {  	_ =	shalt  }
0x64: {  	_ =	shalt  }
0x65: {  	_ =	shalt  }
0x66: {  	_ =	shalt  }
0x67: {  	_ =	shalt  }
0x68: {  	_ =	shalt  }
0x69: {  	_ =	shalt  }
0x6a: {  	_ =	shalt  }
0x6b: {  	_ =	shalt  }
0x6c: {  	_ =	shalt  }
0x6d: {  	_ =	shalt  }
0x6e: {  	_ =	shalt  }
0x6f: {  	_ =	shalt  }
0x70: {  	_ =	shalt  }
0x71: {  	_ =	shalt  }
0x72: {  	_ =	shalt  }
0x73: {  	_ =	shalt  }
0x74: {  	_ =	shalt  }
0x75: {  	_ =	shalt  }
0x76: {  	_ =	shalt  }
0x77: {  	_ =	shalt  }
0x78: {  	_ =	shalt  }
0x79: {  	_ =	shalt  }
0x7a: {  	_ =	shalt  }
0x7b: {  	_ =	shalt  }
0x7c: {  	_ =	shalt  }
0x7d: {  	_ =	shalt  }
0x7e: {  	_ =	shalt  }
0x7f: {  	_ =	shalt  }
0x80: {  	_ =	shalt  }
0x81: {  	_ =	shalt  }
0x82: {  	_ =	shalt  }
0x83: {  	_ =	shalt  }
0x84: {  	_ =	shalt  }
0x85: {  	_ =	shalt  }
0x86: {  	_ =	shalt  }
0x87: {  	_ =	shalt  }
.Lfunc_end0:
.L_simem_size_0:
called_computation_lowered:
.L_overlay_start_0:
0x88: {  	s2 =	sld [smem:$0x3FD9]  }
0x89: {  	s3 =	sld [smem:$0x3FFE];
	_ =	sdelay $0x1  }
0x8a: {  	s1 =	srdreg.scid  }
0x8b: {  	s0 =	sand.u32 $0x1, s1  }
0x8c: {  	s17 =	sshll.u32 s0, $0xA;
	s2 =	sadd.s32 s3, s2  }
0x8d: {  	s2 =	sadd.s32 s2, s17  }
0x8e: {  	[smem:$0x3FC0] =	sst s2  }
0x8f: {  	_ = 	snop  }
0x90: {  	s2 =	sld [smem:$0x3FD0];
	(tm) =	ssettm $0x1  }
0x91: {  	s18 =	sld [smem:$0x3FFB];
	_ =	sdelay $0x3  }
0x92: {  	_ =	strace s18  }
0x93: {  	s3 =	sld [smem:$0x3FFC];
	_ =	sdelay $0x3  }
0x94: {  	_ =	strace s3  }
0x95: {  	s3 =	sld [smem:$0x3FFD];
	_ =	sdelay $0x3  }
0x96: {  	_ =	strace s3  }
0x97: {  	_ =	strace $0x8FFFFFFF  }
0x98: {  	s19 =	sld [smem:$0x3FDB];
	_ =	sdelay $0x1  }
0x99: {  	s4 =	simm.s32 $_scs_section_size  }
0x9a: {  	s5 =	simm.s32 $_size__tile_overlayer_lowered;
	s6 =	simm.s32 $_tile_overlayer_lowered  }
0x9b: {  	s22 =	simm.s32 $0x1BFF;
	s21 =	sshll.u32 s6, $0x1;
	s3 =	sadd.s32 s4, s19  }
0x9c: {  	s7 =	simm.s32 $0x0;
	s20 =	sshll.u32 s5, $0x1;
	s5 =	sadd.s32 s21, s3  }
0x9d: {  	[timem:s7], [sflag:s22] =	dma.local [hbm:s5], s20  }
0x9e: {  	_ =	swait.ge [sflag:s22], s20  }
0x9f: {  	s4 =	ssub.s32 $0x0, s20;
	[sflag:s22] =	ssyncset.done $0x0  }
0xa0: {  	[sflag:s22] =	ssyncadd.s32 s4;
	_ =	sdelay $0x1  }
0xa1: {  	s23 =	simm.s32 $0x1B8B  }
0xa2: {  	_ =	swait.ge [sflag:s23], $0x1  }
0xa3: {  	[sflag:s23] =	ssyncset.done $0x0  }
0xa4: {  	s25 =	simm.s32 $0x1B8E;
	s24 =	sld [smem:$0x3FFE];
	[sflag:s23] =	ssyncadd.s32 $0xFFFFFFFF  }
0xa5: {  	s26 =	simm.s32 $execute0_lowered;
	[smem:$0x3FD2] =	sst s25  }
0xa6: {  	s5 =	sshll.u32 s26, $0x1;
	_ =	strace $0x80000046;
	[dreg:$0x1] =	wrdreg $0xFFFFFFFF  }
0xa7: {  	s28 =	simm.s32 $_size_execute0_lowered;
	s3 =	sadd.s32 s3, s5;
	[dreg:$0x0] =	wrdreg $0x0  }
0xa8: {  	s5 =	sshll.u32 s28, $0x1;
	[dreg:$0x2] =	wrdreg s3  }
0xa9: {  	[dreg:$0x3] =	wrdreg s5  }
0xaa: {  	[dreg:$0x4] =	wrdreg $0xC0  }
0xab: {  	_ =	task [dreg:s7], $0x5FFFF  }
0xac: {  	[dreg:$0x1] =	wrdreg $0xFFFFFFFF  }
0xad: {  	[dreg:$0x0] =	wrdreg $0x60  }
0xae: {  	[dreg:$0x2] =	wrdreg s2  }
0xaf: {  	[dreg:$0x3] =	wrdreg s24  }
0xb0: {  	[dreg:$0x4] =	wrdreg $0xB0000  }
0xb1: {  	[dreg:$0x5] =	wrdreg $0x150000  }
0xb2: {  	[dreg:$0x6] =	wrdreg $0x9  }
0xb3: {  	_ =	task.clear_ibuf [dreg:s7], $0x7FFFF;
	_ =	strace $0x90000046  }
0xb4: {  	s29 =	simm.s32 $0x9;
	_ =	strace $0x80000048  }
0xb5: {  	_ =	swait.ge [sflag:s29], $0x1  }
0xb6: {  	[sflag:s29] =	ssyncadd.s32 $0xFFFFFFFF  }
0xb7: {  	_ =	strace $0x90000048  }
0xb8: {  	_ =	sfence  }
0xb9: {  	s30 =	sld [smem:$0x0];
	_ =	sdelay $0x2  }
0xba: {  	s31 =	sshll.u32 s1, $0xD;
	s1 =	sshrl.u32 s1, $0x2  }
0xbb: {  	s3 =	sand.u32 $0x4000, s31;
	s1 =	sadd.s32 s1, s30  }
0xbc: {  	s0 =	sor.u32 s3, s0;
	s1 =	sshll.u32 s1, $0x11  }
0xbd: {  	s0 =	sor.u32 s1, s0  }
0xbe: {  	s0 =	sadd.s32 $0x8F2B, s0  }
0xbf: {  	[sflag:s0] =	ssyncadd.remote.s32 $0x1  }
0xc0: {  	_ =	sfence.sel $0xFFFF  }
0xc1: {  	[dreg:$0x0] =	wrdreg $0xFFFFFFFF;
	(pc) =	sbr.abs _section_cstart, $3  }
0xc2: {  	[dreg:$0x1] =	wrdreg $0xFFFFFFFF  }
0xc3: {  	_ =	task.clear_ibuf [dreg:s7], $0x2FFFF;
	_ =	strace $0x9FFFFFFF  }
0xc4: {  	(tm) =	ssettm $0x7FFFFFFF  }
0xc5: {  	_ =	shalt  }
tec
execute0_lowered:
.L_overlay_start_1:
0x0: {  	(tag) =	ssettag $0x1  }
0x1: {  	s0 =	rddreg [dreg:$0x0]  }
0x2: {  	s1 =	rddreg [dreg:$0x1];
	s14 =	stileid.u32  }
0x3: {  	s3 =	srdreg.scid;
	s6 =	smul.u32 $0xA000, s14  }
0x4: {  	s2 =	rddreg [dreg:$0x2];
	s4 =	simm.s32 $0x0;
	s8 =	smul.u32 $0xA00, s14  }
0x5: {  	s29 =	simm.s32 $0x1D800;
	s30 =	simm.s32 $0x17800;
	s9 =	smul.u32 $0x2800, s14  }
0x6: {  	s31 =	simm.s32 $0xA800;
	s5 =	sand.u32 $0x1, s3;
	s14 =	smul.u32 $0x280, s14  }
0x7: {  	s28 =	simm.s32 $0x8;
	[smem:$0x7FF] =	sst s4;
	s7 =	smul.u32 $0xA0000, s5  }
0x8: {  	s3 =	rddreg [dreg:$0x3];
	s10 =	smul.u32 $0x28000, s5;
	_ =	strace $0x80000047  }
0x9: {  	s21 =	ssub.s32 $0x2, s5;
	s12 =	smul.u32 $0x13880, s5;
	p0 =	sne.s32 s5, $0x0  }
0xa: {  	p1 =	seq.s32 s5, $0x0;
	s5 =	simm.s32 $0x5;
	s8 =	sadd.s32 s8, s1  }
0xb: {  	s13 =	sshrl.u32 s21, $0x1;
	s24 =	sadd.s32 $0x80, s14;
	s26 =	sadd.s32 $0x100, s14  }
0xc: {  	s15 =	sadd.s32 $0x180, s14;
	s14 =	sadd.s32 $0x200, s14;
	s7 =	sadd.s32 s6, s7  }
0xd: {  	s20 =	sadd.s32 s9, s10;
	s10 =	ssub.s32 s21, s13;
	s22 =	sadd.s32 $0xBE00, s8  }
0xe: {  	s23 =	sadd.s32 $0x1E00, s8;
	s8 =	sadd.s32 s6, s2;
	s25 =	sshll.u32 s24, $0x6  }
0xf: {  	s16 =	sshll.u32 s26, $0x6;
	s17 =	sshll.u32 s15, $0x6;
	s18 =	sshll.u32 s14, $0x6  }
0x10: {  	s13 =	sadd.s32 s9, s3;
	s19 =	sshll.u32 s26, $0x4;
	s21 =	sshll.u32 s14, $0x4  }
0x11: {  	s9 =	simm.s32 $0x6;
	s7 =	sshrl.u32 s7, $0x3;
	[dreg:$0x5] =	wrdreg s22  }
0x12: {  	[dreg:$0x6] =	wrdreg s23;
	s6 =	sadd.s32 s25, s2;
	s23 =	sadd.s32 s21, s3  }
0x13: {  	s26 =	smax.u32 s10, $0x1;
	s21 =	simm.s32 $0x9;
	s10 =	simm.s32 $0x4  }
0x14: {  	s11 =	sadd.s32 s7, s1;
	s7 =	sshrl.u32 s20, $0x3;
	[dreg:$0x7] =	wrdreg s6  }
0x15: {  	s6 =	sadd.s32 s16, s2;
	s20 =	sshll.u32 s15, $0x4;
	[dreg:$0xe] =	wrdreg s23  }
0x16: {  	[dreg:$0x11] =	wrdreg s26;
	s23 =	simm.s32 $0x80;
	s26 =	simm.s32 $0x1B800  }
0x17: {  	s1 =	sadd.s32 s7, s1;
	[dreg:$0x8] =	wrdreg s6;
	s6 =	sadd.s32 s17, s2  }
0x18: {  	s7 =	sadd.s32 s0, s12;
	s22 =	sadd.s32 s20, s3;
	[dreg:$0x9] =	wrdreg s6  }
0x19: {  	s0 =	sshll.u32 s24, $0x4;
	s24 =	sadd.s32 $0x15E00, s11;
	[dreg:$0xd] =	wrdreg s22  }
0x1a: {  	s11 =	simm.s32 $0x0;
	s6 =	sadd.s32 s18, s2;
	[dreg:$0xf] =	wrdreg s24  }
0x1b: {  	s0 =	sadd.s32 s0, s3;
	s25 =	sadd.s32 $0x3DE00, s1;
	[dreg:$0xa] =	wrdreg s6  }
0x1c: {  	s24 =	simm.s32 $0x19800;
	s1 =	simm.s32 $0x1;
	[dreg:$0xb] =	wrdreg s0  }
0x1d: {  	s0 =	sadd.s32 s19, s3;
	[dreg:$0x10] =	wrdreg s25;
	s25 =	simm.s32 $0x7  }
0x1e: {  	v0 =	vimm.f32 $0.0e+00;
	v1 =	vimm.f32 $1.000000000e+00;
	s6 =	simm.s32 $0x3;
	[dreg:$0xc] =	wrdreg s0;
	s0 =	simm.s32 $0x2  }
.LBB2_1:
0x1f: {  	s12 =	simm.s32 $0x17820;
	s14 =	simm.s32 $0x0  }
.LBB2_2:
0x20: {  	p2 =	sne.s32 s14, $0x1FC0  }
.Ltmp0:
0x21: {  	[tilespmem:s12+$0xFFFFFFE0] =	vst v0;
	(pc) =	sbr.rel @p2 .LBB2_2-.Ltmp0, $4  }
0x22: {  	[tilespmem:s12+$0xFFFFFFF0] =	vst v0  }
0x23: {  	[tilespmem:s12+$0x0] =	vst v0  }
0x24: {  	[tilespmem:s12+$0x10] =	vst v0;
	s15 =	sshra.s32 s14, $0x2  }
0x25: {  	s12 =	sadd.s32 $0x40, s12;
	s14 =	sadd.s32 $0x40, s14;
	[tilespmem:s15+$0xA000] =	vst v1  }
0x26: {  	s12 =	simm.s32 $0x40;
	s14 =	simm.s32 $0x0  }
.LBB2_4:
0x27: {  	p2 =	sne.s32 s12, $0x1FC0;
	[tilespmem:s14+$0xA800] =	vst v0;
	s14 =	smov.u32 s12;
	s12 =	sadd.s32 $0x40, s12  }
.Ltmp1:
0x28: {  	(pc) =	sbr.rel @p2 .LBB2_4-.Ltmp1, $2  }
0x29: {  	_ =	sdelay $0x2  }
0x2a: {  	s14 =	sshra.s32 s14, $0x2  }
0x2b: {  	[tilespmem:s14+$0xA800] =	vst v0;
	s12 =	rddreg [dreg:$0x5]  }
0x2c: {  	[tilespmem:s4], [sflag:$0x9] =	stream.linear.gather [hbm4b:s12+s4], $0x5000, $0x38;
	[tilespmem:$0x1F800] =	vst v63  }
0x2d: {  	_ =	swait.ge [sflag:s21], $0x5000  }
0x2e: {  	[sflag:s21] =	ssyncset.done $0x0  }
0x2f: {  	s14 =	simm.s32 $0x5000;
	s20 =	rddreg [dreg:$0x6];
	[sflag:s21] =	ssyncadd.s32 $0xFFFFB000  }
0x30: {  	[tilespmem:s14], [sflag:$0x9] =	stream.linear.gather [hbm4b:s20+s4], $0x5000, $0x38;
	[tilespmem:$0x1F800] =	vst v63  }
0x31: {  	_ =	swait.ge [sflag:s21], $0x5000  }
0x32: {  	[sflag:s21] =	ssyncset.done $0x0  }
0x33: {  	[sflag:s21] =	ssyncadd.s32 $0xFFFFB000  }
0x34: {  	[tilespmem:s24], [sflag:$0x2] =	stream.indirect.gather [hbm4b:s7+s23], $0x40, s23, s23, $0xb8;
	[tilespmem:$0x1F800] =	vst v63  }
0x35: {  	s22 =	simm.s32 $0x100  }
0x36: {  	[tilespmem:s26], [sflag:$0x3] =	stream.indirect.gather [hbm4b:s7+s23], $0x40, s22, s23, $0xb8;
	[tilespmem:$0x1F800] =	vst v63  }
0x37: {  	s15 =	simm.s32 $0x180  }
0x38: {  	[tilespmem:s29], [sflag:$0x4] =	stream.indirect.gather [hbm4b:s7+s23], $0x40, s15, s23, $0xb8;
	[tilespmem:$0x1F800] =	vst v63  }
0x39: {  	_ = 	snop  }
0x3a: {  	[spmem:s8] =	stream.linear.scatter [tilespmem:s30], [sflag:$0x9], $0x2000, $0x38;
	[tilespmem:$0x1F800] =	vst v63  }
0x3b: {  	_ =	swait.ge [sflag:s21], $0x2000  }
0x3c: {  	[sflag:s21] =	ssyncset.done $0x0  }
0x3d: {  	s16 =	rddreg [dreg:$0x7];
	[sflag:s21] =	ssyncadd.s32 $0xFFFFE000  }
0x3e: {  	[spmem:s16] =	stream.linear.scatter [tilespmem:s30], [sflag:$0x9], $0x2000, $0x38;
	[tilespmem:$0x1F800] =	vst v63  }
0x3f: {  	_ =	swait.ge [sflag:s21], $0x2000  }
0x40: {  	[sflag:s21] =	ssyncset.done $0x0  }
0x41: {  	s17 =	rddreg [dreg:$0x8];
	[sflag:s21] =	ssyncadd.s32 $0xFFFFE000  }
0x42: {  	[spmem:s17] =	stream.linear.scatter [tilespmem:s30], [sflag:$0x9], $0x2000, $0x38;
	[tilespmem:$0x1F800] =	vst v63  }
0x43: {  	_ =	swait.ge [sflag:s21], $0x2000  }
0x44: {  	[sflag:s21] =	ssyncset.done $0x0  }
0x45: {  	s18 =	rddreg [dreg:$0x9];
	[sflag:s21] =	ssyncadd.s32 $0xFFFFE000  }
0x46: {  	[spmem:s18] =	stream.linear.scatter [tilespmem:s30], [sflag:$0x9], $0x2000, $0x38;
	[tilespmem:$0x1F800] =	vst v63  }
0x47: {  	_ =	swait.ge [sflag:s21], $0x2000  }
0x48: {  	[sflag:s21] =	ssyncset.done $0x0  }
0x49: {  	s19 =	rddreg [dreg:$0xa];
	[sflag:s21] =	ssyncadd.s32 $0xFFFFE000  }
0x4a: {  	[spmem:s19] =	stream.linear.scatter [tilespmem:s30], [sflag:$0x9], $0x2000, $0x38;
	[tilespmem:$0x1F800] =	vst v63  }
0x4b: {  	_ =	swait.ge [sflag:s21], $0x2000  }
0x4c: {  	[sflag:s21] =	ssyncset.done $0x0  }
0x4d: {  	[sflag:s21] =	ssyncadd.s32 $0xFFFFE000  }
0x4e: {  	[spmem:s13] =	stream.linear.scatter [tilespmem:s31], [sflag:$0x9], $0x800, $0x38;
	[tilespmem:$0x1F800] =	vst v63  }
0x4f: {  	_ =	swait.ge [sflag:s21], $0x800  }
0x50: {  	[sflag:s21] =	ssyncset.done $0x0  }
0x51: {  	s20 =	rddreg [dreg:$0xb];
	[sflag:s21] =	ssyncadd.s32 $0xFFFFF800  }
0x52: {  	[spmem:s20] =	stream.linear.scatter [tilespmem:s31], [sflag:$0x9], $0x800, $0x38;
	[tilespmem:$0x1F800] =	vst v63  }
0x53: {  	_ =	swait.ge [sflag:s21], $0x800  }
0x54: {  	[sflag:s21] =	ssyncset.done $0x0  }
0x55: {  	s22 =	rddreg [dreg:$0xc];
	[sflag:s21] =	ssyncadd.s32 $0xFFFFF800  }
0x56: {  	[spmem:s22] =	stream.linear.scatter [tilespmem:s31], [sflag:$0x9], $0x800, $0x38;
	[tilespmem:$0x1F800] =	vst v63  }
0x57: {  	_ =	swait.ge [sflag:s21], $0x800  }
0x58: {  	[sflag:s21] =	ssyncset.done $0x0  }
0x59: {  	s15 =	rddreg [dreg:$0xd];
	[sflag:s21] =	ssyncadd.s32 $0xFFFFF800  }
0x5a: {  	[spmem:s15] =	stream.linear.scatter [tilespmem:s31], [sflag:$0x9], $0x800, $0x38;
	[tilespmem:$0x1F800] =	vst v63  }
0x5b: {  	_ =	swait.ge [sflag:s21], $0x800  }
0x5c: {  	[sflag:s21] =	ssyncset.done $0x0  }
0x5d: {  	s16 =	rddreg [dreg:$0xe];
	[sflag:s21] =	ssyncadd.s32 $0xFFFFF800  }
0x5e: {  	[spmem:s16] =	stream.linear.scatter [tilespmem:s31], [sflag:$0x9], $0x800, $0x38;
	[tilespmem:$0x1F800] =	vst v63  }
0x5f: {  	_ =	swait.ge [sflag:s21], $0x800  }
0x60: {  	[sflag:s21] =	ssyncset.done $0x0  }
0x61: {  	[sflag:s21] =	ssyncadd.s32 $0xFFFFF800  }
0x62: {  	[tilespmem:s30], [sflag:$0x1] =	stream.indirect.gather [hbm4b:s7+s23], $0x40, s4, s23, $0xb8;
	[tilespmem:$0x1F800] =	vst v63  }
0x63: {  	[bflag:$0x0] =	sbarrier.arrive $0xFFFF  }
0x64: {  	_ =	swait.ge [sflag:s1], $0x2000  }
0x65: {  	[sflag:s1] =	ssyncset.done $0x0  }
0x66: {  	s12 =	simm.s32 @p0 $0x2;
	[sflag:s1] =	ssyncadd.s32 $0xFFFFE000  }
0x67: {  	[spmem:s2] =	stream.indirect.scatter.add.f32 [tilespmem:s30], [sflag:$0x5], $0x40, s14, s23, $0xb8;
	[tilespmem:$0x1F800] =	vst v63  }
0x68: {  	_ =	swait.ge @p0 [sflag:s12], $0x2000  }
0x69: {  	s15 =	simm.s32 @p0 $0x19800;
	[sflag:s12] =	ssyncset.done @p0 $0x0  }
0x6a: {  	s14 =	simm.s32 @p0 $0x5080;
	[sflag:s12] =	ssyncadd.s32 @p0 $0xFFFFE000;
	s12 =	simm.s32 @p0 $0x80  }
0x6b: {  	[spmem:s2] =	stream.indirect.scatter.add.f32 @p0 [tilespmem:s15], [sflag:$0x6], $0x40, s14, s12, $0xb8;
	[tilespmem:$0x1F800] =	vst v63  }
0x6c: {  	s16 =	simm.s32 @p0 $0xA000  }
0x6d: {  	[spmem:s3] =	stream.indirect.scatter.add.f32 @p0 [tilespmem:s16], [sflag:$0x9], $0x10, s14, s12, $0xb8;
	[tilespmem:$0x1F800] =	vst v63  }
0x6e: {  	s14 =	simm.s32 @p0 $0x9  }
0x6f: {  	_ =	swait.ge @p0 [sflag:s14], $0x800  }
0x70: {  	[sflag:s14] =	ssyncset.done @p0 $0x0  }
0x71: {  	s17 =	simm.s32 @p0 $0x5;
	[sflag:s14] =	ssyncadd.s32 @p0 $0xFFFFF800  }
0x72: {  	_ =	swait.ge @p0 [sflag:s17], $0x2000  }
0x73: {  	[sflag:s17] =	ssyncset.done @p0 $0x0  }
0x74: {  	s18 =	simm.s32 @p0 $0x17800;
	[sflag:s17] =	ssyncadd.s32 @p0 $0xFFFFE000;
	s17 =	simm.s32 @p0 $0x200  }
0x75: {  	[tilespmem:s18], [sflag:$0x1] =	stream.indirect.gather @p0 [hbm4b:s7+s12], $0x40, s17, s12, $0xb8;
	[tilespmem:$0x1F800] =	vst v63  }
0x76: {  	s17 =	simm.s32 @p0 $0x3  }
0x77: {  	_ =	swait.ge @p0 [sflag:s17], $0x2000  }
0x78: {  	[sflag:s17] =	ssyncset.done @p0 $0x0  }
0x79: {  	s18 =	simm.s32 @p0 $0x1B800;
	[sflag:s17] =	ssyncadd.s32 @p0 $0xFFFFE000;
	s17 =	simm.s32 @p0 $0x5100  }
0x7a: {  	[spmem:s2] =	stream.indirect.scatter.add.f32 @p0 [tilespmem:s18], [sflag:$0x7], $0x40, s17, s12, $0xb8;
	[tilespmem:$0x1F800] =	vst v63  }
0x7b: {  	s17 =	simm.s32 @p0 $0x6  }
0x7c: {  	_ =	swait.ge @p0 [sflag:s17], $0x2000  }
0x7d: {  	[sflag:s17] =	ssyncset.done @p0 $0x0  }
0x7e: {  	[sflag:s17] =	ssyncadd.s32 @p0 $0xFFFFE000;
	s17 =	simm.s32 @p0 $0x280  }
0x7f: {  	[tilespmem:s15], [sflag:$0x2] =	stream.indirect.gather @p0 [hbm4b:s7+s12], $0x40, s17, s12, $0xb8;
	[tilespmem:$0x1F800] =	vst v63  }
0x80: {  	s15 =	simm.s32 @p0 $0x4  }
0x81: {  	_ =	swait.ge @p0 [sflag:s15], $0x2000  }
0x82: {  	[sflag:s15] =	ssyncset.done @p0 $0x0  }
0x83: {  	s17 =	simm.s32 @p0 $0x1D800;
	[sflag:s15] =	ssyncadd.s32 @p0 $0xFFFFE000;
	s15 =	simm.s32 @p0 $0x5180  }
0x84: {  	[spmem:s2] =	stream.indirect.scatter.add.f32 @p0 [tilespmem:s17], [sflag:$0x8], $0x40, s15, s12, $0xb8;
	[tilespmem:$0x1F800] =	vst v63  }
0x85: {  	_ = 	snop  }
0x86: {  	[spmem:s3] =	stream.indirect.scatter.add.f32 @p0 [tilespmem:s16], [sflag:$0x9], $0x10, s15, s12, $0xb8;
	[tilespmem:$0x1F800] =	vst v63  }
0x87: {  	_ =	swait.ge @p0 [sflag:s14], $0x800  }
0x88: {  	s22 =	simm.s32 @!p0 $0x9;
	s12 =	simm.s32 @!p0 $0x80;
	[sflag:s14] =	ssyncset.done @p0 $0x0  }
0x89: {  	s15 =	simm.s32 @!p0 $0x5000;
	[sflag:s14] =	ssyncadd.s32 @p0 $0xFFFFF800;
	s14 =	simm.s32 @!p0 $0xA000  }
0x8a: {  	[spmem:s3] =	stream.indirect.scatter.add.f32 @!p0 [tilespmem:s14], [sflag:$0x9], $0x10, s15, s12, $0xb8;
	[tilespmem:$0x1F800] =	vst v63  }
0x8b: {  	_ =	swait.ge @!p0 [sflag:s22], $0x800  }
0x8c: {  	[sflag:s22] =	ssyncset.done @!p0 $0x0  }
0x8d: {  	s15 =	simm.s32 @!p0 $0x2;
	[sflag:s22] =	ssyncadd.s32 @!p0 $0xFFFFF800  }
0x8e: {  	_ =	swait.ge @!p0 [sflag:s15], $0x2000  }
0x8f: {  	[sflag:s15] =	ssyncset.done @!p0 $0x0  }
0x90: {  	s16 =	simm.s32 @!p0 $0x19800;
	[sflag:s15] =	ssyncadd.s32 @!p0 $0xFFFFE000;
	s15 =	simm.s32 @!p0 $0x5080  }
0x91: {  	[spmem:s2] =	stream.indirect.scatter.add.f32 @!p0 [tilespmem:s16], [sflag:$0x6], $0x40, s15, s12, $0xb8;
	[tilespmem:$0x1F800] =	vst v63  }
0x92: {  	s15 =	simm.s32 @!p0 $0x5  }
0x93: {  	_ =	swait.ge @!p0 [sflag:s15], $0x2000  }
0x94: {  	[sflag:s15] =	ssyncset.done @!p0 $0x0  }
0x95: {  	s17 =	simm.s32 @!p0 $0x17800;
	[sflag:s15] =	ssyncadd.s32 @!p0 $0xFFFFE000;
	s15 =	simm.s32 @!p0 $0x200  }
0x96: {  	[tilespmem:s17], [sflag:$0x1] =	stream.indirect.gather @!p0 [hbm4b:s7+s12], $0x40, s15, s12, $0xb8;
	[tilespmem:$0x1F800] =	vst v63  }
0x97: {  	s15 =	simm.s32 @!p0 $0x3  }
0x98: {  	_ =	swait.ge @!p0 [sflag:s15], $0x2000  }
0x99: {  	[sflag:s15] =	ssyncset.done @!p0 $0x0  }
0x9a: {  	s17 =	simm.s32 @!p0 $0x1B800;
	[sflag:s15] =	ssyncadd.s32 @!p0 $0xFFFFE000;
	s15 =	simm.s32 @!p0 $0x5100  }
0x9b: {  	[spmem:s2] =	stream.indirect.scatter.add.f32 @!p0 [tilespmem:s17], [sflag:$0x7], $0x40, s15, s12, $0xb8;
	[tilespmem:$0x1F800] =	vst v63  }
0x9c: {  	_ = 	snop  }
0x9d: {  	[spmem:s3] =	stream.indirect.scatter.add.f32 @!p0 [tilespmem:s14], [sflag:$0x9], $0x10, s15, s12, $0xb8;
	[tilespmem:$0x1F800] =	vst v63  }
0x9e: {  	_ =	swait.ge @!p0 [sflag:s22], $0x800  }
0x9f: {  	[sflag:s22] =	ssyncset.done @!p0 $0x0  }
0xa0: {  	s15 =	simm.s32 @!p0 $0x6;
	[sflag:s22] =	ssyncadd.s32 @!p0 $0xFFFFF800  }
0xa1: {  	_ =	swait.ge @!p0 [sflag:s15], $0x2000  }
0xa2: {  	[sflag:s15] =	ssyncset.done @!p0 $0x0  }
0xa3: {  	[sflag:s15] =	ssyncadd.s32 @!p0 $0xFFFFE000;
	s15 =	simm.s32 @!p0 $0x280  }
0xa4: {  	[tilespmem:s16], [sflag:$0x2] =	stream.indirect.gather @!p0 [hbm4b:s7+s12], $0x40, s15, s12, $0xb8;
	[tilespmem:$0x1F800] =	vst v63  }
0xa5: {  	s15 =	simm.s32 @!p0 $0x4  }
0xa6: {  	_ =	swait.ge @!p0 [sflag:s15], $0x2000  }
0xa7: {  	[sflag:s15] =	ssyncset.done @!p0 $0x0  }
0xa8: {  	s16 =	simm.s32 @!p0 $0x1D800;
	[sflag:s15] =	ssyncadd.s32 @!p0 $0xFFFFE000;
	s15 =	simm.s32 @!p0 $0x5180  }
0xa9: {  	[spmem:s2] =	stream.indirect.scatter.add.f32 @!p0 [tilespmem:s16], [sflag:$0x8], $0x40, s15, s12, $0xb8;
	[tilespmem:$0x1F800] =	vst v63  }
0xaa: {  	_ =	swait.ge [sflag:s25], $0x2000  }
0xab: {  	[sflag:s25] =	ssyncset.done $0x0  }
0xac: {  	s17 =	simm.s32 $0x300;
	[sflag:s25] =	ssyncadd.s32 $0xFFFFE000  }
0xad: {  	[tilespmem:s26], [sflag:$0x3] =	stream.indirect.gather [hbm4b:s7+s23], $0x40, s17, s23, $0xb8;
	[tilespmem:$0x1F800] =	vst v63  }
0xae: {  	_ =	swait.ge [sflag:s1], $0x2000  }
0xaf: {  	[sflag:s1] =	ssyncset.done $0x0  }
0xb0: {  	s15 =	simm.s32 $0x5200;
	[sflag:s1] =	ssyncadd.s32 $0xFFFFE000  }
0xb1: {  	[spmem:s2] =	stream.indirect.scatter.add.f32 [tilespmem:s30], [sflag:$0x5], $0x40, s15, s23, $0xb8;
	[tilespmem:$0x1F800] =	vst v63  }
0xb2: {  	_ = 	snop  }
0xb3: {  	[spmem:s3] =	stream.indirect.scatter.add.f32 @!p0 [tilespmem:s14], [sflag:$0x9], $0x10, s15, s12, $0xb8;
	[tilespmem:$0x1F800] =	vst v63  }
0xb4: {  	_ =	swait.ge @!p0 [sflag:s22], $0x800  }
0xb5: {  	[sflag:s22] =	ssyncset.done @!p0 $0x0  }
0xb6: {  	[sflag:s22] =	ssyncadd.s32 @!p0 $0xFFFFF800  }
0xb7: {  	_ =	swait.ge [sflag:s28], $0x2000  }
0xb8: {  	[sflag:s28] =	ssyncset.done $0x0  }
0xb9: {  	s18 =	simm.s32 $0x380;
	[sflag:s28] =	ssyncadd.s32 $0xFFFFE000  }
0xba: {  	[tilespmem:s29], [sflag:$0x4] =	stream.indirect.gather [hbm4b:s7+s23], $0x40, s18, s23, $0xb8;
	[tilespmem:$0x1F800] =	vst v63  }
0xbb: {  	_ =	swait.ge [sflag:s0], $0x2000  }
0xbc: {  	[sflag:s0] =	ssyncset.done $0x0  }
0xbd: {  	s18 =	simm.s32 $0x5280;
	[sflag:s0] =	ssyncadd.s32 $0xFFFFE000  }
0xbe: {  	[spmem:s2] =	stream.indirect.scatter.add.f32 [tilespmem:s24], [sflag:$0x6], $0x40, s18, s23, $0xb8;
	[tilespmem:$0x1F800] =	vst v63  }
0xbf: {  	s16 =	simm.s32 @!p1 $0xA000;
	s17 =	simm.s32 @!p1 $0x9;
	s15 =	simm.s32 @!p1 $0x80  }
0xc0: {  	[spmem:s3] =	stream.indirect.scatter.add.f32 @!p1 [tilespmem:s16], [sflag:$0x9], $0x10, s18, s15, $0xb8;
	[tilespmem:$0x1F800] =	vst v63  }
0xc1: {  	_ =	swait.ge @!p1 [sflag:s17], $0x800  }
0xc2: {  	[sflag:s17] =	ssyncset.done @!p1 $0x0  }
0xc3: {  	[sflag:s17] =	ssyncadd.s32 @!p1 $0xFFFFF800  }
0xc4: {  	_ =	swait.ge [sflag:s5], $0x2000  }
0xc5: {  	[sflag:s5] =	ssyncset.done $0x0  }
0xc6: {  	s19 =	simm.s32 $0x400;
	[sflag:s5] =	ssyncadd.s32 $0xFFFFE000  }
0xc7: {  	[tilespmem:s30], [sflag:$0x1] =	stream.indirect.gather [hbm4b:s7+s23], $0x40, s19, s23, $0xb8;
	[tilespmem:$0x1F800] =	vst v63  }
0xc8: {  	_ =	swait.ge [sflag:s6], $0x2000  }
0xc9: {  	[sflag:s6] =	ssyncset.done $0x0  }
0xca: {  	s18 =	simm.s32 $0x5300;
	[sflag:s6] =	ssyncadd.s32 $0xFFFFE000  }
0xcb: {  	[spmem:s2] =	stream.indirect.scatter.add.f32 [tilespmem:s26], [sflag:$0x7], $0x40, s18, s23, $0xb8;
	[tilespmem:$0x1F800] =	vst v63  }
0xcc: {  	_ = 	snop  }
0xcd: {  	[spmem:s3] =	stream.indirect.scatter.add.f32 @!p0 [tilespmem:s14], [sflag:$0x9], $0x10, s18, s12, $0xb8;
	[tilespmem:$0x1F800] =	vst v63  }
0xce: {  	_ =	swait.ge @!p0 [sflag:s22], $0x800  }
0xcf: {  	[sflag:s22] =	ssyncset.done @!p0 $0x0  }
0xd0: {  	[sflag:s22] =	ssyncadd.s32 @!p0 $0xFFFFF800  }
0xd1: {  	_ =	swait.ge [sflag:s9], $0x2000  }
0xd2: {  	[sflag:s9] =	ssyncset.done $0x0  }
0xd3: {  	s20 =	simm.s32 $0x480;
	[sflag:s9] =	ssyncadd.s32 $0xFFFFE000  }
0xd4: {  	[tilespmem:s24], [sflag:$0x2] =	stream.indirect.gather [hbm4b:s7+s23], $0x40, s20, s23, $0xb8;
	[tilespmem:$0x1F800] =	vst v63  }
0xd5: {  	_ =	swait.ge [sflag:s10], $0x2000  }
0xd6: {  	[sflag:s10] =	ssyncset.done $0x0  }
0xd7: {  	s18 =	simm.s32 $0x5380;
	[sflag:s10] =	ssyncadd.s32 $0xFFFFE000  }
0xd8: {  	[spmem:s2] =	stream.indirect.scatter.add.f32 [tilespmem:s29], [sflag:$0x8], $0x40, s18, s23, $0xb8;
	[tilespmem:$0x1F800] =	vst v63  }
0xd9: {  	_ = 	snop  }
0xda: {  	[spmem:s3] =	stream.indirect.scatter.add.f32 @!p1 [tilespmem:s16], [sflag:$0x9], $0x10, s18, s15, $0xb8;
	[tilespmem:$0x1F800] =	vst v63  }
0xdb: {  	_ =	swait.ge @!p1 [sflag:s17], $0x800  }
0xdc: {  	[sflag:s17] =	ssyncset.done @!p1 $0x0  }
0xdd: {  	[sflag:s17] =	ssyncadd.s32 @!p1 $0xFFFFF800  }
0xde: {  	_ =	swait.ge [sflag:s25], $0x2000  }
0xdf: {  	[sflag:s25] =	ssyncset.done $0x0  }
0xe0: {  	s19 =	simm.s32 $0x500;
	s18 =	simm.s32 $0x800;
	[sflag:s25] =	ssyncadd.s32 $0xFFFFE000  }
.LBB2_6:
0xe1: {  	[tilespmem:s26], [sflag:$0x3] =	stream.indirect.gather [hbm4b:s7+s23], $0x40, s19, s23, $0xb8;
	[tilespmem:$0x1F800] =	vst v63  }
0xe2: {  	s19 =	smov.u32 s18;
	s18 =	sadd.s32 $0x800, s18;
	_ =	swait.ge [sflag:s1], $0x2000  }
0xe3: {  	s19 =	sshra.s32 s19, $0x2;
	p2 =	sne.s32 s18, $0x13000;
	[sflag:s1] =	ssyncset.done $0x0  }
0xe4: {  	s20 =	sadd.s32 $0x5200, s19;
	[sflag:s1] =	ssyncadd.s32 $0xFFFFE000  }
0xe5: {  	[spmem:s2] =	stream.indirect.scatter.add.f32 [tilespmem:s30], [sflag:$0x5], $0x40, s20, s23, $0xb8;
	[tilespmem:$0x1F800] =	vst v63  }
0xe6: {  	_ = 	snop  }
0xe7: {  	[spmem:s3] =	stream.indirect.scatter.add.f32 @!p0 [tilespmem:s14], [sflag:$0x9], $0x10, s20, s12, $0xb8;
	[tilespmem:$0x1F800] =	vst v63  }
0xe8: {  	_ =	swait.ge @!p0 [sflag:s22], $0x800  }
0xe9: {  	[sflag:s22] =	ssyncset.done @!p0 $0x0  }
0xea: {  	[sflag:s22] =	ssyncadd.s32 @!p0 $0xFFFFF800  }
0xeb: {  	_ =	swait.ge [sflag:s28], $0x2000  }
0xec: {  	[sflag:s28] =	ssyncset.done $0x0  }
0xed: {  	s20 =	sadd.s32 $0x380, s19;
	[sflag:s28] =	ssyncadd.s32 $0xFFFFE000  }
0xee: {  	[tilespmem:s29], [sflag:$0x4] =	stream.indirect.gather [hbm4b:s7+s23], $0x40, s20, s23, $0xb8;
	[tilespmem:$0x1F800] =	vst v63  }
0xef: {  	_ =	swait.ge [sflag:s0], $0x2000  }
0xf0: {  	[sflag:s0] =	ssyncset.done $0x0  }
0xf1: {  	s20 =	sadd.s32 $0x5280, s19;
	[sflag:s0] =	ssyncadd.s32 $0xFFFFE000  }
0xf2: {  	[spmem:s2] =	stream.indirect.scatter.add.f32 [tilespmem:s24], [sflag:$0x6], $0x40, s20, s23, $0xb8;
	[tilespmem:$0x1F800] =	vst v63  }
0xf3: {  	_ = 	snop  }
0xf4: {  	[spmem:s3] =	stream.indirect.scatter.add.f32 @!p1 [tilespmem:s16], [sflag:$0x9], $0x10, s20, s15, $0xb8;
	[tilespmem:$0x1F800] =	vst v63  }
0xf5: {  	_ =	swait.ge @!p1 [sflag:s17], $0x800  }
0xf6: {  	[sflag:s17] =	ssyncset.done @!p1 $0x0  }
0xf7: {  	[sflag:s17] =	ssyncadd.s32 @!p1 $0xFFFFF800  }
0xf8: {  	_ =	swait.ge [sflag:s5], $0x2000  }
0xf9: {  	[sflag:s5] =	ssyncset.done $0x0  }
0xfa: {  	s20 =	sadd.s32 $0x400, s19;
	[sflag:s5] =	ssyncadd.s32 $0xFFFFE000  }
0xfb: {  	[tilespmem:s30], [sflag:$0x1] =	stream.indirect.gather [hbm4b:s7+s23], $0x40, s20, s23, $0xb8;
	[tilespmem:$0x1F800] =	vst v63  }
0xfc: {  	_ =	swait.ge [sflag:s6], $0x2000  }
0xfd: {  	[sflag:s6] =	ssyncset.done $0x0  }
0xfe: {  	s20 =	sadd.s32 $0x5300, s19;
	[sflag:s6] =	ssyncadd.s32 $0xFFFFE000  }
0xff: {  	[spmem:s2] =	stream.indirect.scatter.add.f32 [tilespmem:s26], [sflag:$0x7], $0x40, s20, s23, $0xb8;
	[tilespmem:$0x1F800] =	vst v63  }
0x100: {  	_ = 	snop  }
0x101: {  	[spmem:s3] =	stream.indirect.scatter.add.f32 @!p0 [tilespmem:s14], [sflag:$0x9], $0x10, s20, s12, $0xb8;
	[tilespmem:$0x1F800] =	vst v63  }
0x102: {  	_ =	swait.ge @!p0 [sflag:s22], $0x800  }
0x103: {  	[sflag:s22] =	ssyncset.done @!p0 $0x0  }
0x104: {  	[sflag:s22] =	ssyncadd.s32 @!p0 $0xFFFFF800  }
0x105: {  	_ =	swait.ge [sflag:s9], $0x2000  }
0x106: {  	[sflag:s9] =	ssyncset.done $0x0  }
0x107: {  	s20 =	sadd.s32 $0x480, s19;
	[sflag:s9] =	ssyncadd.s32 $0xFFFFE000  }
0x108: {  	[tilespmem:s24], [sflag:$0x2] =	stream.indirect.gather [hbm4b:s7+s23], $0x40, s20, s23, $0xb8;
	[tilespmem:$0x1F800] =	vst v63  }
0x109: {  	_ =	swait.ge [sflag:s10], $0x2000  }
0x10a: {  	[sflag:s10] =	ssyncset.done $0x0  }
0x10b: {  	s20 =	sadd.s32 $0x5380, s19;
	[sflag:s10] =	ssyncadd.s32 $0xFFFFE000  }
0x10c: {  	[spmem:s2] =	stream.indirect.scatter.add.f32 [tilespmem:s29], [sflag:$0x8], $0x40, s20, s23, $0xb8;
	[tilespmem:$0x1F800] =	vst v63  }
0x10d: {  	_ = 	snop  }
0x10e: {  	[spmem:s3] =	stream.indirect.scatter.add.f32 @!p1 [tilespmem:s16], [sflag:$0x9], $0x10, s20, s15, $0xb8;
	[tilespmem:$0x1F800] =	vst v63  }
0x10f: {  	_ =	swait.ge @!p1 [sflag:s17], $0x800  }
.Ltmp2:
0x110: {  	[sflag:s17] =	ssyncset.done @!p1 $0x0;
	(pc) =	sbr.rel @p2 .LBB2_6-.Ltmp2, $4  }
0x111: {  	[sflag:s17] =	ssyncadd.s32 @!p1 $0xFFFFF800  }
0x112: {  	_ =	swait.ge [sflag:s25], $0x2000  }
0x113: {  	[sflag:s25] =	ssyncset.done $0x0  }
0x114: {  	s19 =	sadd.s32 $0x500, s19;
	[sflag:s25] =	ssyncadd.s32 $0xFFFFE000  }
0x115: {  	[tilespmem:s26], [sflag:$0x3] =	stream.indirect.gather [hbm4b:s7+s23], $0x40, s19, s23, $0xb8;
	[tilespmem:$0x1F800] =	vst v63  }
0x116: {  	_ =	swait.ge [sflag:s28], $0x2000  }
0x117: {  	[sflag:s28] =	ssyncset.done $0x0  }
0x118: {  	s12 =	simm.s32 $0x4F80;
	[sflag:s28] =	ssyncadd.s32 $0xFFFFE000  }
0x119: {  	[tilespmem:s29], [sflag:$0x4] =	stream.indirect.gather [hbm4b:s7+s23], $0x40, s12, s23, $0xb8;
	[tilespmem:$0x1F800] =	vst v63  }
0x11a: {  	_ =	swait.ge [sflag:s1], $0x2000  }
0x11b: {  	[sflag:s1] =	ssyncset.done $0x0  }
0x11c: {  	s15 =	simm.s32 $0x9E00;
	[sflag:s1] =	ssyncadd.s32 $0xFFFFE000  }
0x11d: {  	[spmem:s2] =	stream.indirect.scatter.add.f32 [tilespmem:s30], [sflag:$0x9], $0x40, s15, s23, $0xb8;
	[tilespmem:$0x1F800] =	vst v63  }
0x11e: {  	_ =	swait.ge [sflag:s21], $0x2000  }
0x11f: {  	[sflag:s21] =	ssyncset.done $0x0  }
0x120: {  	s12 =	simm.s32 @p0 $0x2;
	[sflag:s21] =	ssyncadd.s32 $0xFFFFE000  }
0x121: {  	_ =	swait.ge @p0 [sflag:s12], $0x2000  }
0x122: {  	s14 =	simm.s32 @p0 $0x9E80;
	[sflag:s12] =	ssyncset.done @p0 $0x0  }
0x123: {  	s15 =	simm.s32 @p0 $0x19800;
	[sflag:s12] =	ssyncadd.s32 @p0 $0xFFFFE000;
	s12 =	simm.s32 @p0 $0x80  }
0x124: {  	[spmem:s2] =	stream.indirect.scatter.add.f32 @p0 [tilespmem:s15], [sflag:$0x9], $0x40, s14, s12, $0xb8;
	[tilespmem:$0x1F800] =	vst v63  }
0x125: {  	s15 =	simm.s32 @p0 $0x9  }
0x126: {  	_ =	swait.ge @p0 [sflag:s15], $0x2000  }
0x127: {  	[sflag:s15] =	ssyncset.done @p0 $0x0  }
0x128: {  	s16 =	simm.s32 @p0 $0xA000;
	[sflag:s15] =	ssyncadd.s32 @p0 $0xFFFFE000  }
0x129: {  	[spmem:s3] =	stream.indirect.scatter.add.f32 @p0 [tilespmem:s16], [sflag:$0x9], $0x10, s14, s12, $0xb8;
	[tilespmem:$0x1F800] =	vst v63  }
0x12a: {  	_ =	swait.ge @p0 [sflag:s15], $0x800  }
0x12b: {  	[sflag:s15] =	ssyncset.done @p0 $0x0  }
0x12c: {  	s14 =	simm.s32 @p0 $0x3;
	[sflag:s15] =	ssyncadd.s32 @p0 $0xFFFFF800  }
0x12d: {  	_ =	swait.ge @p0 [sflag:s14], $0x2000  }
0x12e: {  	[sflag:s14] =	ssyncset.done @p0 $0x0  }
0x12f: {  	s17 =	simm.s32 @p0 $0x1B800;
	[sflag:s14] =	ssyncadd.s32 @p0 $0xFFFFE000;
	s14 =	simm.s32 @p0 $0x9F00  }
0x130: {  	[spmem:s2] =	stream.indirect.scatter.add.f32 @p0 [tilespmem:s17], [sflag:$0x9], $0x40, s14, s12, $0xb8;
	[tilespmem:$0x1F800] =	vst v63  }
0x131: {  	_ =	swait.ge @p0 [sflag:s15], $0x2000  }
0x132: {  	[sflag:s15] =	ssyncset.done @p0 $0x0  }
0x133: {  	s14 =	simm.s32 @p0 $0x4;
	[sflag:s15] =	ssyncadd.s32 @p0 $0xFFFFE000  }
0x134: {  	_ =	swait.ge @p0 [sflag:s14], $0x2000  }
0x135: {  	[sflag:s14] =	ssyncset.done @p0 $0x0  }
0x136: {  	s17 =	simm.s32 @p0 $0x1D800;
	[sflag:s14] =	ssyncadd.s32 @p0 $0xFFFFE000;
	s14 =	simm.s32 @p0 $0x9F80  }
0x137: {  	[spmem:s2] =	stream.indirect.scatter.add.f32 @p0 [tilespmem:s17], [sflag:$0x9], $0x40, s14, s12, $0xb8;
	[tilespmem:$0x1F800] =	vst v63  }
0x138: {  	_ =	swait.ge @p0 [sflag:s15], $0x2000  }
0x139: {  	[sflag:s15] =	ssyncset.done @p0 $0x0  }
0x13a: {  	[sflag:s15] =	ssyncadd.s32 @p0 $0xFFFFE000  }
0x13b: {  	[spmem:s3] =	stream.indirect.scatter.add.f32 @p0 [tilespmem:s16], [sflag:$0x9], $0x10, s14, s12, $0xb8;
	[tilespmem:$0x1F800] =	vst v63  }
0x13c: {  	_ =	swait.ge @p0 [sflag:s15], $0x800  }
0x13d: {  	s12 =	simm.s32 @!p0 $0x80;
	[sflag:s15] =	ssyncset.done @p0 $0x0  }
0x13e: {  	s14 =	simm.s32 @!p0 $0x9E00;
	[sflag:s15] =	ssyncadd.s32 @p0 $0xFFFFF800;
	s15 =	simm.s32 @!p0 $0xA000  }
0x13f: {  	[spmem:s3] =	stream.indirect.scatter.add.f32 @!p0 [tilespmem:s15], [sflag:$0x9], $0x10, s14, s12, $0xb8;
	[tilespmem:$0x1F800] =	vst v63  }
0x140: {  	s14 =	simm.s32 @!p0 $0x9  }
0x141: {  	_ =	swait.ge @!p0 [sflag:s14], $0x800  }
0x142: {  	[sflag:s14] =	ssyncset.done @!p0 $0x0  }
0x143: {  	s16 =	simm.s32 @!p0 $0x2;
	[sflag:s14] =	ssyncadd.s32 @!p0 $0xFFFFF800  }
0x144: {  	_ =	swait.ge @!p0 [sflag:s16], $0x2000  }
0x145: {  	[sflag:s16] =	ssyncset.done @!p0 $0x0  }
0x146: {  	s17 =	simm.s32 @!p0 $0x19800;
	[sflag:s16] =	ssyncadd.s32 @!p0 $0xFFFFE000;
	s16 =	simm.s32 @!p0 $0x9E80  }
0x147: {  	[spmem:s2] =	stream.indirect.scatter.add.f32 @!p0 [tilespmem:s17], [sflag:$0x9], $0x40, s16, s12, $0xb8;
	[tilespmem:$0x1F800] =	vst v63  }
0x148: {  	_ =	swait.ge @!p0 [sflag:s14], $0x2000  }
0x149: {  	[sflag:s14] =	ssyncset.done @!p0 $0x0  }
0x14a: {  	s16 =	simm.s32 @!p0 $0x3;
	[sflag:s14] =	ssyncadd.s32 @!p0 $0xFFFFE000  }
0x14b: {  	_ =	swait.ge @!p0 [sflag:s16], $0x2000  }
0x14c: {  	[sflag:s16] =	ssyncset.done @!p0 $0x0  }
0x14d: {  	s17 =	simm.s32 @!p0 $0x1B800;
	[sflag:s16] =	ssyncadd.s32 @!p0 $0xFFFFE000;
	s16 =	simm.s32 @!p0 $0x9F00  }
0x14e: {  	[spmem:s2] =	stream.indirect.scatter.add.f32 @!p0 [tilespmem:s17], [sflag:$0x9], $0x40, s16, s12, $0xb8;
	[tilespmem:$0x1F800] =	vst v63  }
0x14f: {  	_ =	swait.ge @!p0 [sflag:s14], $0x2000  }
0x150: {  	[sflag:s14] =	ssyncset.done @!p0 $0x0  }
0x151: {  	[sflag:s14] =	ssyncadd.s32 @!p0 $0xFFFFE000  }
0x152: {  	[spmem:s3] =	stream.indirect.scatter.add.f32 @!p0 [tilespmem:s15], [sflag:$0x9], $0x10, s16, s12, $0xb8;
	[tilespmem:$0x1F800] =	vst v63  }
0x153: {  	_ =	swait.ge @!p0 [sflag:s14], $0x800  }
0x154: {  	[sflag:s14] =	ssyncset.done @!p0 $0x0  }
0x155: {  	s15 =	simm.s32 @!p0 $0x4;
	[sflag:s14] =	ssyncadd.s32 @!p0 $0xFFFFF800  }
0x156: {  	_ =	swait.ge @!p0 [sflag:s15], $0x2000  }
0x157: {  	[sflag:s15] =	ssyncset.done @!p0 $0x0  }
0x158: {  	s16 =	simm.s32 @!p0 $0x1D800;
	[sflag:s15] =	ssyncadd.s32 @!p0 $0xFFFFE000;
	s15 =	simm.s32 @!p0 $0x9F80  }
0x159: {  	[spmem:s2] =	stream.indirect.scatter.add.f32 @!p0 [tilespmem:s16], [sflag:$0x9], $0x40, s15, s12, $0xb8;
	[tilespmem:$0x1F800] =	vst v63  }
0x15a: {  	_ =	swait.ge @!p0 [sflag:s14], $0x2000  }
0x15b: {  	[sflag:s14] =	ssyncset.done @!p0 $0x0  }
0x15c: {  	s16 =	stileid.u32;
	[sflag:s14] =	ssyncadd.s32 @!p0 $0xFFFFE000  }
0x15d: {  	s12 =	sshll.u32 s16, $0x6;
	[bflag:$0x0] =	sbarrier.arrive $0xFFFF  }
0x15e: {  	s17 =	sshrl.u32 s8, $0x3;
	s12 =	sor.u32 $0x1C09, s12;
	s18 =	rddreg [dreg:$0xf]  }
0x15f: {  	[hbm:s18], [sflag:s12] =	dma.local [spmem:s17], $0x1400  }
0x160: {  	_ =	swait.ge [sflag:s21], $0x1400  }
0x161: {  	[sflag:s21] =	ssyncset.done $0x0  }
0x162: {  	s19 =	sshrl.u32 s13, $0x3;
	s20 =	rddreg [dreg:$0x10];
	[sflag:s21] =	ssyncadd.s32 $0xFFFFEC00  }
0x163: {  	[hbm:s20], [sflag:s12] =	dma.local [spmem:s19], $0x500  }
0x164: {  	_ =	swait.ge [sflag:s21], $0x500  }
0x165: {  	s11 =	sadd.s32 $0x1, s11;
	s22 =	rddreg [dreg:$0x11]  }
0x166: {  	p2 =	sne.s32 s11, s22  }
.Ltmp3:
0x167: {  	_ = 	snop;
	(pc) =	sbr.rel @p2 .LBB2_1-.Ltmp3, $3  }
0x168: {  	_ =	sdelay $0x1  }
0x169: {  	[sflag:s21] =	ssyncset.done $0x0  }
0x16a: {  	[sflag:s21] =	ssyncadd.s32 $0xFFFFFB00  }
0x16b: {  	_ =	sfence.sel $0x180000  }
0x16c: {  	[bflag:$0x0] =	sbarrier.arrive $0xFFFF  }
0x16d: {  	_ =	strace $0x90000047  }
0x16e: {  	s0 =	stileid.u32;
	[bflag:$0x2] =	sbarrier.arrive $0xFFFF  }
0x16f: {  	p0 =	sne.s32 s0, $0x0;
	s0 =	rddreg [dreg:$0x4]  }
0x170: {  	s0 =	sadd.s32 @!p0 $0x100000, s0  }
0x171: {  	[sflag:s0] =	ssyncadd.tile.s32 @!p0 $0x1;
	_ =	shalt  }
.Lfunc_end2:
_tile_overlayer_lowered:
.L_overlay_start_2:
0x172: {  	(tag) =	ssettag $0x2  }
0x173: {  	s0 =	rddreg [dreg:$0x0];
	s2 =	stileid.u32  }
0x174: {  	s1 =	rddreg [dreg:$0x1];
	p0 =	sne.s32 s2, $0x0  }
0x175: {  	s3 =	rddreg [dreg:$0x2];
	[bflag:$0x3] =	sbarrier.arrive $0xFFFF;
	s2 =	simm.s32 @!p0 $0x1C09  }
0x176: {  	[timem:s3], [sflag:s2] =	dma.local @!p0 [hbm:s0], s1  }
0x177: {  	s0 =	simm.s32 @!p0 $0x9  }
0x178: {  	_ =	swait.ge @!p0 [sflag:s0], s1  }
0x179: {  	s1 =	ssub.s32 @!p0 $0x0, s1;
	[sflag:s0] =	ssyncset.done @!p0 $0x0  }
0x17a: {  	[sflag:s0] =	ssyncadd.s32 @!p0 s1  }
0x17b: {  	[bflag:$0x3] =	sbarrier.arrive $0xFFFF  }
0x17c: {  	_ =	shalt  }

// kernel: kernel.9.cloned.1.call-start
scs
__scs_entry_jumppad:
0x0: {  	(pc) =	sbr.rel $0x88, $3  }
0x1: {  	(tag) =	ssettag $0x0;
	lr =	simm.s32 $0x1  }
0x2: {  	[smem:$0x3F99] =	sst lr;
	_ =	strace $0xD0000000  }
0x3: {  	_ = 	snop  }
0x4: {  	_ = 	snop  }
0x5: {  	_ = 	snop  }
0x6: {  	_ = 	snop  }
0x7: {  	_ = 	snop  }
__scs_overlays_trampoline_lowered:
0x8: {  	[smem:$0x3FA8] =	sst s0  }
0x9: {  	[smem:$0x3FA9] =	sst s1  }
0xa: {  	[smem:$0x3FAA] =	sst s2  }
0xb: {  	[smem:$0x3FAB] =	sst s3  }
0xc: {  	[smem:$0x3FAC] =	sst s4  }
0xd: {  	[smem:$0x3FAD] =	sst s5  }
0xe: {  	[smem:$0x3FAE] =	sst s6  }
0xf: {  	[smem:$0x3FAF] =	sst s7  }
0x10: {  	[smem:$0x3FB0] =	sst s8  }
0x11: {  	[smem:$0x3FB1] =	sst s9;
	s0 =	simm.s32 @!p0 $0x0  }
0x12: {  	s1 =	sld [smem:$0x3F97];
	s0 =	simm.s32 @p0 $0x1  }
0x13: {  	[smem:$0x3FB2] =	sst s0;
	s0 =	simm.s32 @!p1 $0x0  }
0x14: {  	s2 =	sld [smem:$0x3F96];
	s0 =	simm.s32 @p1 $0x1  }
0x15: {  	[smem:$0x3FB3] =	sst s0;
	s0 =	simm.s32 @!p2 $0x0  }
0x16: {  	s3 =	sld [smem:$0x3FDB];
	s0 =	simm.s32 @p2 $0x1  }
0x17: {  	s4 =	simm.s32 $0x1BF5;
	[smem:$0x3FB5] =	sst s0  }
0x18: {  	s0 =	sld [smem:$0x3F98];
	_ =	swait.ge [sflag:s4], $0x0  }
0x19: {  	s7 =	sld [smem:$0x3F99]  }
0x1a: {  	s8 =	sadd.s32 $0xFFFFE003, lr  }
0x1b: {  	s9 =	sadd.s32 $0xFFFFFEF7, lr;
	s5 =	simm.s32 $0xFFFFFFFF;
	p2 =	slt.u32 s8, $0xFFFFF086  }
0x1c: {  	p1 =	slt.u32 s9, $0xF7A;
	s5 =	simm.s32 @!p2 $0x0  }
0x1d: {  	s5 =	simm.s32 @p1 $0x1;
	p0 =	seq.s32 s7, s2  }
0x1e: {  	s7 =	smul.u32 @!p0 $0xF7A, s2;
	p2 =	seq.s32 @!p0 s5, $0x0  }
0x1f: {  	s9 =	smul.u32 $0xF7A, s1;
	s8 =	simm.s32 @!p0 $0x1BF5;
	p2 =	por !p2, p0  }
0x20: {  	[sflag:s8] =	ssyncset.s32 @!p0 $0xFFFFF086;
	s6 =	sadd.s32 @!p0 s3, s7;
	s7 =	simm.s32 @!p0 $0x108  }
0x21: {  	s3 =	sadd.s32 s3, s9;
	s6 =	sadd.s32 @!p0 $0x88, s6;
	s7 =	simm.s32 @p2 $0x1082  }
0x22: {  	[simem:s7], [sflag:s8] =	dma.local @!p0 [hbm:s6], $0xF7A  }
0x23: {  	s9 =	sor.u32 $0xD0000000, s2;
	s6 =	simm.s32 $0x108;
	_ =	swait.ge @!p0 [sflag:s8], $0x0  }
0x24: {  	s3 =	sadd.s32 $0x88, s3;
	s6 =	simm.s32 @!p1 $0x1082;
	[sflag:s4] =	ssyncset.s32 $0xFFFFF086  }
0x25: {  	[simem:s6], [sflag:s4] =	dma.local [hbm:s3], $0xF7A  }
0x26: {  	[smem:$0x3F99] =	sst s1;
	(tag) =	ssettag s2;
	_ =	strace s9  }
0x27: {  	s1 =	sld [smem:$0x3FA9]  }
0x28: {  	s2 =	sld [smem:$0x3FAA]  }
0x29: {  	s4 =	sld [smem:$0x3FAC]  }
0x2a: {  	p0 =	seq.s32 s5, $0x0;
	s5 =	sld [smem:$0x3FAD]  }
0x2b: {  	s6 =	sld [smem:$0x3FAE]  }
0x2c: {  	s7 =	sld [smem:$0x3FAF]  }
0x2d: {  	s3 =	simm.s32 $0x108;
	s8 =	sld [smem:$0x3FB0]  }
0x2e: {  	s3 =	simm.s32 @!p0 $0x1082;
	s9 =	sld [smem:$0x3FB1]  }
0x2f: {  	lr =	sadd.s32 s0, s3;
	s0 =	sld [smem:$0x3FA8]  }
0x30: {  	s3 =	sld [smem:$0x3FAB]  }
0x31: {  	[smem:$0x3FB4] =	sst s10  }
0x32: {  	s10 =	sld [smem:$0x3FB2];
	_ =	sdelay $0x3  }
0x33: {  	p0 =	seq.s32 s10, $0x1;
	s10 =	sld [smem:$0x3FB4];
	_ =	sdelay $0x3  }
0x34: {  	[smem:$0x3FB4] =	sst s10  }
0x35: {  	s10 =	sld [smem:$0x3FB3];
	_ =	sdelay $0x3  }
0x36: {  	p1 =	seq.s32 s10, $0x1;
	s10 =	sld [smem:$0x3FB4];
	_ =	sdelay $0x3  }
0x37: {  	[smem:$0x3FB4] =	sst s10  }
0x38: {  	s10 =	sld [smem:$0x3FB5]  }
0x39: {  	_ = 	snop;
	(pc) =	sbr.ind lr, $3  }
0x3a: {  	_ = 	snop  }
0x3b: {  	_ = 	snop  }
0x3c: {  	p2 =	seq.s32 s10, $0x1;
	s10 =	sld [smem:$0x3FB4]  }
0x3d: {  	_ =	shalt  }
0x3e: {  	_ =	shalt  }
0x3f: {  	_ =	shalt  }
0x40: {  	_ =	shalt  }
0x41: {  	_ =	shalt  }
0x42: {  	_ =	shalt  }
0x43: {  	_ =	shalt  }
0x44: {  	_ =	shalt  }
0x45: {  	_ =	shalt  }
0x46: {  	_ =	shalt  }
0x47: {  	_ =	shalt  }
0x48: {  	_ =	shalt  }
0x49: {  	_ =	shalt  }
0x4a: {  	_ =	shalt  }
0x4b: {  	_ =	shalt  }
0x4c: {  	_ =	shalt  }
0x4d: {  	_ =	shalt  }
0x4e: {  	_ =	shalt  }
0x4f: {  	_ =	shalt  }
0x50: {  	_ =	shalt  }
0x51: {  	_ =	shalt  }
0x52: {  	_ =	shalt  }
0x53: {  	_ =	shalt  }
0x54: {  	_ =	shalt  }
0x55: {  	_ =	shalt  }
0x56: {  	_ =	shalt  }
0x57: {  	_ =	shalt  }
0x58: {  	_ =	shalt  }
0x59: {  	_ =	shalt  }
0x5a: {  	_ =	shalt  }
0x5b: {  	_ =	shalt  }
0x5c: {  	_ =	shalt  }
0x5d: {  	_ =	shalt  }
0x5e: {  	_ =	shalt  }
0x5f: {  	_ =	shalt  }
0x60: {  	_ =	shalt  }
0x61: {  	_ =	shalt  }
0x62: {  	_ =	shalt  }
0x63: {  	_ =	shalt  }
0x64: {  	_ =	shalt  }
0x65: {  	_ =	shalt  }
0x66: {  	_ =	shalt  }
0x67: {  	_ =	shalt  }
0x68: {  	_ =	shalt  }
0x69: {  	_ =	shalt  }
0x6a: {  	_ =	shalt  }
0x6b: {  	_ =	shalt  }
0x6c: {  	_ =	shalt  }
0x6d: {  	_ =	shalt  }
0x6e: {  	_ =	shalt  }
0x6f: {  	_ =	shalt  }
0x70: {  	_ =	shalt  }
0x71: {  	_ =	shalt  }
0x72: {  	_ =	shalt  }
0x73: {  	_ =	shalt  }
0x74: {  	_ =	shalt  }
0x75: {  	_ =	shalt  }
0x76: {  	_ =	shalt  }
0x77: {  	_ =	shalt  }
0x78: {  	_ =	shalt  }
0x79: {  	_ =	shalt  }
0x7a: {  	_ =	shalt  }
0x7b: {  	_ =	shalt  }
0x7c: {  	_ =	shalt  }
0x7d: {  	_ =	shalt  }
0x7e: {  	_ =	shalt  }
0x7f: {  	_ =	shalt  }
0x80: {  	_ =	shalt  }
0x81: {  	_ =	shalt  }
0x82: {  	_ =	shalt  }
0x83: {  	_ =	shalt  }
0x84: {  	_ =	shalt  }
0x85: {  	_ =	shalt  }
0x86: {  	_ =	shalt  }
0x87: {  	_ =	shalt  }
.Lfunc_end0:
.L_simem_size_0:
called_computation.1_lowered:
.L_overlay_start_0:
0x88: {  	s2 =	sld [smem:$0x3FD9]  }
0x89: {  	s3 =	sld [smem:$0x3FFE];
	_ =	sdelay $0x1  }
0x8a: {  	s1 =	srdreg.scid  }
0x8b: {  	s0 =	sand.u32 $0x1, s1  }
0x8c: {  	s17 =	sshll.u32 s0, $0xA;
	s2 =	sadd.s32 s3, s2  }
0x8d: {  	s2 =	sadd.s32 s2, s17  }
0x8e: {  	[smem:$0x3FC0] =	sst s2  }
0x8f: {  	_ = 	snop  }
0x90: {  	s2 =	sld [smem:$0x3FD0];
	(tm) =	ssettm $0x1  }
0x91: {  	s18 =	sld [smem:$0x3FFB];
	_ =	sdelay $0x3  }
0x92: {  	_ =	strace s18  }
0x93: {  	s3 =	sld [smem:$0x3FFC];
	_ =	sdelay $0x3  }
0x94: {  	_ =	strace s3  }
0x95: {  	s3 =	sld [smem:$0x3FFD];
	_ =	sdelay $0x3  }
0x96: {  	_ =	strace s3  }
0x97: {  	_ =	strace $0x8FFFFFFF  }
0x98: {  	s19 =	sld [smem:$0x3FDB];
	_ =	sdelay $0x1  }
0x99: {  	s4 =	simm.s32 $_scs_section_size  }
0x9a: {  	s5 =	simm.s32 $_size__tile_overlayer_lowered;
	s6 =	simm.s32 $_tile_overlayer_lowered  }
0x9b: {  	s22 =	simm.s32 $0x1BFF;
	s21 =	sshll.u32 s6, $0x1;
	s3 =	sadd.s32 s4, s19  }
0x9c: {  	s7 =	simm.s32 $0x0;
	s20 =	sshll.u32 s5, $0x1;
	s5 =	sadd.s32 s21, s3  }
0x9d: {  	[timem:s7], [sflag:s22] =	dma.local [hbm:s5], s20  }
0x9e: {  	_ =	swait.ge [sflag:s22], s20  }
0x9f: {  	s4 =	ssub.s32 $0x0, s20;
	[sflag:s22] =	ssyncset.done $0x0  }
0xa0: {  	[sflag:s22] =	ssyncadd.s32 s4;
	_ =	sdelay $0x1  }
0xa1: {  	s23 =	simm.s32 $0x1B8B  }
0xa2: {  	_ =	swait.ge [sflag:s23], $0x1  }
0xa3: {  	[sflag:s23] =	ssyncset.done $0x0  }
0xa4: {  	s25 =	simm.s32 $0x1B8E;
	s24 =	sld [smem:$0x3FFE];
	[sflag:s23] =	ssyncadd.s32 $0xFFFFFFFF  }
0xa5: {  	s26 =	simm.s32 $execute0_lowered;
	[smem:$0x3FD2] =	sst s25  }
0xa6: {  	s5 =	sshll.u32 s26, $0x1;
	_ =	strace $0x80000049;
	[dreg:$0x1] =	wrdreg $0xFFFFFFFF  }
0xa7: {  	s28 =	simm.s32 $_size_execute0_lowered;
	s3 =	sadd.s32 s3, s5;
	[dreg:$0x0] =	wrdreg $0x0  }
0xa8: {  	s5 =	sshll.u32 s28, $0x1;
	[dreg:$0x2] =	wrdreg s3  }
0xa9: {  	[dreg:$0x3] =	wrdreg s5  }
0xaa: {  	[dreg:$0x4] =	wrdreg $0xC0  }
0xab: {  	_ =	task [dreg:s7], $0x5FFFF  }
0xac: {  	[dreg:$0x1] =	wrdreg $0xFFFFFFFF  }
0xad: {  	[dreg:$0x0] =	wrdreg $0x60  }
0xae: {  	[dreg:$0x2] =	wrdreg s2  }
0xaf: {  	[dreg:$0x3] =	wrdreg s24  }
0xb0: {  	[dreg:$0x4] =	wrdreg $0xA0000  }
0xb1: {  	[dreg:$0x5] =	wrdreg $0x9  }
0xb2: {  	_ =	task.clear_ibuf [dreg:s7], $0x6FFFF;
	_ =	strace $0x90000049  }
0xb3: {  	s29 =	simm.s32 $0x9;
	_ =	strace $0x8000004B  }
0xb4: {  	_ =	swait.ge [sflag:s29], $0x1  }
0xb5: {  	[sflag:s29] =	ssyncadd.s32 $0xFFFFFFFF  }
0xb6: {  	_ =	strace $0x9000004B  }
0xb7: {  	_ =	sfence  }
0xb8: {  	s30 =	sld [smem:$0x0];
	_ =	sdelay $0x2  }
0xb9: {  	s31 =	sshll.u32 s1, $0xD;
	s1 =	sshrl.u32 s1, $0x2  }
0xba: {  	s3 =	sand.u32 $0x4000, s31;
	s1 =	sadd.s32 s1, s30  }
0xbb: {  	s0 =	sor.u32 s3, s0;
	s1 =	sshll.u32 s1, $0x11  }
0xbc: {  	s0 =	sor.u32 s1, s0  }
0xbd: {  	s0 =	sadd.s32 $0x8F2B, s0  }
0xbe: {  	[sflag:s0] =	ssyncadd.remote.s32 $0x1  }
0xbf: {  	_ =	sfence.sel $0xFFFF  }
0xc0: {  	[dreg:$0x0] =	wrdreg $0xFFFFFFFF;
	(pc) =	sbr.abs _section_cstart, $3  }
0xc1: {  	[dreg:$0x1] =	wrdreg $0xFFFFFFFF  }
0xc2: {  	_ =	task.clear_ibuf [dreg:s7], $0x2FFFF;
	_ =	strace $0x9FFFFFFF  }
0xc3: {  	(tm) =	ssettm $0x7FFFFFFF  }
tec
execute0_lowered:
.L_overlay_start_1:
0x0: {  	(tag) =	ssettag $0x1  }
0x1: {  	s0 =	rddreg [dreg:$0x0]  }
0x2: {  	s1 =	rddreg [dreg:$0x1]  }
0x3: {  	s9 =	stileid.u32;
	s3 =	srdreg.scid  }
0x4: {  	s2 =	rddreg [dreg:$0x2];
	s14 =	simm.s32 $0x9;
	s15 =	simm.s32 $0x5000  }
0x5: {  	s16 =	simm.s32 $0x80;
	s17 =	simm.s32 $0x16000;
	s19 =	simm.s32 $0x18000  }
0x6: {  	s21 =	simm.s32 $0x1A000;
	s22 =	simm.s32 $0x14000;
	s23 =	simm.s32 $0x1  }
0x7: {  	s24 =	simm.s32 $0x2;
	s29 =	simm.s32 $0x3;
	s7 =	smul.u32 $0xA000, s9  }
0x8: {  	s31 =	simm.s32 $0x6;
	s20 =	simm.s32 $0x7;
	s6 =	smul.u32 $0xA00, s9  }
0x9: {  	s28 =	simm.s32 $0x8;
	s4 =	sand.u32 $0x1, s3;
	s9 =	smul.u32 $0x28000, s9  }
0xa: {  	s30 =	simm.s32 $0x9F80;
	s3 =	simm.s32 $0x0;
	s5 =	smul.u32 $0xA0000, s4  }
0xb: {  	[smem:$0x7FF] =	sst s3;
	s8 =	ssub.s32 $0x2, s4;
	s26 =	smul.u32 $0x13880, s4  }
0xc: {  	_ =	strace $0x8000004A;
	s6 =	sadd.s32 s6, s1;
	s25 =	sshrl.u32 s8, $0x1  }
0xd: {  	s9 =	sshrl.u32 s9, $0x2;
	s5 =	sadd.s32 s7, s5;
	s13 =	ssub.s32 s8, s25  }
0xe: {  	s4 =	sadd.s32 $0xBE00, s6;
	s11 =	sadd.s32 s9, s2;
	s7 =	sadd.s32 s7, s2  }
0xf: {  	s5 =	sshrl.u32 s5, $0x3;
	s8 =	sadd.s32 $0x2000, s11;
	s9 =	sadd.s32 $0x4000, s11  }
0x10: {  	s10 =	sadd.s32 $0x6000, s11;
	s11 =	sadd.s32 $0x8000, s11;
	s13 =	smax.u32 s13, $0x1  }
0x11: {  	s1 =	sadd.s32 s5, s1;
	s5 =	sadd.s32 $0x1E00, s6;
	s6 =	sadd.s32 s0, s26  }
0x12: {  	v0 =	vimm.f32 $0.0e+00;
	s26 =	simm.s32 $0x5;
	s0 =	simm.s32 $0x4;
	s12 =	sadd.s32 $0x65E00, s1  }
.LBB2_1:
0x13: {  	s18 =	simm.s32 $0x100;
	s1 =	simm.s32 $0x0  }
.LBB2_2:
0x14: {  	p0 =	sne.s32 s18, $0x7F00;
	[tilespmem:s1+$0x14030] =	vst v0;
	s25 =	smov.u32 s18;
	s18 =	sadd.s32 $0x100, s18  }
.Ltmp0:
0x15: {  	[tilespmem:s1+$0x14020] =	vst v0;
	(pc) =	sbr.rel @p0 .LBB2_2-.Ltmp0, $3  }
0x16: {  	[tilespmem:s1+$0x14000] =	vst v0  }
0x17: {  	[tilespmem:s1+$0x14010] =	vst v0;
	_ =	sdelay $0x1  }
0x18: {  	s1 =	sshra.s32 s25, $0x2  }
0x19: {  	[tilespmem:s1+$0x14030] =	vst v0  }
0x1a: {  	[tilespmem:s1+$0x14020] =	vst v0  }
0x1b: {  	[tilespmem:s1+$0x14000] =	vst v0  }
0x1c: {  	[tilespmem:s1+$0x14010] =	vst v0;
	s1 =	simm.s32 $0x0  }
0x1d: {  	[tilespmem:s1], [sflag:$0x9] =	stream.linear.gather [hbm4b:s4+s1], $0x5000, $0x38;
	[tilespmem:$0x1C000] =	vst v63  }
0x1e: {  	_ =	swait.ge [sflag:s14], $0x5000  }
0x1f: {  	[sflag:s14] =	ssyncset.done $0x0  }
0x20: {  	[sflag:s14] =	ssyncadd.s32 $0xFFFFB000  }
0x21: {  	[tilespmem:s15], [sflag:$0x9] =	stream.linear.gather [hbm4b:s5+s1], $0x5000, $0x38;
	[tilespmem:$0x1C000] =	vst v63  }
0x22: {  	_ =	swait.ge [sflag:s14], $0x5000  }
0x23: {  	[sflag:s14] =	ssyncset.done $0x0  }
0x24: {  	[sflag:s14] =	ssyncadd.s32 $0xFFFFB000  }
0x25: {  	[tilespmem:s17], [sflag:$0x2] =	stream.indirect.gather [hbm4b:s6+s16], $0x40, s16, s16, $0xb8;
	[tilespmem:$0x1C000] =	vst v63  }
0x26: {  	s18 =	simm.s32 $0x100  }
0x27: {  	[tilespmem:s19], [sflag:$0x3] =	stream.indirect.gather [hbm4b:s6+s16], $0x40, s18, s16, $0xb8;
	[tilespmem:$0x1C000] =	vst v63  }
0x28: {  	s25 =	simm.s32 $0x180  }
0x29: {  	[tilespmem:s21], [sflag:$0x4] =	stream.indirect.gather [hbm4b:s6+s16], $0x40, s25, s16, $0xb8;
	[tilespmem:$0x1C000] =	vst v63  }
0x2a: {  	_ = 	snop  }
0x2b: {  	[spmem:s7] =	stream.linear.scatter [tilespmem:s22], [sflag:$0x9], $0x2000, $0x38;
	[tilespmem:$0x1C000] =	vst v63  }
0x2c: {  	_ =	swait.ge [sflag:s14], $0x2000  }
0x2d: {  	[sflag:s14] =	ssyncset.done $0x0  }
0x2e: {  	[sflag:s14] =	ssyncadd.s32 $0xFFFFE000  }
0x2f: {  	[spmem:s8] =	stream.linear.scatter [tilespmem:s22], [sflag:$0x9], $0x2000, $0x38;
	[tilespmem:$0x1C000] =	vst v63  }
0x30: {  	_ =	swait.ge [sflag:s14], $0x2000  }
0x31: {  	[sflag:s14] =	ssyncset.done $0x0  }
0x32: {  	[sflag:s14] =	ssyncadd.s32 $0xFFFFE000  }
0x33: {  	[spmem:s9] =	stream.linear.scatter [tilespmem:s22], [sflag:$0x9], $0x2000, $0x38;
	[tilespmem:$0x1C000] =	vst v63  }
0x34: {  	_ =	swait.ge [sflag:s14], $0x2000  }
0x35: {  	[sflag:s14] =	ssyncset.done $0x0  }
0x36: {  	[sflag:s14] =	ssyncadd.s32 $0xFFFFE000  }
0x37: {  	[spmem:s10] =	stream.linear.scatter [tilespmem:s22], [sflag:$0x9], $0x2000, $0x38;
	[tilespmem:$0x1C000] =	vst v63  }
0x38: {  	_ =	swait.ge [sflag:s14], $0x2000  }
0x39: {  	[sflag:s14] =	ssyncset.done $0x0  }
0x3a: {  	[sflag:s14] =	ssyncadd.s32 $0xFFFFE000  }
0x3b: {  	[spmem:s11] =	stream.linear.scatter [tilespmem:s22], [sflag:$0x9], $0x2000, $0x38;
	[tilespmem:$0x1C000] =	vst v63  }
0x3c: {  	_ =	swait.ge [sflag:s14], $0x2000  }
0x3d: {  	[sflag:s14] =	ssyncset.done $0x0  }
0x3e: {  	[sflag:s14] =	ssyncadd.s32 $0xFFFFE000  }
0x3f: {  	[tilespmem:s22], [sflag:$0x1] =	stream.indirect.gather [hbm4b:s6+s16], $0x40, s1, s16, $0xb8;
	[tilespmem:$0x1C000] =	vst v63  }
0x40: {  	[bflag:$0x0] =	sbarrier.arrive $0xFFFF  }
0x41: {  	_ =	swait.ge [sflag:s23], $0x2000  }
0x42: {  	[sflag:s23] =	ssyncset.done $0x0  }
0x43: {  	[sflag:s23] =	ssyncadd.s32 $0xFFFFE000  }
0x44: {  	[spmem:s2] =	stream.indirect.scatter.add.f32 [tilespmem:s22], [sflag:$0x5], $0x40, s15, s16, $0xb8;
	[tilespmem:$0x1C000] =	vst v63  }
0x45: {  	_ =	swait.ge [sflag:s24], $0x2000  }
0x46: {  	[sflag:s24] =	ssyncset.done $0x0  }
0x47: {  	s25 =	simm.s32 $0x5080;
	[sflag:s24] =	ssyncadd.s32 $0xFFFFE000  }
0x48: {  	[spmem:s2] =	stream.indirect.scatter.add.f32 [tilespmem:s17], [sflag:$0x6], $0x40, s25, s16, $0xb8;
	[tilespmem:$0x1C000] =	vst v63  }
0x49: {  	_ =	swait.ge [sflag:s26], $0x2000  }
0x4a: {  	[sflag:s26] =	ssyncset.done $0x0  }
0x4b: {  	s18 =	simm.s32 $0x200;
	[sflag:s26] =	ssyncadd.s32 $0xFFFFE000  }
0x4c: {  	[tilespmem:s22], [sflag:$0x1] =	stream.indirect.gather [hbm4b:s6+s16], $0x40, s18, s16, $0xb8;
	[tilespmem:$0x1C000] =	vst v63  }
0x4d: {  	_ =	swait.ge [sflag:s29], $0x2000  }
0x4e: {  	[sflag:s29] =	ssyncset.done $0x0  }
0x4f: {  	s25 =	simm.s32 $0x5100;
	[sflag:s29] =	ssyncadd.s32 $0xFFFFE000  }
0x50: {  	[spmem:s2] =	stream.indirect.scatter.add.f32 [tilespmem:s19], [sflag:$0x7], $0x40, s25, s16, $0xb8;
	[tilespmem:$0x1C000] =	vst v63  }
0x51: {  	_ =	swait.ge [sflag:s31], $0x2000  }
0x52: {  	[sflag:s31] =	ssyncset.done $0x0  }
0x53: {  	s18 =	simm.s32 $0x280;
	[sflag:s31] =	ssyncadd.s32 $0xFFFFE000  }
0x54: {  	[tilespmem:s17], [sflag:$0x2] =	stream.indirect.gather [hbm4b:s6+s16], $0x40, s18, s16, $0xb8;
	[tilespmem:$0x1C000] =	vst v63  }
0x55: {  	_ =	swait.ge [sflag:s0], $0x2000  }
0x56: {  	[sflag:s0] =	ssyncset.done $0x0  }
0x57: {  	s25 =	simm.s32 $0x5180;
	[sflag:s0] =	ssyncadd.s32 $0xFFFFE000  }
0x58: {  	[spmem:s2] =	stream.indirect.scatter.add.f32 [tilespmem:s21], [sflag:$0x8], $0x40, s25, s16, $0xb8;
	[tilespmem:$0x1C000] =	vst v63  }
0x59: {  	_ =	swait.ge [sflag:s20], $0x2000  }
0x5a: {  	[sflag:s20] =	ssyncset.done $0x0  }
0x5b: {  	s18 =	simm.s32 $0x300;
	[sflag:s20] =	ssyncadd.s32 $0xFFFFE000  }
0x5c: {  	[tilespmem:s19], [sflag:$0x3] =	stream.indirect.gather [hbm4b:s6+s16], $0x40, s18, s16, $0xb8;
	[tilespmem:$0x1C000] =	vst v63  }
0x5d: {  	_ =	swait.ge [sflag:s23], $0x2000  }
0x5e: {  	[sflag:s23] =	ssyncset.done $0x0  }
0x5f: {  	s25 =	simm.s32 $0x5200;
	[sflag:s23] =	ssyncadd.s32 $0xFFFFE000  }
0x60: {  	[spmem:s2] =	stream.indirect.scatter.add.f32 [tilespmem:s22], [sflag:$0x5], $0x40, s25, s16, $0xb8;
	[tilespmem:$0x1C000] =	vst v63  }
0x61: {  	_ =	swait.ge [sflag:s28], $0x2000  }
0x62: {  	[sflag:s28] =	ssyncset.done $0x0  }
0x63: {  	s18 =	simm.s32 $0x380;
	[sflag:s28] =	ssyncadd.s32 $0xFFFFE000  }
0x64: {  	[tilespmem:s21], [sflag:$0x4] =	stream.indirect.gather [hbm4b:s6+s16], $0x40, s18, s16, $0xb8;
	[tilespmem:$0x1C000] =	vst v63  }
0x65: {  	_ =	swait.ge [sflag:s24], $0x2000  }
0x66: {  	[sflag:s24] =	ssyncset.done $0x0  }
0x67: {  	s25 =	simm.s32 $0x5280;
	[sflag:s24] =	ssyncadd.s32 $0xFFFFE000  }
0x68: {  	[spmem:s2] =	stream.indirect.scatter.add.f32 [tilespmem:s17], [sflag:$0x6], $0x40, s25, s16, $0xb8;
	[tilespmem:$0x1C000] =	vst v63  }
0x69: {  	_ =	swait.ge [sflag:s26], $0x2000  }
0x6a: {  	[sflag:s26] =	ssyncset.done $0x0  }
0x6b: {  	s18 =	simm.s32 $0x400;
	[sflag:s26] =	ssyncadd.s32 $0xFFFFE000  }
0x6c: {  	[tilespmem:s22], [sflag:$0x1] =	stream.indirect.gather [hbm4b:s6+s16], $0x40, s18, s16, $0xb8;
	[tilespmem:$0x1C000] =	vst v63  }
0x6d: {  	_ =	swait.ge [sflag:s29], $0x2000  }
0x6e: {  	[sflag:s29] =	ssyncset.done $0x0  }
0x6f: {  	s25 =	simm.s32 $0x5300;
	[sflag:s29] =	ssyncadd.s32 $0xFFFFE000  }
0x70: {  	[spmem:s2] =	stream.indirect.scatter.add.f32 [tilespmem:s19], [sflag:$0x7], $0x40, s25, s16, $0xb8;
	[tilespmem:$0x1C000] =	vst v63  }
0x71: {  	_ =	swait.ge [sflag:s31], $0x2000  }
0x72: {  	[sflag:s31] =	ssyncset.done $0x0  }
0x73: {  	s18 =	simm.s32 $0x480;
	[sflag:s31] =	ssyncadd.s32 $0xFFFFE000  }
0x74: {  	[tilespmem:s17], [sflag:$0x2] =	stream.indirect.gather [hbm4b:s6+s16], $0x40, s18, s16, $0xb8;
	[tilespmem:$0x1C000] =	vst v63  }
0x75: {  	_ =	swait.ge [sflag:s0], $0x2000  }
0x76: {  	[sflag:s0] =	ssyncset.done $0x0  }
0x77: {  	s25 =	simm.s32 $0x5380;
	[sflag:s0] =	ssyncadd.s32 $0xFFFFE000  }
0x78: {  	[spmem:s2] =	stream.indirect.scatter.add.f32 [tilespmem:s21], [sflag:$0x8], $0x40, s25, s16, $0xb8;
	[tilespmem:$0x1C000] =	vst v63  }
0x79: {  	_ =	swait.ge [sflag:s20], $0x2000  }
0x7a: {  	[sflag:s20] =	ssyncset.done $0x0  }
0x7b: {  	s1 =	simm.s32 $0x800;
	s18 =	simm.s32 $0x500;
	[sflag:s20] =	ssyncadd.s32 $0xFFFFE000  }
.LBB2_4:
0x7c: {  	[tilespmem:s19], [sflag:$0x3] =	stream.indirect.gather [hbm4b:s6+s16], $0x40, s18, s16, $0xb8;
	[tilespmem:$0x1C000] =	vst v63  }
0x7d: {  	s18 =	smov.u32 s1  }
0x7e: {  	p0 =	sne.s32 s1, $0x12800;
	s1 =	sadd.s32 $0x800, s1;
	_ =	swait.ge [sflag:s23], $0x2000  }
0x7f: {  	s18 =	sshra.s32 s18, $0x2;
	[sflag:s23] =	ssyncset.done $0x0  }
0x80: {  	s25 =	sadd.s32 $0x5200, s18;
	[sflag:s23] =	ssyncadd.s32 $0xFFFFE000  }
0x81: {  	[spmem:s2] =	stream.indirect.scatter.add.f32 [tilespmem:s22], [sflag:$0x5], $0x40, s25, s16, $0xb8;
	[tilespmem:$0x1C000] =	vst v63  }
0x82: {  	_ =	swait.ge [sflag:s28], $0x2000  }
0x83: {  	[sflag:s28] =	ssyncset.done $0x0  }
0x84: {  	s25 =	sadd.s32 $0x380, s18;
	[sflag:s28] =	ssyncadd.s32 $0xFFFFE000  }
0x85: {  	[tilespmem:s21], [sflag:$0x4] =	stream.indirect.gather [hbm4b:s6+s16], $0x40, s25, s16, $0xb8;
	[tilespmem:$0x1C000] =	vst v63  }
0x86: {  	_ =	swait.ge [sflag:s24], $0x2000  }
0x87: {  	[sflag:s24] =	ssyncset.done $0x0  }
0x88: {  	s25 =	sadd.s32 $0x5280, s18;
	[sflag:s24] =	ssyncadd.s32 $0xFFFFE000  }
0x89: {  	[spmem:s2] =	stream.indirect.scatter.add.f32 [tilespmem:s17], [sflag:$0x6], $0x40, s25, s16, $0xb8;
	[tilespmem:$0x1C000] =	vst v63  }
0x8a: {  	_ =	swait.ge [sflag:s26], $0x2000  }
0x8b: {  	[sflag:s26] =	ssyncset.done $0x0  }
0x8c: {  	s25 =	sadd.s32 $0x400, s18;
	[sflag:s26] =	ssyncadd.s32 $0xFFFFE000  }
0x8d: {  	[tilespmem:s22], [sflag:$0x1] =	stream.indirect.gather [hbm4b:s6+s16], $0x40, s25, s16, $0xb8;
	[tilespmem:$0x1C000] =	vst v63  }
0x8e: {  	_ =	swait.ge [sflag:s29], $0x2000  }
0x8f: {  	[sflag:s29] =	ssyncset.done $0x0  }
0x90: {  	s25 =	sadd.s32 $0x5300, s18;
	[sflag:s29] =	ssyncadd.s32 $0xFFFFE000  }
0x91: {  	[spmem:s2] =	stream.indirect.scatter.add.f32 [tilespmem:s19], [sflag:$0x7], $0x40, s25, s16, $0xb8;
	[tilespmem:$0x1C000] =	vst v63  }
0x92: {  	_ =	swait.ge [sflag:s31], $0x2000  }
0x93: {  	[sflag:s31] =	ssyncset.done $0x0  }
0x94: {  	s25 =	sadd.s32 $0x480, s18;
	[sflag:s31] =	ssyncadd.s32 $0xFFFFE000  }
0x95: {  	[tilespmem:s17], [sflag:$0x2] =	stream.indirect.gather [hbm4b:s6+s16], $0x40, s25, s16, $0xb8;
	[tilespmem:$0x1C000] =	vst v63  }
0x96: {  	_ =	swait.ge [sflag:s0], $0x2000  }
0x97: {  	[sflag:s0] =	ssyncset.done $0x0  }
.Ltmp1:
0x98: {  	s25 =	sadd.s32 $0x5380, s18;
	[sflag:s0] =	ssyncadd.s32 $0xFFFFE000;
	(pc) =	sbr.rel @p0 .LBB2_4-.Ltmp1, $4  }
0x99: {  	[spmem:s2] =	stream.indirect.scatter.add.f32 [tilespmem:s21], [sflag:$0x8], $0x40, s25, s16, $0xb8;
	[tilespmem:$0x1C000] =	vst v63  }
0x9a: {  	_ =	swait.ge [sflag:s20], $0x2000  }
0x9b: {  	[sflag:s20] =	ssyncset.done $0x0  }
0x9c: {  	s18 =	sadd.s32 $0x500, s18;
	[sflag:s20] =	ssyncadd.s32 $0xFFFFE000  }
0x9d: {  	[tilespmem:s19], [sflag:$0x3] =	stream.indirect.gather [hbm4b:s6+s16], $0x40, s18, s16, $0xb8;
	[tilespmem:$0x1C000] =	vst v63  }
0x9e: {  	_ =	swait.ge [sflag:s28], $0x2000  }
0x9f: {  	[sflag:s28] =	ssyncset.done $0x0  }
0xa0: {  	s1 =	simm.s32 $0x4F80;
	[sflag:s28] =	ssyncadd.s32 $0xFFFFE000  }
0xa1: {  	[tilespmem:s21], [sflag:$0x4] =	stream.indirect.gather [hbm4b:s6+s16], $0x40, s1, s16, $0xb8;
	[tilespmem:$0x1C000] =	vst v63  }
0xa2: {  	_ =	swait.ge [sflag:s23], $0x2000  }
0xa3: {  	[sflag:s23] =	ssyncset.done $0x0  }
0xa4: {  	s25 =	simm.s32 $0x9E00;
	[sflag:s23] =	ssyncadd.s32 $0xFFFFE000  }
0xa5: {  	[spmem:s2] =	stream.indirect.scatter.add.f32 [tilespmem:s22], [sflag:$0x9], $0x40, s25, s16, $0xb8;
	[tilespmem:$0x1C000] =	vst v63  }
0xa6: {  	_ =	swait.ge [sflag:s14], $0x2000  }
0xa7: {  	[sflag:s14] =	ssyncset.done $0x0  }
0xa8: {  	[sflag:s14] =	ssyncadd.s32 $0xFFFFE000  }
0xa9: {  	_ =	swait.ge [sflag:s24], $0x2000  }
0xaa: {  	[sflag:s24] =	ssyncset.done $0x0  }
0xab: {  	s18 =	simm.s32 $0x9E80;
	[sflag:s24] =	ssyncadd.s32 $0xFFFFE000  }
0xac: {  	[spmem:s2] =	stream.indirect.scatter.add.f32 [tilespmem:s17], [sflag:$0x9], $0x40, s18, s16, $0xb8;
	[tilespmem:$0x1C000] =	vst v63  }
0xad: {  	_ =	swait.ge [sflag:s14], $0x2000  }
0xae: {  	[sflag:s14] =	ssyncset.done $0x0  }
0xaf: {  	[sflag:s14] =	ssyncadd.s32 $0xFFFFE000  }
0xb0: {  	_ =	swait.ge [sflag:s29], $0x2000  }
0xb1: {  	[sflag:s29] =	ssyncset.done $0x0  }
0xb2: {  	s25 =	simm.s32 $0x9F00;
	[sflag:s29] =	ssyncadd.s32 $0xFFFFE000  }
0xb3: {  	[spmem:s2] =	stream.indirect.scatter.add.f32 [tilespmem:s19], [sflag:$0x9], $0x40, s25, s16, $0xb8;
	[tilespmem:$0x1C000] =	vst v63  }
0xb4: {  	_ =	swait.ge [sflag:s14], $0x2000  }
0xb5: {  	[sflag:s14] =	ssyncset.done $0x0  }
0xb6: {  	[sflag:s14] =	ssyncadd.s32 $0xFFFFE000  }
0xb7: {  	_ =	swait.ge [sflag:s0], $0x2000  }
0xb8: {  	[sflag:s0] =	ssyncset.done $0x0  }
0xb9: {  	[sflag:s0] =	ssyncadd.s32 $0xFFFFE000  }
0xba: {  	[spmem:s2] =	stream.indirect.scatter.add.f32 [tilespmem:s21], [sflag:$0x9], $0x40, s30, s16, $0xb8;
	[tilespmem:$0x1C000] =	vst v63  }
0xbb: {  	s18 =	stileid.u32;
	_ =	swait.ge [sflag:s14], $0x2000  }
0xbc: {  	s3 =	sadd.s32 $0x1, s3;
	s1 =	sshll.u32 s18, $0x6;
	[sflag:s14] =	ssyncset.done $0x0  }
0xbd: {  	p0 =	sne.s32 s3, s13;
	s1 =	sor.u32 $0x1C09, s1;
	[sflag:s14] =	ssyncadd.s32 $0xFFFFE000  }
.Ltmp2:
0xbe: {  	s25 =	sshrl.u32 s7, $0x3;
	[bflag:$0x0] =	sbarrier.arrive $0xFFFF;
	(pc) =	sbr.rel @p0 .LBB2_1-.Ltmp2, $4  }
0xbf: {  	[hbm:s12], [sflag:s1] =	dma.local [spmem:s25], $0x1400  }
0xc0: {  	_ =	swait.ge [sflag:s14], $0x1400  }
0xc1: {  	[sflag:s14] =	ssyncset.done $0x0  }
0xc2: {  	[sflag:s14] =	ssyncadd.s32 $0xFFFFEC00  }
0xc3: {  	_ =	sfence.sel $0x180000  }
0xc4: {  	[bflag:$0x0] =	sbarrier.arrive $0xFFFF  }
0xc5: {  	_ =	strace $0x9000004A  }
0xc6: {  	s0 =	stileid.u32;
	[bflag:$0x2] =	sbarrier.arrive $0xFFFF  }
0xc7: {  	p0 =	sne.s32 s0, $0x0;
	s0 =	rddreg [dreg:$0x3]  }
0xc8: {  	s0 =	sadd.s32 @!p0 $0x100000, s0  }
0xc9: {  	[sflag:s0] =	ssyncadd.tile.s32 @!p0 $0x1;
	_ =	shalt  }
.Lfunc_end2:
_tile_overlayer_lowered:
.L_overlay_start_2:
0xca: {  	(tag) =	ssettag $0x2  }
0xcb: {  	s0 =	rddreg [dreg:$0x0];
	s2 =	stileid.u32  }
0xcc: {  	s1 =	rddreg [dreg:$0x1];
	p0 =	sne.s32 s2, $0x0  }
0xcd: {  	s3 =	rddreg [dreg:$0x2];
	[bflag:$0x3] =	sbarrier.arrive $0xFFFF;
	s2 =	simm.s32 @!p0 $0x1C09  }
0xce: {  	[timem:s3], [sflag:s2] =	dma.local @!p0 [hbm:s0], s1  }
0xcf: {  	s0 =	simm.s32 @!p0 $0x9  }
0xd0: {  	_ =	swait.ge @!p0 [sflag:s0], s1  }
0xd1: {  	s1 =	ssub.s32 @!p0 $0x0, s1;
	[sflag:s0] =	ssyncset.done @!p0 $0x0  }
0xd2: {  	[sflag:s0] =	ssyncadd.s32 @!p0 s1  }
0xd3: {  	[bflag:$0x3] =	sbarrier.arrive $0xFFFF  }
0xd4: {  	_ =	shalt  }

</sc_bundles>
